<compile_context>
chip_gen: v7x
topology: tpu7x:2x2x1
jax: 0.10.2.dev20260603
libtpu: 0.0.44.dev20260713+nightly
codegen_flags: <defaults>
</compile_context>

<pallas_src>
import functools

import jax
import jax.numpy as jnp
from jax import lax
from jax.experimental import pallas as pl
from jax.experimental.pallas import tpu as pltpu
from jax.experimental.pallas import tpu_sc as plsc

N = 10000
E = 320000
D = 128
NC, NS = 2, 16
NW = NC * NS
EW = E // NW
K = 128
CH = -(-EW // K)
EWP = CH * K
NACC = N + 128
SHALF = (CH // 2 + 1) * K
CH_A = SHALF // K
CH_B = CH - CH_A
OUT_OFF = 624
OUT_WIN = 640
XCH = 128
XNJ = OUT_WIN // XCH


def _sc_mesh():
    return plsc.VectorSubcoreMesh(
        core_axis_name="c", subcore_axis_name="s", num_cores=NC, num_subcores=NS
    )


@functools.cache
def _get_deg_kernel():
    return functools.partial(
        pl.kernel,
        out_type=(
            jax.ShapeDtypeStruct((NC * N,), jnp.float32),
            jax.ShapeDtypeStruct((N, D), jnp.float32),
        ),
        mesh=_sc_mesh(),
        scratch_types=[
            pltpu.VMEM((CH, K), jnp.int32),
            pltpu.VMEM((K,), jnp.float32),
            pltpu.VMEM((OUT_WIN,), jnp.int32),
            pltpu.VMEM((XCH, D), jnp.float32),
            pltpu.VMEM((XCH, D), jnp.float32),
            pltpu.VMEM((OUT_WIN,), jnp.float32),
            pltpu.VMEM_SHARED((NACC,), jnp.float32),
            pltpu.SemaphoreType.DMA,
        ],
    )(_deg_body)


def _deg_body(dst_hbm, x_hbm, emb_hbm, ones_hbm, deg_out, emb_out,
              dst_v, ones_v, x_v, erows_a, erows_b, stage_v, acc_sh, sem):
    c = lax.axis_index("c")
    s = lax.axis_index("s")
    wid = c * NS + s

    def _egather(j, buf):
        idx = x_v.at[pl.ds(j * XCH, XCH)]
        pltpu.async_copy(emb_hbm.at[idx], buf, sem)

    def _ewait(j, buf):
        idx = x_v.at[pl.ds(j * XCH, XCH)]
        pltpu.make_async_copy(emb_hbm.at[idx], buf, sem).wait()

    pltpu.sync_copy(dst_hbm.at[wid], dst_v)
    pltpu.sync_copy(ones_hbm, ones_v)

    @pl.when(c == 0)
    def _():
        pltpu.sync_copy(x_hbm.at[pl.ds(s * OUT_OFF, OUT_WIN)], x_v)
        _egather(0, erows_a)

    for j in range(OUT_WIN // 16):
        stage_v[pl.ds(16 * j, 16)] = jnp.zeros((16,), jnp.float32)
    pltpu.sync_copy(stage_v, acc_sh.at[pl.ds(s * OUT_OFF, OUT_WIN)])

    plsc.subcore_barrier()

    @pl.loop(0, CH)
    def _(i):
        pltpu.sync_copy(ones_v, acc_sh.at[dst_v.at[i]], add=True)

    @pl.when(c == 0)
    def _():
        bufs = (erows_a, erows_b)
        for j in range(XNJ):
            _ewait(j, bufs[j % 2])
            if j + 1 < XNJ:
                _egather(j + 1, bufs[(j + 1) % 2])
            pltpu.sync_copy(
                bufs[j % 2], emb_out.at[pl.ds(s * OUT_OFF + j * XCH, XCH)])

    plsc.subcore_barrier()
    pltpu.sync_copy(acc_sh.at[pl.ds(s * OUT_OFF, OUT_WIN)], stage_v)
    pltpu.sync_copy(stage_v, deg_out.at[pl.ds(c * N + s * OUT_OFF, OUT_WIN)])


@functools.cache
def _get_msgpass_kernel():
    return functools.partial(
        pl.kernel,
        out_type=jax.ShapeDtypeStruct((NC, N, D), jnp.float32),
        mesh=_sc_mesh(),
        scratch_types=[
            pltpu.VMEM((SHALF,), jnp.int32),
            pltpu.VMEM((CH, K), jnp.int32),
            pltpu.VMEM((K, D), jnp.float32),
            pltpu.VMEM((K, D), jnp.float32),
            pltpu.VMEM_SHARED((NACC, D), jnp.float32),
            pltpu.SemaphoreType.DMA,
            pltpu.SemaphoreType.DMA,
        ],
    )(_msgpass_body)


def _msgpass_body(h_hbm, src_hbm, dst_hbm, zero_hbm, out_hbm,
                  src_v, dst_v, rows_a, rows_b, acc_sh, sem_a, sem_b):
    c = lax.axis_index("c")
    s = lax.axis_index("s")
    wid = c * NS + s
    win = pl.ds(s * OUT_OFF, OUT_WIN)

    def _gather(i, base, buf, sem):
        idx = src_v.at[pl.ds((i - base) * K, K)]
        pltpu.async_copy(h_hbm.at[idx], buf, sem)

    def _gwait(i, base, buf, sem):
        idx = src_v.at[pl.ds((i - base) * K, K)]
        pltpu.make_async_copy(h_hbm.at[idx], buf, sem).wait()

    pltpu.sync_copy(src_hbm.at[pl.ds(wid * EWP, SHALF)], src_v)
    _gather(0, 0, rows_a, sem_a)
    _gather(1, 0, rows_b, sem_b)
    pltpu.sync_copy(dst_hbm.at[wid], dst_v)
    @pl.when(c == 0)
    def _():
        pltpu.sync_copy(h_hbm.at[win], acc_sh.at[win])

    @pl.when(c != 0)
    def _():
        pltpu.sync_copy(zero_hbm.at[win], acc_sh.at[win])

    plsc.subcore_barrier()

    @pl.loop(0, CH_A // 2 - 1)
    def _(t):
        i0 = 2 * t
        _gwait(i0, 0, rows_a, sem_a)
        pltpu.sync_copy(rows_a, acc_sh.at[dst_v.at[i0]], add=True)
        _gather(i0 + 2, 0, rows_a, sem_a)
        _gwait(i0 + 1, 0, rows_b, sem_b)
        pltpu.sync_copy(rows_b, acc_sh.at[dst_v.at[i0 + 1]], add=True)

        @pl.when(t < CH_A // 2 - 1)
        def _():
            _gather(i0 + 3, 0, rows_b, sem_b)

    _gwait(CH_A - 2, 0, rows_a, sem_a)
    pltpu.sync_copy(rows_a, acc_sh.at[dst_v.at[CH_A - 2]], add=True)
    _gwait(CH_A - 1, 0, rows_b, sem_b)
    pltpu.sync_copy(rows_b, acc_sh.at[dst_v.at[CH_A - 1]], add=True)

    pltpu.sync_copy(
        src_hbm.at[pl.ds(wid * EWP + SHALF, EWP - SHALF)],
        src_v.at[pl.ds(0, EWP - SHALF)])
    _gather(CH_A, CH_A, rows_a, sem_a)
    _gather(CH_A + 1, CH_A, rows_b, sem_b)

    @pl.loop(0, CH_B // 2)
    def _(t):
        i0 = CH_A + 2 * t
        _gwait(i0, CH_A, rows_a, sem_a)
        pltpu.sync_copy(rows_a, acc_sh.at[dst_v.at[i0]], add=True)
        _gather(i0 + 2, CH_A, rows_a, sem_a)
        _gwait(i0 + 1, CH_A, rows_b, sem_b)
        pltpu.sync_copy(rows_b, acc_sh.at[dst_v.at[i0 + 1]], add=True)

        @pl.when(t < CH_B // 2 - 1)
        def _():
            _gather(i0 + 3, CH_A, rows_b, sem_b)

    _gwait(CH - 1, CH_A, rows_a, sem_a)
    pltpu.sync_copy(rows_a, acc_sh.at[dst_v.at[CH - 1]], add=True)

    plsc.subcore_barrier()
    pltpu.sync_copy(acc_sh.at[win], out_hbm.at[c, win])


RB = 1000
_GRID = N // RB


def _dinv_block(d0_ref, d1_ref):
    d = 1.0 + d0_ref[0] + d1_ref[0]
    return lax.rsqrt(d)


def _mm_scale_body(emb_ref, w_ref, d0_ref, d1_ref, out_ref):
    dinv = _dinv_block(d0_ref, d1_ref)
    h = jnp.dot(emb_ref[...], w_ref[...], preferred_element_type=jnp.float32)
    out_ref[...] = h * dinv


def _mid_body(s_ref, d0_ref, d1_ref, b_ref, w_ref, out_ref):
    dinv = _dinv_block(d0_ref, d1_ref)
    conv = dinv * (s_ref[0] + s_ref[1]) + b_ref[...]
    h = jnp.maximum(conv, 0.0)
    h2 = jnp.dot(h, w_ref[...], preferred_element_type=jnp.float32)
    out_ref[...] = h2 * dinv


def _final_body(s_ref, d0_ref, d1_ref, b_ref, mu_ref, lv_ref):
    dinv = _dinv_block(d0_ref, d1_ref)
    out = dinv * (s_ref[0] + s_ref[1]) + b_ref[...]
    mu_ref[...] = out[:, : D // 2]
    lv_ref[...] = out[:, D // 2 :]


def _tc_call(body, in_specs, out_specs, out_shape):
    return pl.pallas_call(
        body,
        grid=(_GRID,),
        in_specs=in_specs,
        out_specs=out_specs,
        out_shape=out_shape,
    )


_spec_rows = pl.BlockSpec((RB, D), lambda i: (i, 0))
_spec_w = pl.BlockSpec((D, D), lambda i: (0, 0))
_spec_degm = pl.BlockSpec((1, RB, 1), lambda i: (i, 0, 0))
_spec_b = pl.BlockSpec((1, D), lambda i: (0, 0))
_spec_s = pl.BlockSpec((NC, RB, D), lambda i: (0, i, 0))
_spec_half = pl.BlockSpec((RB, D // 2), lambda i: (i, 0))


def kernel(x, edge_index, emb_table, W1, b1, Wmu, bmu, Wlv, blv):
    f32 = jnp.float32
    i32 = jnp.int32
    npad = EWP - EW
    pad_src = (jnp.arange(NW, dtype=i32)[:, None] * 113
               + jnp.arange(npad, dtype=i32)[None, :]) % N
    src1 = jnp.concatenate(
        [edge_index[0].reshape(NW, EW), pad_src], axis=1).reshape(-1)
    pad_dst = jnp.broadcast_to(
        N + jnp.arange(npad, dtype=i32)[None, :], (NW, npad))
    dst3 = jnp.concatenate(
        [edge_index[1].reshape(NW, EW), pad_dst], axis=1).reshape(NW, CH, K)
    ones1 = jnp.ones((K,), f32)
    zero_d = jnp.zeros((N, D), f32)
    W2 = jnp.concatenate([Wmu, Wlv], axis=1)
    b2 = jnp.concatenate([bmu, blv]).reshape(1, D)
    b1r = b1.reshape(1, D)

    deg1d, emb = _get_deg_kernel()(dst3, x, emb_table, ones1)
    d0 = deg1d[:N].reshape(_GRID, RB, 1)
    d1 = deg1d[N:].reshape(_GRID, RB, 1)

    h1p = _tc_call(
        _mm_scale_body,
        [_spec_rows, _spec_w, _spec_degm, _spec_degm],
        pl.BlockSpec((RB, D), lambda i: (i, 0)),
        jax.ShapeDtypeStruct((N, D), f32),
    )(emb, W1, d0, d1)

    s1 = _get_msgpass_kernel()(h1p, src1, dst3, zero_d)

    h2p = _tc_call(
        _mid_body,
        [_spec_s, _spec_degm, _spec_degm, _spec_b, _spec_w],
        pl.BlockSpec((RB, D), lambda i: (i, 0)),
        jax.ShapeDtypeStruct((N, D), f32),
    )(s1, d0, d1, b1r, W2)

    s2 = _get_msgpass_kernel()(h2p, src1, dst3, zero_d)

    mu, lv = _tc_call(
        _final_body,
        [_spec_s, _spec_degm, _spec_degm, _spec_b],
        [_spec_half, _spec_half],
        (
            jax.ShapeDtypeStruct((N, D // 2), f32),
            jax.ShapeDtypeStruct((N, D // 2), f32),
        ),
    )(s2, d0, d1, b2)

    return (mu, lv)

# --- scband reference (transcript-rebuilt; emitter-appended) ---
"""Pipeline reference for scband-embedding-encoder-10187662426178 (READ-ONLY COPY).

The authoritative reference and input builder live on the scoring server;
editing this copy changes nothing except your own understanding.
"""

import jax, jax.numpy as jnp
import numpy as np

N_NODES = 10000
N_EDGES = 320000
EMB_DIM = 128
OUT_CH = 64


def gcn_conv(x, edge_index, W, b):
    # Faithful PyG GCNConv: add self-loops, symmetric normalization, scatter-add to dst, add bias.
    n = x.shape[0]
    loops = jnp.arange(n, dtype=edge_index.dtype)
    ei = jnp.concatenate([edge_index, jnp.stack([loops, loops])], axis=1)
    src, dst = ei[0], ei[1]
    deg = jnp.zeros((n,), dtype=x.dtype).at[dst].add(1.0)
    dinv = jnp.where(deg > 0, jax.lax.rsqrt(deg), 0.0)
    norm = dinv[src] * dinv[dst]
    h = x @ W
    msg = h[src] * norm[:, None]
    out = jnp.zeros((n, W.shape[1]), dtype=x.dtype).at[dst].add(msg)
    return out + b


def setup_inputs(seed: int = 0) -> dict:
    key = jax.random.key(seed)
    ks = jax.random.split(key, 8)
    x = jnp.arange(N_NODES, dtype=jnp.int32)
    edge_index = jax.random.randint(ks[0], (2, N_EDGES), 0, N_NODES, dtype=jnp.int32)
    emb_table = jax.random.normal(ks[1], (N_NODES, EMB_DIM), dtype=jnp.float32)
    W1 = jax.random.normal(ks[2], (EMB_DIM, 2 * OUT_CH), dtype=jnp.float32) * 0.05
    b1 = jnp.zeros((2 * OUT_CH,), dtype=jnp.float32)
    Wmu = jax.random.normal(ks[3], (2 * OUT_CH, OUT_CH), dtype=jnp.float32) * 0.05
    bmu = jnp.zeros((OUT_CH,), dtype=jnp.float32)
    Wlv = jax.random.normal(ks[4], (2 * OUT_CH, OUT_CH), dtype=jnp.float32) * 0.05
    blv = jnp.zeros((OUT_CH,), dtype=jnp.float32)
    return {"x": x, "edge_index": edge_index, "emb_table": emb_table, "W1": W1, "b1": b1, "Wmu": Wmu, "bmu": bmu, "Wlv": Wlv, "blv": blv}


def reference(x, edge_index, emb_table, W1, b1, Wmu, bmu, Wlv, blv):
    emb = emb_table[x]
    h = jax.nn.relu(gcn_conv(emb, edge_index, W1, b1))
    mu = gcn_conv(h, edge_index, Wmu, bmu)
    logvar = gcn_conv(h, edge_index, Wlv, blv)
    return (mu, logvar)

if __name__ == "__main__":
    import jax
    _d = setup_inputs()
    print(jax.jit(kernel)(*tuple(_d.values())))

</pallas_src>

<mosaic_0001>
#map = affine_map<(d0, d1) -> (0, 0)>
#map1 = affine_map<(d0, d1) -> (0)>
#map2 = affine_map<(d0, d1) -> (0, 0, 0)>
module attributes {stable_mosaic.version = 14 : i64} {
  func.func @_msgpass_body(%arg0: i32, %arg1: i32, %arg2: memref<10000x128xf32, #tpu.memory_space<hbm>>, %arg3: memref<323584xi32, #tpu.memory_space<hbm>>, %arg4: memref<32x79x128xi32, #tpu.memory_space<hbm>>, %arg5: memref<10000x128xf32, #tpu.memory_space<hbm>>, %arg6: memref<2x10000x128xf32, #tpu.memory_space<hbm>>, %arg7: memref<5120xi32, #tpu.memory_space<vmem>>, %arg8: memref<79x128xi32, #tpu.memory_space<vmem>>, %arg9: memref<128x128xf32, #tpu.memory_space<vmem>>, %arg10: memref<128x128xf32, #tpu.memory_space<vmem>>, %arg11: memref<10128x128xf32, #tpu.memory_space<vmem_shared>>, %arg12: memref<!tpu.dma_semaphore, #tpu.memory_space<semaphore_mem>>, %arg13: memref<!tpu.dma_semaphore, #tpu.memory_space<semaphore_mem>>) attributes {dimension_semantics = [#tpu.dimension_semantics<core_parallel>, #tpu.dimension_semantics<subcore_parallel>], iteration_bounds = array<i64: 2, 16>, scalar_prefetch = 0 : i64, scratch_operands = 7 : i64, tpu.core_type = #tpu.core_type<sc_vector_subcore>, window_params = [{transform_indices = #map}, {transform_indices = #map1}, {transform_indices = #map2}, {transform_indices = #map}, {transform_indices = #map2}]} {
    %mul3A = arith.constant 16 : i32
    %mul3A_0 = arith.muli %arg0, %mul3A : i32
    %add3A = arith.addi %mul3A_0, %arg1 : i32
    %mul3A_1 = arith.constant 624 : i32
    %mul3A_2 = arith.muli %arg1, %mul3A_1 : i32
    %mul3A_3 = arith.constant 10112 : i32
    %mul3A_4 = arith.muli %add3A, %mul3A_3 : i32
    "tpu.region"() ({
      %run_scoped3A_60 = tpu.sem_alloc : memref<!tpu.dma_semaphore, #tpu.memory_space<semaphore_mem>>
      %dma_start3A_61 = tpu.memref_slice %arg3[%mul3A_4] : memref<323584xi32, #tpu.memory_space<hbm>> -> memref<5120xi32, #tpu.memory_space<hbm>>
      %dma_start3A_62 = tpu.memref_slice %arg3[%mul3A_4] : memref<323584xi32, #tpu.memory_space<hbm>> -> memref<5120xi32, #tpu.memory_space<hbm>>
      tpu.enqueue_dma source(%dma_start3A_62 : memref<5120xi32, #tpu.memory_space<hbm>>) target(%arg7 : memref<5120xi32, #tpu.memory_space<vmem>>) target_semaphore(%run_scoped3A_60 : memref<!tpu.dma_semaphore, #tpu.memory_space<semaphore_mem>>)
      %dma_wait3A_63 = tpu.memref_slice %arg3[%mul3A_4] : memref<323584xi32, #tpu.memory_space<hbm>> -> memref<5120xi32, #tpu.memory_space<hbm>>
      %dma_wait3A_64 = tpu.memref_slice %arg3[%mul3A_4] : memref<323584xi32, #tpu.memory_space<hbm>> -> memref<5120xi32, #tpu.memory_space<hbm>>
      tpu.wait_dma2 semaphore(%run_scoped3A_60 : memref<!tpu.dma_semaphore, #tpu.memory_space<semaphore_mem>>) src(%dma_wait3A_64 : memref<5120xi32, #tpu.memory_space<hbm>>) dst(%arg7 : memref<5120xi32, #tpu.memory_space<vmem>>)
      tpu.yield
    }) : () -> ()
    %dma_start3A = arith.constant 0 : i32
    %dma_start3A_5 = tpu.memref_slice %arg7[%dma_start3A] : memref<5120xi32, #tpu.memory_space<vmem>> -> memref<128xi32, #tpu.memory_space<vmem>>
    %dma_start3A_6 = arith.constant 0 : i32
    %dma_start3A_7 = arith.constant 0 : i32
    %dma_start3A_8 = tpu.memref_slice %arg2[%dma_start3A_6, %dma_start3A_7] : memref<10000x128xf32, #tpu.memory_space<hbm>> -> memref<10000x128xf32, #tpu.memory_space<hbm>>
    tpu.enqueue_indirect_dma source(%dma_start3A_8 : memref<10000x128xf32, #tpu.memory_space<hbm>>) target(%arg9 : memref<128x128xf32, #tpu.memory_space<vmem>>) offsets(%dma_start3A_5 : memref<128xi32, #tpu.memory_space<vmem>>) semaphore(%arg12 : memref<!tpu.dma_semaphore, #tpu.memory_space<semaphore_mem>>)
    %dma_start3A_9 = arith.constant 128 : i32
    %dma_start3A_10 = tpu.memref_slice %arg7[%dma_start3A_9] : memref<5120xi32, #tpu.memory_space<vmem>> -> memref<128xi32, #tpu.memory_space<vmem>>
    %dma_start3A_11 = arith.constant 0 : i32
    %dma_start3A_12 = arith.constant 0 : i32
    %dma_start3A_13 = tpu.memref_slice %arg2[%dma_start3A_11, %dma_start3A_12] : memref<10000x128xf32, #tpu.memory_space<hbm>> -> memref<10000x128xf32, #tpu.memory_space<hbm>>
    tpu.enqueue_indirect_dma source(%dma_start3A_13 : memref<10000x128xf32, #tpu.memory_space<hbm>>) target(%arg10 : memref<128x128xf32, #tpu.memory_space<vmem>>) offsets(%dma_start3A_10 : memref<128xi32, #tpu.memory_space<vmem>>) semaphore(%arg13 : memref<!tpu.dma_semaphore, #tpu.memory_space<semaphore_mem>>)
    "tpu.region"() ({
      %run_scoped3A_60 = tpu.sem_alloc : memref<!tpu.dma_semaphore, #tpu.memory_space<semaphore_mem>>
      %dma_start3A_61 = arith.constant 0 : i32
      %dma_start3A_62 = arith.constant 0 : i32
      %dma_start3A_63 = tpu.memref_slice %arg4[%add3A, %dma_start3A_61, %dma_start3A_62] : memref<32x79x128xi32, #tpu.memory_space<hbm>> -> memref<1x79x128xi32, #tpu.memory_space<hbm>>
      %dma_start3A_64 = tpu.memref_squeeze %dma_start3A_63 : memref<1x79x128xi32, #tpu.memory_space<hbm>> -> memref<79x128xi32, #tpu.memory_space<hbm>>
      %dma_start3A_65 = arith.constant 0 : i32
      %dma_start3A_66 = arith.constant 0 : i32
      %dma_start3A_67 = tpu.memref_slice %arg4[%add3A, %dma_start3A_65, %dma_start3A_66] : memref<32x79x128xi32, #tpu.memory_space<hbm>> -> memref<1x79x128xi32, #tpu.memory_space<hbm>>
      %dma_start3A_68 = tpu.memref_squeeze %dma_start3A_67 : memref<1x79x128xi32, #tpu.memory_space<hbm>> -> memref<79x128xi32, #tpu.memory_space<hbm>>
      tpu.enqueue_dma source(%dma_start3A_68 : memref<79x128xi32, #tpu.memory_space<hbm>>) target(%arg8 : memref<79x128xi32, #tpu.memory_space<vmem>>) target_semaphore(%run_scoped3A_60 : memref<!tpu.dma_semaphore, #tpu.memory_space<semaphore_mem>>)
      %dma_wait3A_69 = arith.constant 0 : i32
      %dma_wait3A_70 = arith.constant 0 : i32
      %dma_wait3A_71 = tpu.memref_slice %arg4[%add3A, %dma_wait3A_69, %dma_wait3A_70] : memref<32x79x128xi32, #tpu.memory_space<hbm>> -> memref<1x79x128xi32, #tpu.memory_space<hbm>>
      %dma_wait3A_72 = tpu.memref_squeeze %dma_wait3A_71 : memref<1x79x128xi32, #tpu.memory_space<hbm>> -> memref<79x128xi32, #tpu.memory_space<hbm>>
      %dma_wait3A_73 = arith.constant 0 : i32
      %dma_wait3A_74 = arith.constant 0 : i32
      %dma_wait3A_75 = tpu.memref_slice %arg4[%add3A, %dma_wait3A_73, %dma_wait3A_74] : memref<32x79x128xi32, #tpu.memory_space<hbm>> -> memref<1x79x128xi32, #tpu.memory_space<hbm>>
      %dma_wait3A_76 = tpu.memref_squeeze %dma_wait3A_75 : memref<1x79x128xi32, #tpu.memory_space<hbm>> -> memref<79x128xi32, #tpu.memory_space<hbm>>
      tpu.wait_dma2 semaphore(%run_scoped3A_60 : memref<!tpu.dma_semaphore, #tpu.memory_space<semaphore_mem>>) src(%dma_wait3A_76 : memref<79x128xi32, #tpu.memory_space<hbm>>) dst(%arg8 : memref<79x128xi32, #tpu.memory_space<vmem>>)
      tpu.yield
    }) : () -> ()
    %eq3A = arith.constant 0 : i32
    %eq3A_14 = arith.cmpi eq, %arg0, %eq3A : i32
    %convert_element_type3A = arith.extui %eq3A_14 : i1 to i32
    %cond3A = arith.constant 0 : i32
    %cond3A_15 = arith.cmpi ne, %convert_element_type3A, %cond3A : i32
    scf.if %cond3A_15 {
      "tpu.region"() ({
        %run_scoped3A_60 = tpu.sem_alloc : memref<!tpu.dma_semaphore, #tpu.memory_space<semaphore_mem>>
        %dma_start3A_61 = arith.constant 0 : i32
        %dma_start3A_62 = tpu.memref_slice %arg11[%mul3A_2, %dma_start3A_61] : memref<10128x128xf32, #tpu.memory_space<vmem_shared>> -> memref<640x128xf32, #tpu.memory_space<vmem_shared>>
        %dma_start3A_63 = arith.constant 0 : i32
        %dma_start3A_64 = tpu.memref_slice %arg2[%mul3A_2, %dma_start3A_63] : memref<10000x128xf32, #tpu.memory_space<hbm>> -> memref<640x128xf32, #tpu.memory_space<hbm>>
        tpu.enqueue_dma source(%dma_start3A_64 : memref<640x128xf32, #tpu.memory_space<hbm>>) target(%dma_start3A_62 : memref<640x128xf32, #tpu.memory_space<vmem_shared>>) target_semaphore(%run_scoped3A_60 : memref<!tpu.dma_semaphore, #tpu.memory_space<semaphore_mem>>)
        %dma_wait3A_65 = arith.constant 0 : i32
        %dma_wait3A_66 = tpu.memref_slice %arg11[%mul3A_2, %dma_wait3A_65] : memref<10128x128xf32, #tpu.memory_space<vmem_shared>> -> memref<640x128xf32, #tpu.memory_space<vmem_shared>>
        %dma_wait3A_67 = arith.constant 0 : i32
        %dma_wait3A_68 = tpu.memref_slice %arg2[%mul3A_2, %dma_wait3A_67] : memref<10000x128xf32, #tpu.memory_space<hbm>> -> memref<640x128xf32, #tpu.memory_space<hbm>>
        tpu.wait_dma2 semaphore(%run_scoped3A_60 : memref<!tpu.dma_semaphore, #tpu.memory_space<semaphore_mem>>) src(%dma_wait3A_68 : memref<640x128xf32, #tpu.memory_space<hbm>>) dst(%dma_wait3A_66 : memref<640x128xf32, #tpu.memory_space<vmem_shared>>)
        tpu.yield
      }) : () -> ()
    } else {
    }
    %ne3A = arith.constant 0 : i32
    %ne3A_16 = arith.cmpi ne, %arg0, %ne3A : i32
    %convert_element_type3A_17 = arith.extui %ne3A_16 : i1 to i32
    %cond3A_18 = arith.constant 0 : i32
    %cond3A_19 = arith.cmpi ne, %convert_element_type3A_17, %cond3A_18 : i32
    scf.if %cond3A_19 {
      "tpu.region"() ({
        %run_scoped3A_60 = tpu.sem_alloc : memref<!tpu.dma_semaphore, #tpu.memory_space<semaphore_mem>>
        %dma_start3A_61 = arith.constant 0 : i32
        %dma_start3A_62 = tpu.memref_slice %arg11[%mul3A_2, %dma_start3A_61] : memref<10128x128xf32, #tpu.memory_space<vmem_shared>> -> memref<640x128xf32, #tpu.memory_space<vmem_shared>>
        %dma_start3A_63 = arith.constant 0 : i32
        %dma_start3A_64 = tpu.memref_slice %arg5[%mul3A_2, %dma_start3A_63] : memref<10000x128xf32, #tpu.memory_space<hbm>> -> memref<640x128xf32, #tpu.memory_space<hbm>>
        tpu.enqueue_dma source(%dma_start3A_64 : memref<640x128xf32, #tpu.memory_space<hbm>>) target(%dma_start3A_62 : memref<640x128xf32, #tpu.memory_space<vmem_shared>>) target_semaphore(%run_scoped3A_60 : memref<!tpu.dma_semaphore, #tpu.memory_space<semaphore_mem>>)
        %dma_wait3A_65 = arith.constant 0 : i32
        %dma_wait3A_66 = tpu.memref_slice %arg11[%mul3A_2, %dma_wait3A_65] : memref<10128x128xf32, #tpu.memory_space<vmem_shared>> -> memref<640x128xf32, #tpu.memory_space<vmem_shared>>
        %dma_wait3A_67 = arith.constant 0 : i32
        %dma_wait3A_68 = tpu.memref_slice %arg5[%mul3A_2, %dma_wait3A_67] : memref<10000x128xf32, #tpu.memory_space<hbm>> -> memref<640x128xf32, #tpu.memory_space<hbm>>
        tpu.wait_dma2 semaphore(%run_scoped3A_60 : memref<!tpu.dma_semaphore, #tpu.memory_space<semaphore_mem>>) src(%dma_wait3A_68 : memref<640x128xf32, #tpu.memory_space<hbm>>) dst(%dma_wait3A_66 : memref<640x128xf32, #tpu.memory_space<vmem_shared>>)
        tpu.yield
      }) : () -> ()
    } else {
    }
    %barrier3A = arith.constant 0 : index
    tpu.barrier barrier_id(%barrier3A)
    %scan3A = arith.constant 0 : i32
    %scan3A_20 = arith.constant 19 : i32
    %scan3A_21 = arith.addi %scan3A, %scan3A_20 : i32
    %scan3A_22 = arith.constant 1 : i32
    scf.for %scan3A_60 = %scan3A to %scan3A_21 step %scan3A_22  : i32 {
      %mul3A_61 = arith.constant 1 : i32
      %mul3A_62 = arith.muli %scan3A_60, %mul3A_61 : i32
      %add3A_63 = arith.constant 0 : i32
      %add3A_64 = arith.addi %add3A_63, %mul3A_62 : i32
      %mul3A_65 = arith.constant 2 : i32
      %mul3A_66 = arith.muli %mul3A_65, %add3A_64 : i32
      %sub3A = arith.constant 0 : i32
      %sub3A_67 = arith.subi %mul3A_66, %sub3A : i32
      %mul3A_68 = arith.constant 128 : i32
      %mul3A_69 = arith.muli %sub3A_67, %mul3A_68 : i32
      %dma_wait3A_70 = tpu.memref_slice %arg7[%mul3A_69] : memref<5120xi32, #tpu.memory_space<vmem>> -> memref<128xi32, #tpu.memory_space<vmem>>
      %dma_wait3A_71 = arith.constant 0 : i32
      %dma_wait3A_72 = arith.constant 0 : i32
      %dma_wait3A_73 = tpu.memref_slice %arg2[%dma_wait3A_71, %dma_wait3A_72] : memref<10000x128xf32, #tpu.memory_space<hbm>> -> memref<10000x128xf32, #tpu.memory_space<hbm>>
      tpu.wait_indirect_dma semaphore(%arg12 : memref<!tpu.dma_semaphore, #tpu.memory_space<semaphore_mem>>) src(%dma_wait3A_73 : memref<10000x128xf32, #tpu.memory_space<hbm>>) dst(%arg9 : memref<128x128xf32, #tpu.memory_space<vmem>>)
      "tpu.region"() ({
        %run_scoped3A_100 = tpu.sem_alloc : memref<!tpu.dma_semaphore, #tpu.memory_space<semaphore_mem>>
        %dma_start3A_101 = arith.constant 0 : i32
        %dma_start3A_102 = tpu.memref_slice %arg8[%mul3A_66, %dma_start3A_101] : memref<79x128xi32, #tpu.memory_space<vmem>> -> memref<1x128xi32, #tpu.memory_space<vmem>>
        %dma_start3A_103 = tpu.memref_squeeze %dma_start3A_102 : memref<1x128xi32, #tpu.memory_space<vmem>> -> memref<128xi32, #tpu.memory_space<vmem>>
        %dma_start3A_104 = arith.constant 0 : i32
        %dma_start3A_105 = arith.constant 0 : i32
        %dma_start3A_106 = tpu.memref_slice %arg11[%dma_start3A_104, %dma_start3A_105] : memref<10128x128xf32, #tpu.memory_space<vmem_shared>> -> memref<10128x128xf32, #tpu.memory_space<vmem_shared>>
        tpu.enqueue_indirect_dma source(%arg9 : memref<128x128xf32, #tpu.memory_space<vmem>>) target(%dma_start3A_106 : memref<10128x128xf32, #tpu.memory_space<vmem_shared>>) offsets(%dma_start3A_103 : memref<128xi32, #tpu.memory_space<vmem>>) semaphore(%run_scoped3A_100 : memref<!tpu.dma_semaphore, #tpu.memory_space<semaphore_mem>>) {add = true}
        %dma_wait3A_107 = arith.constant 0 : i32
        %dma_wait3A_108 = tpu.memref_slice %arg8[%mul3A_66, %dma_wait3A_107] : memref<79x128xi32, #tpu.memory_space<vmem>> -> memref<1x128xi32, #tpu.memory_space<vmem>>
        %dma_wait3A_109 = tpu.memref_squeeze %dma_wait3A_108 : memref<1x128xi32, #tpu.memory_space<vmem>> -> memref<128xi32, #tpu.memory_space<vmem>>
        %dma_wait3A_110 = arith.constant 0 : i32
        %dma_wait3A_111 = arith.constant 0 : i32
        %dma_wait3A_112 = tpu.memref_slice %arg11[%dma_wait3A_110, %dma_wait3A_111] : memref<10128x128xf32, #tpu.memory_space<vmem_shared>> -> memref<10128x128xf32, #tpu.memory_space<vmem_shared>>
        tpu.wait_indirect_dma semaphore(%run_scoped3A_100 : memref<!tpu.dma_semaphore, #tpu.memory_space<semaphore_mem>>) src(%arg9 : memref<128x128xf32, #tpu.memory_space<vmem>>) dst(%dma_wait3A_112 : memref<10128x128xf32, #tpu.memory_space<vmem_shared>>)
        tpu.yield
      }) : () -> ()
      %add3A_74 = arith.constant 2 : i32
      %add3A_75 = arith.addi %mul3A_66, %add3A_74 : i32
      %sub3A_76 = arith.constant 0 : i32
      %sub3A_77 = arith.subi %add3A_75, %sub3A_76 : i32
      %mul3A_78 = arith.constant 128 : i32
      %mul3A_79 = arith.muli %sub3A_77, %mul3A_78 : i32
      %dma_start3A_80 = tpu.memref_slice %arg7[%mul3A_79] : memref<5120xi32, #tpu.memory_space<vmem>> -> memref<128xi32, #tpu.memory_space<vmem>>
      %dma_start3A_81 = arith.constant 0 : i32
      %dma_start3A_82 = arith.constant 0 : i32
      %dma_start3A_83 = tpu.memref_slice %arg2[%dma_start3A_81, %dma_start3A_82] : memref<10000x128xf32, #tpu.memory_space<hbm>> -> memref<10000x128xf32, #tpu.memory_space<hbm>>
      tpu.enqueue_indirect_dma source(%dma_start3A_83 : memref<10000x128xf32, #tpu.memory_space<hbm>>) target(%arg9 : memref<128x128xf32, #tpu.memory_space<vmem>>) offsets(%dma_start3A_80 : memref<128xi32, #tpu.memory_space<vmem>>) semaphore(%arg12 : memref<!tpu.dma_semaphore, #tpu.memory_space<semaphore_mem>>)
      %add3A_84 = arith.constant 1 : i32
      %add3A_85 = arith.addi %mul3A_66, %add3A_84 : i32
      %sub3A_86 = arith.constant 0 : i32
      %sub3A_87 = arith.subi %add3A_85, %sub3A_86 : i32
      %mul3A_88 = arith.constant 128 : i32
      %mul3A_89 = arith.muli %sub3A_87, %mul3A_88 : i32
      %dma_wait3A_90 = tpu.memref_slice %arg7[%mul3A_89] : memref<5120xi32, #tpu.memory_space<vmem>> -> memref<128xi32, #tpu.memory_space<vmem>>
      %dma_wait3A_91 = arith.constant 0 : i32
      %dma_wait3A_92 = arith.constant 0 : i32
      %dma_wait3A_93 = tpu.memref_slice %arg2[%dma_wait3A_91, %dma_wait3A_92] : memref<10000x128xf32, #tpu.memory_space<hbm>> -> memref<10000x128xf32, #tpu.memory_space<hbm>>
      tpu.wait_indirect_dma semaphore(%arg13 : memref<!tpu.dma_semaphore, #tpu.memory_space<semaphore_mem>>) src(%dma_wait3A_93 : memref<10000x128xf32, #tpu.memory_space<hbm>>) dst(%arg10 : memref<128x128xf32, #tpu.memory_space<vmem>>)
      %add3A_94 = arith.constant 1 : i32
      %add3A_95 = arith.addi %mul3A_66, %add3A_94 : i32
      "tpu.region"() ({
        %run_scoped3A_100 = tpu.sem_alloc : memref<!tpu.dma_semaphore, #tpu.memory_space<semaphore_mem>>
        %dma_start3A_101 = arith.constant 0 : i32
        %dma_start3A_102 = tpu.memref_slice %arg8[%add3A_95, %dma_start3A_101] : memref<79x128xi32, #tpu.memory_space<vmem>> -> memref<1x128xi32, #tpu.memory_space<vmem>>
        %dma_start3A_103 = tpu.memref_squeeze %dma_start3A_102 : memref<1x128xi32, #tpu.memory_space<vmem>> -> memref<128xi32, #tpu.memory_space<vmem>>
        %dma_start3A_104 = arith.constant 0 : i32
        %dma_start3A_105 = arith.constant 0 : i32
        %dma_start3A_106 = tpu.memref_slice %arg11[%dma_start3A_104, %dma_start3A_105] : memref<10128x128xf32, #tpu.memory_space<vmem_shared>> -> memref<10128x128xf32, #tpu.memory_space<vmem_shared>>
        tpu.enqueue_indirect_dma source(%arg10 : memref<128x128xf32, #tpu.memory_space<vmem>>) target(%dma_start3A_106 : memref<10128x128xf32, #tpu.memory_space<vmem_shared>>) offsets(%dma_start3A_103 : memref<128xi32, #tpu.memory_space<vmem>>) semaphore(%run_scoped3A_100 : memref<!tpu.dma_semaphore, #tpu.memory_space<semaphore_mem>>) {add = true}
        %dma_wait3A_107 = arith.constant 0 : i32
        %dma_wait3A_108 = tpu.memref_slice %arg8[%add3A_95, %dma_wait3A_107] : memref<79x128xi32, #tpu.memory_space<vmem>> -> memref<1x128xi32, #tpu.memory_space<vmem>>
        %dma_wait3A_109 = tpu.memref_squeeze %dma_wait3A_108 : memref<1x128xi32, #tpu.memory_space<vmem>> -> memref<128xi32, #tpu.memory_space<vmem>>
        %dma_wait3A_110 = arith.constant 0 : i32
        %dma_wait3A_111 = arith.constant 0 : i32
        %dma_wait3A_112 = tpu.memref_slice %arg11[%dma_wait3A_110, %dma_wait3A_111] : memref<10128x128xf32, #tpu.memory_space<vmem_shared>> -> memref<10128x128xf32, #tpu.memory_space<vmem_shared>>
        tpu.wait_indirect_dma semaphore(%run_scoped3A_100 : memref<!tpu.dma_semaphore, #tpu.memory_space<semaphore_mem>>) src(%arg10 : memref<128x128xf32, #tpu.memory_space<vmem>>) dst(%dma_wait3A_112 : memref<10128x128xf32, #tpu.memory_space<vmem_shared>>)
        tpu.yield
      }) : () -> ()
      %lt3A = arith.constant 19 : i32
      %lt3A_96 = arith.cmpi slt, %add3A_64, %lt3A : i32
      %convert_element_type3A_97 = arith.extui %lt3A_96 : i1 to i32
      %cond3A_98 = arith.constant 0 : i32
      %cond3A_99 = arith.cmpi ne, %convert_element_type3A_97, %cond3A_98 : i32
      scf.if %cond3A_99 {
        %add3A_100 = arith.constant 3 : i32
        %add3A_101 = arith.addi %mul3A_66, %add3A_100 : i32
        %sub3A_102 = arith.constant 0 : i32
        %sub3A_103 = arith.subi %add3A_101, %sub3A_102 : i32
        %mul3A_104 = arith.constant 128 : i32
        %mul3A_105 = arith.muli %sub3A_103, %mul3A_104 : i32
        %dma_start3A_106 = tpu.memref_slice %arg7[%mul3A_105] : memref<5120xi32, #tpu.memory_space<vmem>> -> memref<128xi32, #tpu.memory_space<vmem>>
        %dma_start3A_107 = arith.constant 0 : i32
        %dma_start3A_108 = arith.constant 0 : i32
        %dma_start3A_109 = tpu.memref_slice %arg2[%dma_start3A_107, %dma_start3A_108] : memref<10000x128xf32, #tpu.memory_space<hbm>> -> memref<10000x128xf32, #tpu.memory_space<hbm>>
        tpu.enqueue_indirect_dma source(%dma_start3A_109 : memref<10000x128xf32, #tpu.memory_space<hbm>>) target(%arg10 : memref<128x128xf32, #tpu.memory_space<vmem>>) offsets(%dma_start3A_106 : memref<128xi32, #tpu.memory_space<vmem>>) semaphore(%arg13 : memref<!tpu.dma_semaphore, #tpu.memory_space<semaphore_mem>>)
      } else {
      }
    }
    %scan3A_23 = arith.constant 19 : i32
    %dma_wait3A = arith.constant 4864 : i32
    %dma_wait3A_24 = tpu.memref_slice %arg7[%dma_wait3A] : memref<5120xi32, #tpu.memory_space<vmem>> -> memref<128xi32, #tpu.memory_space<vmem>>
    %dma_wait3A_25 = arith.constant 0 : i32
    %dma_wait3A_26 = arith.constant 0 : i32
    %dma_wait3A_27 = tpu.memref_slice %arg2[%dma_wait3A_25, %dma_wait3A_26] : memref<10000x128xf32, #tpu.memory_space<hbm>> -> memref<10000x128xf32, #tpu.memory_space<hbm>>
    tpu.wait_indirect_dma semaphore(%arg12 : memref<!tpu.dma_semaphore, #tpu.memory_space<semaphore_mem>>) src(%dma_wait3A_27 : memref<10000x128xf32, #tpu.memory_space<hbm>>) dst(%arg9 : memref<128x128xf32, #tpu.memory_space<vmem>>)
    %run_scoped3A = arith.constant 38 : i32
    "tpu.region"() ({
      %run_scoped3A_60 = tpu.sem_alloc : memref<!tpu.dma_semaphore, #tpu.memory_space<semaphore_mem>>
      %dma_start3A_61 = arith.constant 0 : i32
      %dma_start3A_62 = tpu.memref_slice %arg8[%run_scoped3A, %dma_start3A_61] : memref<79x128xi32, #tpu.memory_space<vmem>> -> memref<1x128xi32, #tpu.memory_space<vmem>>
      %dma_start3A_63 = tpu.memref_squeeze %dma_start3A_62 : memref<1x128xi32, #tpu.memory_space<vmem>> -> memref<128xi32, #tpu.memory_space<vmem>>
      %dma_start3A_64 = arith.constant 0 : i32
      %dma_start3A_65 = arith.constant 0 : i32
      %dma_start3A_66 = tpu.memref_slice %arg11[%dma_start3A_64, %dma_start3A_65] : memref<10128x128xf32, #tpu.memory_space<vmem_shared>> -> memref<10128x128xf32, #tpu.memory_space<vmem_shared>>
      tpu.enqueue_indirect_dma source(%arg9 : memref<128x128xf32, #tpu.memory_space<vmem>>) target(%dma_start3A_66 : memref<10128x128xf32, #tpu.memory_space<vmem_shared>>) offsets(%dma_start3A_63 : memref<128xi32, #tpu.memory_space<vmem>>) semaphore(%run_scoped3A_60 : memref<!tpu.dma_semaphore, #tpu.memory_space<semaphore_mem>>) {add = true}
      %dma_wait3A_67 = arith.constant 0 : i32
      %dma_wait3A_68 = tpu.memref_slice %arg8[%run_scoped3A, %dma_wait3A_67] : memref<79x128xi32, #tpu.memory_space<vmem>> -> memref<1x128xi32, #tpu.memory_space<vmem>>
      %dma_wait3A_69 = tpu.memref_squeeze %dma_wait3A_68 : memref<1x128xi32, #tpu.memory_space<vmem>> -> memref<128xi32, #tpu.memory_space<vmem>>
      %dma_wait3A_70 = arith.constant 0 : i32
      %dma_wait3A_71 = arith.constant 0 : i32
      %dma_wait3A_72 = tpu.memref_slice %arg11[%dma_wait3A_70, %dma_wait3A_71] : memref<10128x128xf32, #tpu.memory_space<vmem_shared>> -> memref<10128x128xf32, #tpu.memory_space<vmem_shared>>
      tpu.wait_indirect_dma semaphore(%run_scoped3A_60 : memref<!tpu.dma_semaphore, #tpu.memory_space<semaphore_mem>>) src(%arg9 : memref<128x128xf32, #tpu.memory_space<vmem>>) dst(%dma_wait3A_72 : memref<10128x128xf32, #tpu.memory_space<vmem_shared>>)
      tpu.yield
    }) : () -> ()
    %dma_wait3A_28 = arith.constant 4992 : i32
    %dma_wait3A_29 = tpu.memref_slice %arg7[%dma_wait3A_28] : memref<5120xi32, #tpu.memory_space<vmem>> -> memref<128xi32, #tpu.memory_space<vmem>>
    %dma_wait3A_30 = arith.constant 0 : i32
    %dma_wait3A_31 = arith.constant 0 : i32
    %dma_wait3A_32 = tpu.memref_slice %arg2[%dma_wait3A_30, %dma_wait3A_31] : memref<10000x128xf32, #tpu.memory_space<hbm>> -> memref<10000x128xf32, #tpu.memory_space<hbm>>
    tpu.wait_indirect_dma semaphore(%arg13 : memref<!tpu.dma_semaphore, #tpu.memory_space<semaphore_mem>>) src(%dma_wait3A_32 : memref<10000x128xf32, #tpu.memory_space<hbm>>) dst(%arg10 : memref<128x128xf32, #tpu.memory_space<vmem>>)
    %run_scoped3A_33 = arith.constant 39 : i32
    "tpu.region"() ({
      %run_scoped3A_60 = tpu.sem_alloc : memref<!tpu.dma_semaphore, #tpu.memory_space<semaphore_mem>>
      %dma_start3A_61 = arith.constant 0 : i32
      %dma_start3A_62 = tpu.memref_slice %arg8[%run_scoped3A_33, %dma_start3A_61] : memref<79x128xi32, #tpu.memory_space<vmem>> -> memref<1x128xi32, #tpu.memory_space<vmem>>
      %dma_start3A_63 = tpu.memref_squeeze %dma_start3A_62 : memref<1x128xi32, #tpu.memory_space<vmem>> -> memref<128xi32, #tpu.memory_space<vmem>>
      %dma_start3A_64 = arith.constant 0 : i32
      %dma_start3A_65 = arith.constant 0 : i32
      %dma_start3A_66 = tpu.memref_slice %arg11[%dma_start3A_64, %dma_start3A_65] : memref<10128x128xf32, #tpu.memory_space<vmem_shared>> -> memref<10128x128xf32, #tpu.memory_space<vmem_shared>>
      tpu.enqueue_indirect_dma source(%arg10 : memref<128x128xf32, #tpu.memory_space<vmem>>) target(%dma_start3A_66 : memref<10128x128xf32, #tpu.memory_space<vmem_shared>>) offsets(%dma_start3A_63 : memref<128xi32, #tpu.memory_space<vmem>>) semaphore(%run_scoped3A_60 : memref<!tpu.dma_semaphore, #tpu.memory_space<semaphore_mem>>) {add = true}
      %dma_wait3A_67 = arith.constant 0 : i32
      %dma_wait3A_68 = tpu.memref_slice %arg8[%run_scoped3A_33, %dma_wait3A_67] : memref<79x128xi32, #tpu.memory_space<vmem>> -> memref<1x128xi32, #tpu.memory_space<vmem>>
      %dma_wait3A_69 = tpu.memref_squeeze %dma_wait3A_68 : memref<1x128xi32, #tpu.memory_space<vmem>> -> memref<128xi32, #tpu.memory_space<vmem>>
      %dma_wait3A_70 = arith.constant 0 : i32
      %dma_wait3A_71 = arith.constant 0 : i32
      %dma_wait3A_72 = tpu.memref_slice %arg11[%dma_wait3A_70, %dma_wait3A_71] : memref<10128x128xf32, #tpu.memory_space<vmem_shared>> -> memref<10128x128xf32, #tpu.memory_space<vmem_shared>>
      tpu.wait_indirect_dma semaphore(%run_scoped3A_60 : memref<!tpu.dma_semaphore, #tpu.memory_space<semaphore_mem>>) src(%arg10 : memref<128x128xf32, #tpu.memory_space<vmem>>) dst(%dma_wait3A_72 : memref<10128x128xf32, #tpu.memory_space<vmem_shared>>)
      tpu.yield
    }) : () -> ()
    %mul3A_34 = arith.constant 10112 : i32
    %mul3A_35 = arith.muli %add3A, %mul3A_34 : i32
    %add3A_36 = arith.constant 5120 : i32
    %add3A_37 = arith.addi %mul3A_35, %add3A_36 : i32
    "tpu.region"() ({
      %run_scoped3A_60 = tpu.sem_alloc : memref<!tpu.dma_semaphore, #tpu.memory_space<semaphore_mem>>
      %dma_start3A_61 = arith.constant 0 : i32
      %dma_start3A_62 = tpu.memref_slice %arg7[%dma_start3A_61] : memref<5120xi32, #tpu.memory_space<vmem>> -> memref<4992xi32, #tpu.memory_space<vmem>>
      %dma_start3A_63 = tpu.memref_slice %arg3[%add3A_37] : memref<323584xi32, #tpu.memory_space<hbm>> -> memref<4992xi32, #tpu.memory_space<hbm>>
      %dma_start3A_64 = arith.constant 0 : i32
      %dma_start3A_65 = tpu.memref_slice %arg7[%dma_start3A_64] : memref<5120xi32, #tpu.memory_space<vmem>> -> memref<4992xi32, #tpu.memory_space<vmem>>
      %dma_start3A_66 = tpu.memref_slice %arg3[%add3A_37] : memref<323584xi32, #tpu.memory_space<hbm>> -> memref<4992xi32, #tpu.memory_space<hbm>>
      tpu.enqueue_dma source(%dma_start3A_66 : memref<4992xi32, #tpu.memory_space<hbm>>) target(%dma_start3A_65 : memref<4992xi32, #tpu.memory_space<vmem>>) target_semaphore(%run_scoped3A_60 : memref<!tpu.dma_semaphore, #tpu.memory_space<semaphore_mem>>)
      %dma_wait3A_67 = arith.constant 0 : i32
      %dma_wait3A_68 = tpu.memref_slice %arg7[%dma_wait3A_67] : memref<5120xi32, #tpu.memory_space<vmem>> -> memref<4992xi32, #tpu.memory_space<vmem>>
      %dma_wait3A_69 = tpu.memref_slice %arg3[%add3A_37] : memref<323584xi32, #tpu.memory_space<hbm>> -> memref<4992xi32, #tpu.memory_space<hbm>>
      %dma_wait3A_70 = arith.constant 0 : i32
      %dma_wait3A_71 = tpu.memref_slice %arg7[%dma_wait3A_70] : memref<5120xi32, #tpu.memory_space<vmem>> -> memref<4992xi32, #tpu.memory_space<vmem>>
      %dma_wait3A_72 = tpu.memref_slice %arg3[%add3A_37] : memref<323584xi32, #tpu.memory_space<hbm>> -> memref<4992xi32, #tpu.memory_space<hbm>>
      tpu.wait_dma2 semaphore(%run_scoped3A_60 : memref<!tpu.dma_semaphore, #tpu.memory_space<semaphore_mem>>) src(%dma_wait3A_72 : memref<4992xi32, #tpu.memory_space<hbm>>) dst(%dma_wait3A_71 : memref<4992xi32, #tpu.memory_space<vmem>>)
      tpu.yield
    }) : () -> ()
    %dma_start3A_38 = arith.constant 0 : i32
    %dma_start3A_39 = tpu.memref_slice %arg7[%dma_start3A_38] : memref<5120xi32, #tpu.memory_space<vmem>> -> memref<128xi32, #tpu.memory_space<vmem>>
    %dma_start3A_40 = arith.constant 0 : i32
    %dma_start3A_41 = arith.constant 0 : i32
    %dma_start3A_42 = tpu.memref_slice %arg2[%dma_start3A_40, %dma_start3A_41] : memref<10000x128xf32, #tpu.memory_space<hbm>> -> memref<10000x128xf32, #tpu.memory_space<hbm>>
    tpu.enqueue_indirect_dma source(%dma_start3A_42 : memref<10000x128xf32, #tpu.memory_space<hbm>>) target(%arg9 : memref<128x128xf32, #tpu.memory_space<vmem>>) offsets(%dma_start3A_39 : memref<128xi32, #tpu.memory_space<vmem>>) semaphore(%arg12 : memref<!tpu.dma_semaphore, #tpu.memory_space<semaphore_mem>>)
    %dma_start3A_43 = arith.constant 128 : i32
    %dma_start3A_44 = tpu.memref_slice %arg7[%dma_start3A_43] : memref<5120xi32, #tpu.memory_space<vmem>> -> memref<128xi32, #tpu.memory_space<vmem>>
    %dma_start3A_45 = arith.constant 0 : i32
    %dma_start3A_46 = arith.constant 0 : i32
    %dma_start3A_47 = tpu.memref_slice %arg2[%dma_start3A_45, %dma_start3A_46] : memref<10000x128xf32, #tpu.memory_space<hbm>> -> memref<10000x128xf32, #tpu.memory_space<hbm>>
    tpu.enqueue_indirect_dma source(%dma_start3A_47 : memref<10000x128xf32, #tpu.memory_space<hbm>>) target(%arg10 : memref<128x128xf32, #tpu.memory_space<vmem>>) offsets(%dma_start3A_44 : memref<128xi32, #tpu.memory_space<vmem>>) semaphore(%arg13 : memref<!tpu.dma_semaphore, #tpu.memory_space<semaphore_mem>>)
    %scan3A_48 = arith.constant 0 : i32
    %scan3A_49 = arith.constant 19 : i32
    %scan3A_50 = arith.addi %scan3A_48, %scan3A_49 : i32
    %scan3A_51 = arith.constant 1 : i32
    scf.for %scan3A_60 = %scan3A_48 to %scan3A_50 step %scan3A_51  : i32 {
      %mul3A_61 = arith.constant 1 : i32
      %mul3A_62 = arith.muli %scan3A_60, %mul3A_61 : i32
      %add3A_63 = arith.constant 0 : i32
      %add3A_64 = arith.addi %add3A_63, %mul3A_62 : i32
      %mul3A_65 = arith.constant 2 : i32
      %mul3A_66 = arith.muli %mul3A_65, %add3A_64 : i32
      %add3A_67 = arith.constant 40 : i32
      %add3A_68 = arith.addi %add3A_67, %mul3A_66 : i32
      %sub3A = arith.constant 40 : i32
      %sub3A_69 = arith.subi %add3A_68, %sub3A : i32
      %mul3A_70 = arith.constant 128 : i32
      %mul3A_71 = arith.muli %sub3A_69, %mul3A_70 : i32
      %dma_wait3A_72 = tpu.memref_slice %arg7[%mul3A_71] : memref<5120xi32, #tpu.memory_space<vmem>> -> memref<128xi32, #tpu.memory_space<vmem>>
      %dma_wait3A_73 = arith.constant 0 : i32
      %dma_wait3A_74 = arith.constant 0 : i32
      %dma_wait3A_75 = tpu.memref_slice %arg2[%dma_wait3A_73, %dma_wait3A_74] : memref<10000x128xf32, #tpu.memory_space<hbm>> -> memref<10000x128xf32, #tpu.memory_space<hbm>>
      tpu.wait_indirect_dma semaphore(%arg12 : memref<!tpu.dma_semaphore, #tpu.memory_space<semaphore_mem>>) src(%dma_wait3A_75 : memref<10000x128xf32, #tpu.memory_space<hbm>>) dst(%arg9 : memref<128x128xf32, #tpu.memory_space<vmem>>)
      "tpu.region"() ({
        %run_scoped3A_102 = tpu.sem_alloc : memref<!tpu.dma_semaphore, #tpu.memory_space<semaphore_mem>>
        %dma_start3A_103 = arith.constant 0 : i32
        %dma_start3A_104 = tpu.memref_slice %arg8[%add3A_68, %dma_start3A_103] : memref<79x128xi32, #tpu.memory_space<vmem>> -> memref<1x128xi32, #tpu.memory_space<vmem>>
        %dma_start3A_105 = tpu.memref_squeeze %dma_start3A_104 : memref<1x128xi32, #tpu.memory_space<vmem>> -> memref<128xi32, #tpu.memory_space<vmem>>
        %dma_start3A_106 = arith.constant 0 : i32
        %dma_start3A_107 = arith.constant 0 : i32
        %dma_start3A_108 = tpu.memref_slice %arg11[%dma_start3A_106, %dma_start3A_107] : memref<10128x128xf32, #tpu.memory_space<vmem_shared>> -> memref<10128x128xf32, #tpu.memory_space<vmem_shared>>
        tpu.enqueue_indirect_dma source(%arg9 : memref<128x128xf32, #tpu.memory_space<vmem>>) target(%dma_start3A_108 : memref<10128x128xf32, #tpu.memory_space<vmem_shared>>) offsets(%dma_start3A_105 : memref<128xi32, #tpu.memory_space<vmem>>) semaphore(%run_scoped3A_102 : memref<!tpu.dma_semaphore, #tpu.memory_space<semaphore_mem>>) {add = true}
        %dma_wait3A_109 = arith.constant 0 : i32
        %dma_wait3A_110 = tpu.memref_slice %arg8[%add3A_68, %dma_wait3A_109] : memref<79x128xi32, #tpu.memory_space<vmem>> -> memref<1x128xi32, #tpu.memory_space<vmem>>
        %dma_wait3A_111 = tpu.memref_squeeze %dma_wait3A_110 : memref<1x128xi32, #tpu.memory_space<vmem>> -> memref<128xi32, #tpu.memory_space<vmem>>
        %dma_wait3A_112 = arith.constant 0 : i32
        %dma_wait3A_113 = arith.constant 0 : i32
        %dma_wait3A_114 = tpu.memref_slice %arg11[%dma_wait3A_112, %dma_wait3A_113] : memref<10128x128xf32, #tpu.memory_space<vmem_shared>> -> memref<10128x128xf32, #tpu.memory_space<vmem_shared>>
        tpu.wait_indirect_dma semaphore(%run_scoped3A_102 : memref<!tpu.dma_semaphore, #tpu.memory_space<semaphore_mem>>) src(%arg9 : memref<128x128xf32, #tpu.memory_space<vmem>>) dst(%dma_wait3A_114 : memref<10128x128xf32, #tpu.memory_space<vmem_shared>>)
        tpu.yield
      }) : () -> ()
      %add3A_76 = arith.constant 2 : i32
      %add3A_77 = arith.addi %add3A_68, %add3A_76 : i32
      %sub3A_78 = arith.constant 40 : i32
      %sub3A_79 = arith.subi %add3A_77, %sub3A_78 : i32
      %mul3A_80 = arith.constant 128 : i32
      %mul3A_81 = arith.muli %sub3A_79, %mul3A_80 : i32
      %dma_start3A_82 = tpu.memref_slice %arg7[%mul3A_81] : memref<5120xi32, #tpu.memory_space<vmem>> -> memref<128xi32, #tpu.memory_space<vmem>>
      %dma_start3A_83 = arith.constant 0 : i32
      %dma_start3A_84 = arith.constant 0 : i32
      %dma_start3A_85 = tpu.memref_slice %arg2[%dma_start3A_83, %dma_start3A_84] : memref<10000x128xf32, #tpu.memory_space<hbm>> -> memref<10000x128xf32, #tpu.memory_space<hbm>>
      tpu.enqueue_indirect_dma source(%dma_start3A_85 : memref<10000x128xf32, #tpu.memory_space<hbm>>) target(%arg9 : memref<128x128xf32, #tpu.memory_space<vmem>>) offsets(%dma_start3A_82 : memref<128xi32, #tpu.memory_space<vmem>>) semaphore(%arg12 : memref<!tpu.dma_semaphore, #tpu.memory_space<semaphore_mem>>)
      %add3A_86 = arith.constant 1 : i32
      %add3A_87 = arith.addi %add3A_68, %add3A_86 : i32
      %sub3A_88 = arith.constant 40 : i32
      %sub3A_89 = arith.subi %add3A_87, %sub3A_88 : i32
      %mul3A_90 = arith.constant 128 : i32
      %mul3A_91 = arith.muli %sub3A_89, %mul3A_90 : i32
      %dma_wait3A_92 = tpu.memref_slice %arg7[%mul3A_91] : memref<5120xi32, #tpu.memory_space<vmem>> -> memref<128xi32, #tpu.memory_space<vmem>>
      %dma_wait3A_93 = arith.constant 0 : i32
      %dma_wait3A_94 = arith.constant 0 : i32
      %dma_wait3A_95 = tpu.memref_slice %arg2[%dma_wait3A_93, %dma_wait3A_94] : memref<10000x128xf32, #tpu.memory_space<hbm>> -> memref<10000x128xf32, #tpu.memory_space<hbm>>
      tpu.wait_indirect_dma semaphore(%arg13 : memref<!tpu.dma_semaphore, #tpu.memory_space<semaphore_mem>>) src(%dma_wait3A_95 : memref<10000x128xf32, #tpu.memory_space<hbm>>) dst(%arg10 : memref<128x128xf32, #tpu.memory_space<vmem>>)
      %add3A_96 = arith.constant 1 : i32
      %add3A_97 = arith.addi %add3A_68, %add3A_96 : i32
      "tpu.region"() ({
        %run_scoped3A_102 = tpu.sem_alloc : memref<!tpu.dma_semaphore, #tpu.memory_space<semaphore_mem>>
        %dma_start3A_103 = arith.constant 0 : i32
        %dma_start3A_104 = tpu.memref_slice %arg8[%add3A_97, %dma_start3A_103] : memref<79x128xi32, #tpu.memory_space<vmem>> -> memref<1x128xi32, #tpu.memory_space<vmem>>
        %dma_start3A_105 = tpu.memref_squeeze %dma_start3A_104 : memref<1x128xi32, #tpu.memory_space<vmem>> -> memref<128xi32, #tpu.memory_space<vmem>>
        %dma_start3A_106 = arith.constant 0 : i32
        %dma_start3A_107 = arith.constant 0 : i32
        %dma_start3A_108 = tpu.memref_slice %arg11[%dma_start3A_106, %dma_start3A_107] : memref<10128x128xf32, #tpu.memory_space<vmem_shared>> -> memref<10128x128xf32, #tpu.memory_space<vmem_shared>>
        tpu.enqueue_indirect_dma source(%arg10 : memref<128x128xf32, #tpu.memory_space<vmem>>) target(%dma_start3A_108 : memref<10128x128xf32, #tpu.memory_space<vmem_shared>>) offsets(%dma_start3A_105 : memref<128xi32, #tpu.memory_space<vmem>>) semaphore(%run_scoped3A_102 : memref<!tpu.dma_semaphore, #tpu.memory_space<semaphore_mem>>) {add = true}
        %dma_wait3A_109 = arith.constant 0 : i32
        %dma_wait3A_110 = tpu.memref_slice %arg8[%add3A_97, %dma_wait3A_109] : memref<79x128xi32, #tpu.memory_space<vmem>> -> memref<1x128xi32, #tpu.memory_space<vmem>>
        %dma_wait3A_111 = tpu.memref_squeeze %dma_wait3A_110 : memref<1x128xi32, #tpu.memory_space<vmem>> -> memref<128xi32, #tpu.memory_space<vmem>>
        %dma_wait3A_112 = arith.constant 0 : i32
        %dma_wait3A_113 = arith.constant 0 : i32
        %dma_wait3A_114 = tpu.memref_slice %arg11[%dma_wait3A_112, %dma_wait3A_113] : memref<10128x128xf32, #tpu.memory_space<vmem_shared>> -> memref<10128x128xf32, #tpu.memory_space<vmem_shared>>
        tpu.wait_indirect_dma semaphore(%run_scoped3A_102 : memref<!tpu.dma_semaphore, #tpu.memory_space<semaphore_mem>>) src(%arg10 : memref<128x128xf32, #tpu.memory_space<vmem>>) dst(%dma_wait3A_114 : memref<10128x128xf32, #tpu.memory_space<vmem_shared>>)
        tpu.yield
      }) : () -> ()
      %lt3A = arith.constant 18 : i32
      %lt3A_98 = arith.cmpi slt, %add3A_64, %lt3A : i32
      %convert_element_type3A_99 = arith.extui %lt3A_98 : i1 to i32
      %cond3A_100 = arith.constant 0 : i32
      %cond3A_101 = arith.cmpi ne, %convert_element_type3A_99, %cond3A_100 : i32
      scf.if %cond3A_101 {
        %add3A_102 = arith.constant 3 : i32
        %add3A_103 = arith.addi %add3A_68, %add3A_102 : i32
        %sub3A_104 = arith.constant 40 : i32
        %sub3A_105 = arith.subi %add3A_103, %sub3A_104 : i32
        %mul3A_106 = arith.constant 128 : i32
        %mul3A_107 = arith.muli %sub3A_105, %mul3A_106 : i32
        %dma_start3A_108 = tpu.memref_slice %arg7[%mul3A_107] : memref<5120xi32, #tpu.memory_space<vmem>> -> memref<128xi32, #tpu.memory_space<vmem>>
        %dma_start3A_109 = arith.constant 0 : i32
        %dma_start3A_110 = arith.constant 0 : i32
        %dma_start3A_111 = tpu.memref_slice %arg2[%dma_start3A_109, %dma_start3A_110] : memref<10000x128xf32, #tpu.memory_space<hbm>> -> memref<10000x128xf32, #tpu.memory_space<hbm>>
        tpu.enqueue_indirect_dma source(%dma_start3A_111 : memref<10000x128xf32, #tpu.memory_space<hbm>>) target(%arg10 : memref<128x128xf32, #tpu.memory_space<vmem>>) offsets(%dma_start3A_108 : memref<128xi32, #tpu.memory_space<vmem>>) semaphore(%arg13 : memref<!tpu.dma_semaphore, #tpu.memory_space<semaphore_mem>>)
      } else {
      }
    }
    %scan3A_52 = arith.constant 19 : i32
    %dma_wait3A_53 = arith.constant 4864 : i32
    %dma_wait3A_54 = tpu.memref_slice %arg7[%dma_wait3A_53] : memref<5120xi32, #tpu.memory_space<vmem>> -> memref<128xi32, #tpu.memory_space<vmem>>
    %dma_wait3A_55 = arith.constant 0 : i32
    %dma_wait3A_56 = arith.constant 0 : i32
    %dma_wait3A_57 = tpu.memref_slice %arg2[%dma_wait3A_55, %dma_wait3A_56] : memref<10000x128xf32, #tpu.memory_space<hbm>> -> memref<10000x128xf32, #tpu.memory_space<hbm>>
    tpu.wait_indirect_dma semaphore(%arg12 : memref<!tpu.dma_semaphore, #tpu.memory_space<semaphore_mem>>) src(%dma_wait3A_57 : memref<10000x128xf32, #tpu.memory_space<hbm>>) dst(%arg9 : memref<128x128xf32, #tpu.memory_space<vmem>>)
    %run_scoped3A_58 = arith.constant 78 : i32
    "tpu.region"() ({
      %run_scoped3A_60 = tpu.sem_alloc : memref<!tpu.dma_semaphore, #tpu.memory_space<semaphore_mem>>
      %dma_start3A_61 = arith.constant 0 : i32
      %dma_start3A_62 = tpu.memref_slice %arg8[%run_scoped3A_58, %dma_start3A_61] : memref<79x128xi32, #tpu.memory_space<vmem>> -> memref<1x128xi32, #tpu.memory_space<vmem>>
      %dma_start3A_63 = tpu.memref_squeeze %dma_start3A_62 : memref<1x128xi32, #tpu.memory_space<vmem>> -> memref<128xi32, #tpu.memory_space<vmem>>
      %dma_start3A_64 = arith.constant 0 : i32
      %dma_start3A_65 = arith.constant 0 : i32
      %dma_start3A_66 = tpu.memref_slice %arg11[%dma_start3A_64, %dma_start3A_65] : memref<10128x128xf32, #tpu.memory_space<vmem_shared>> -> memref<10128x128xf32, #tpu.memory_space<vmem_shared>>
      tpu.enqueue_indirect_dma source(%arg9 : memref<128x128xf32, #tpu.memory_space<vmem>>) target(%dma_start3A_66 : memref<10128x128xf32, #tpu.memory_space<vmem_shared>>) offsets(%dma_start3A_63 : memref<128xi32, #tpu.memory_space<vmem>>) semaphore(%run_scoped3A_60 : memref<!tpu.dma_semaphore, #tpu.memory_space<semaphore_mem>>) {add = true}
      %dma_wait3A_67 = arith.constant 0 : i32
      %dma_wait3A_68 = tpu.memref_slice %arg8[%run_scoped3A_58, %dma_wait3A_67] : memref<79x128xi32, #tpu.memory_space<vmem>> -> memref<1x128xi32, #tpu.memory_space<vmem>>
      %dma_wait3A_69 = tpu.memref_squeeze %dma_wait3A_68 : memref<1x128xi32, #tpu.memory_space<vmem>> -> memref<128xi32, #tpu.memory_space<vmem>>
      %dma_wait3A_70 = arith.constant 0 : i32
      %dma_wait3A_71 = arith.constant 0 : i32
      %dma_wait3A_72 = tpu.memref_slice %arg11[%dma_wait3A_70, %dma_wait3A_71] : memref<10128x128xf32, #tpu.memory_space<vmem_shared>> -> memref<10128x128xf32, #tpu.memory_space<vmem_shared>>
      tpu.wait_indirect_dma semaphore(%run_scoped3A_60 : memref<!tpu.dma_semaphore, #tpu.memory_space<semaphore_mem>>) src(%arg9 : memref<128x128xf32, #tpu.memory_space<vmem>>) dst(%dma_wait3A_72 : memref<10128x128xf32, #tpu.memory_space<vmem_shared>>)
      tpu.yield
    }) : () -> ()
    %barrier3A_59 = arith.constant 0 : index
    tpu.barrier barrier_id(%barrier3A_59)
    "tpu.region"() ({
      %run_scoped3A_60 = tpu.sem_alloc : memref<!tpu.dma_semaphore, #tpu.memory_space<semaphore_mem>>
      %dma_start3A_61 = arith.constant 0 : i32
      %dma_start3A_62 = tpu.memref_slice %arg6[%arg0, %mul3A_2, %dma_start3A_61] : memref<2x10000x128xf32, #tpu.memory_space<hbm>> -> memref<1x640x128xf32, #tpu.memory_space<hbm>>
      %dma_start3A_63 = tpu.memref_squeeze %dma_start3A_62 : memref<1x640x128xf32, #tpu.memory_space<hbm>> -> memref<640x128xf32, #tpu.memory_space<hbm>>
      %dma_start3A_64 = arith.constant 0 : i32
      %dma_start3A_65 = tpu.memref_slice %arg11[%mul3A_2, %dma_start3A_64] : memref<10128x128xf32, #tpu.memory_space<vmem_shared>> -> memref<640x128xf32, #tpu.memory_space<vmem_shared>>
      tpu.enqueue_dma source(%dma_start3A_65 : memref<640x128xf32, #tpu.memory_space<vmem_shared>>) target(%dma_start3A_63 : memref<640x128xf32, #tpu.memory_space<hbm>>) target_semaphore(%run_scoped3A_60 : memref<!tpu.dma_semaphore, #tpu.memory_space<semaphore_mem>>)
      %dma_wait3A_66 = arith.constant 0 : i32
      %dma_wait3A_67 = tpu.memref_slice %arg6[%arg0, %mul3A_2, %dma_wait3A_66] : memref<2x10000x128xf32, #tpu.memory_space<hbm>> -> memref<1x640x128xf32, #tpu.memory_space<hbm>>
      %dma_wait3A_68 = tpu.memref_squeeze %dma_wait3A_67 : memref<1x640x128xf32, #tpu.memory_space<hbm>> -> memref<640x128xf32, #tpu.memory_space<hbm>>
      %dma_wait3A_69 = arith.constant 0 : i32
      %dma_wait3A_70 = tpu.memref_slice %arg11[%mul3A_2, %dma_wait3A_69] : memref<10128x128xf32, #tpu.memory_space<vmem_shared>> -> memref<640x128xf32, #tpu.memory_space<vmem_shared>>
      tpu.wait_dma2 semaphore(%run_scoped3A_60 : memref<!tpu.dma_semaphore, #tpu.memory_space<semaphore_mem>>) src(%dma_wait3A_70 : memref<640x128xf32, #tpu.memory_space<vmem_shared>>) dst(%dma_wait3A_68 : memref<640x128xf32, #tpu.memory_space<hbm>>)
      tpu.yield
    }) : () -> ()
    return
  }
}

#map = affine_map<(d0, d1) -> (0, 0, 0)>
#map1 = affine_map<(d0, d1) -> (0)>
#map2 = affine_map<(d0, d1) -> (0, 0)>
module attributes {stable_mosaic.version = 14 : i64} {
  func.func @_deg_body(%arg0: i32, %arg1: i32, %arg2: memref<32x79x128xi32, #tpu.memory_space<hbm>>, %arg3: memref<10000xi32, #tpu.memory_space<hbm>>, %arg4: memref<10000x128xf32, #tpu.memory_space<hbm>>, %arg5: memref<128xf32, #tpu.memory_space<hbm>>, %arg6: memref<20000xf32, #tpu.memory_space<hbm>>, %arg7: memref<10000x128xf32, #tpu.memory_space<hbm>>, %arg8: memref<79x128xi32, #tpu.memory_space<vmem>>, %arg9: memref<128xf32, #tpu.memory_space<vmem>>, %arg10: memref<640xi32, #tpu.memory_space<vmem>>, %arg11: memref<128x128xf32, #tpu.memory_space<vmem>>, %arg12: memref<128x128xf32, #tpu.memory_space<vmem>>, %arg13: memref<640xf32, #tpu.memory_space<vmem>>, %arg14: memref<10128xf32, #tpu.memory_space<vmem_shared>>, %arg15: memref<!tpu.dma_semaphore, #tpu.memory_space<semaphore_mem>>) attributes {dimension_semantics = [#tpu.dimension_semantics<core_parallel>, #tpu.dimension_semantics<subcore_parallel>], iteration_bounds = array<i64: 2, 16>, scalar_prefetch = 0 : i64, scratch_operands = 8 : i64, tpu.core_type = #tpu.core_type<sc_vector_subcore>, window_params = [{transform_indices = #map}, {transform_indices = #map1}, {transform_indices = #map2}, {transform_indices = #map1}, {transform_indices = #map1}, {transform_indices = #map2}]} {
    %mul3A = arith.constant 16 : i32
    %mul3A_0 = arith.muli %arg0, %mul3A : i32
    %add3A = arith.addi %mul3A_0, %arg1 : i32
    "tpu.region"() ({
      %run_scoped3A = tpu.sem_alloc : memref<!tpu.dma_semaphore, #tpu.memory_space<semaphore_mem>>
      %dma_start3A = arith.constant 0 : i32
      %dma_start3A_260 = arith.constant 0 : i32
      %dma_start3A_261 = tpu.memref_slice %arg2[%add3A, %dma_start3A, %dma_start3A_260] : memref<32x79x128xi32, #tpu.memory_space<hbm>> -> memref<1x79x128xi32, #tpu.memory_space<hbm>>
      %dma_start3A_262 = tpu.memref_squeeze %dma_start3A_261 : memref<1x79x128xi32, #tpu.memory_space<hbm>> -> memref<79x128xi32, #tpu.memory_space<hbm>>
      %dma_start3A_263 = arith.constant 0 : i32
      %dma_start3A_264 = arith.constant 0 : i32
      %dma_start3A_265 = tpu.memref_slice %arg2[%add3A, %dma_start3A_263, %dma_start3A_264] : memref<32x79x128xi32, #tpu.memory_space<hbm>> -> memref<1x79x128xi32, #tpu.memory_space<hbm>>
      %dma_start3A_266 = tpu.memref_squeeze %dma_start3A_265 : memref<1x79x128xi32, #tpu.memory_space<hbm>> -> memref<79x128xi32, #tpu.memory_space<hbm>>
      tpu.enqueue_dma source(%dma_start3A_266 : memref<79x128xi32, #tpu.memory_space<hbm>>) target(%arg8 : memref<79x128xi32, #tpu.memory_space<vmem>>) target_semaphore(%run_scoped3A : memref<!tpu.dma_semaphore, #tpu.memory_space<semaphore_mem>>)
      %dma_wait3A = arith.constant 0 : i32
      %dma_wait3A_267 = arith.constant 0 : i32
      %dma_wait3A_268 = tpu.memref_slice %arg2[%add3A, %dma_wait3A, %dma_wait3A_267] : memref<32x79x128xi32, #tpu.memory_space<hbm>> -> memref<1x79x128xi32, #tpu.memory_space<hbm>>
      %dma_wait3A_269 = tpu.memref_squeeze %dma_wait3A_268 : memref<1x79x128xi32, #tpu.memory_space<hbm>> -> memref<79x128xi32, #tpu.memory_space<hbm>>
      %dma_wait3A_270 = arith.constant 0 : i32
      %dma_wait3A_271 = arith.constant 0 : i32
      %dma_wait3A_272 = tpu.memref_slice %arg2[%add3A, %dma_wait3A_270, %dma_wait3A_271] : memref<32x79x128xi32, #tpu.memory_space<hbm>> -> memref<1x79x128xi32, #tpu.memory_space<hbm>>
      %dma_wait3A_273 = tpu.memref_squeeze %dma_wait3A_272 : memref<1x79x128xi32, #tpu.memory_space<hbm>> -> memref<79x128xi32, #tpu.memory_space<hbm>>
      tpu.wait_dma2 semaphore(%run_scoped3A : memref<!tpu.dma_semaphore, #tpu.memory_space<semaphore_mem>>) src(%dma_wait3A_273 : memref<79x128xi32, #tpu.memory_space<hbm>>) dst(%arg8 : memref<79x128xi32, #tpu.memory_space<vmem>>)
      tpu.yield
    }) : () -> ()
    "tpu.region"() ({
      %run_scoped3A = tpu.sem_alloc : memref<!tpu.dma_semaphore, #tpu.memory_space<semaphore_mem>>
      tpu.enqueue_dma source(%arg5 : memref<128xf32, #tpu.memory_space<hbm>>) target(%arg9 : memref<128xf32, #tpu.memory_space<vmem>>) target_semaphore(%run_scoped3A : memref<!tpu.dma_semaphore, #tpu.memory_space<semaphore_mem>>)
      tpu.wait_dma2 semaphore(%run_scoped3A : memref<!tpu.dma_semaphore, #tpu.memory_space<semaphore_mem>>) src(%arg5 : memref<128xf32, #tpu.memory_space<hbm>>) dst(%arg9 : memref<128xf32, #tpu.memory_space<vmem>>)
      tpu.yield
    }) : () -> ()
    %eq3A = arith.constant 0 : i32
    %eq3A_1 = arith.cmpi eq, %arg0, %eq3A : i32
    %convert_element_type3A = arith.extui %eq3A_1 : i1 to i32
    %cond3A = arith.constant 0 : i32
    %cond3A_2 = arith.cmpi ne, %convert_element_type3A, %cond3A : i32
    scf.if %cond3A_2 {
      %mul3A_260 = arith.constant 624 : i32
      %mul3A_261 = arith.muli %arg1, %mul3A_260 : i32
      "tpu.region"() ({
        %run_scoped3A = tpu.sem_alloc : memref<!tpu.dma_semaphore, #tpu.memory_space<semaphore_mem>>
        %dma_start3A_266 = tpu.memref_slice %arg3[%mul3A_261] : memref<10000xi32, #tpu.memory_space<hbm>> -> memref<640xi32, #tpu.memory_space<hbm>>
        %dma_start3A_267 = tpu.memref_slice %arg3[%mul3A_261] : memref<10000xi32, #tpu.memory_space<hbm>> -> memref<640xi32, #tpu.memory_space<hbm>>
        tpu.enqueue_dma source(%dma_start3A_267 : memref<640xi32, #tpu.memory_space<hbm>>) target(%arg10 : memref<640xi32, #tpu.memory_space<vmem>>) target_semaphore(%run_scoped3A : memref<!tpu.dma_semaphore, #tpu.memory_space<semaphore_mem>>)
        %dma_wait3A = tpu.memref_slice %arg3[%mul3A_261] : memref<10000xi32, #tpu.memory_space<hbm>> -> memref<640xi32, #tpu.memory_space<hbm>>
        %dma_wait3A_268 = tpu.memref_slice %arg3[%mul3A_261] : memref<10000xi32, #tpu.memory_space<hbm>> -> memref<640xi32, #tpu.memory_space<hbm>>
        tpu.wait_dma2 semaphore(%run_scoped3A : memref<!tpu.dma_semaphore, #tpu.memory_space<semaphore_mem>>) src(%dma_wait3A_268 : memref<640xi32, #tpu.memory_space<hbm>>) dst(%arg10 : memref<640xi32, #tpu.memory_space<vmem>>)
        tpu.yield
      }) : () -> ()
      %dma_start3A = arith.constant 0 : i32
      %dma_start3A_262 = tpu.memref_slice %arg10[%dma_start3A] : memref<640xi32, #tpu.memory_space<vmem>> -> memref<128xi32, #tpu.memory_space<vmem>>
      %dma_start3A_263 = arith.constant 0 : i32
      %dma_start3A_264 = arith.constant 0 : i32
      %dma_start3A_265 = tpu.memref_slice %arg4[%dma_start3A_263, %dma_start3A_264] : memref<10000x128xf32, #tpu.memory_space<hbm>> -> memref<10000x128xf32, #tpu.memory_space<hbm>>
      tpu.enqueue_indirect_dma source(%dma_start3A_265 : memref<10000x128xf32, #tpu.memory_space<hbm>>) target(%arg11 : memref<128x128xf32, #tpu.memory_space<vmem>>) offsets(%dma_start3A_262 : memref<128xi32, #tpu.memory_space<vmem>>) semaphore(%arg15 : memref<!tpu.dma_semaphore, #tpu.memory_space<semaphore_mem>>)
    } else {
    }
    %broadcast_in_dim3A = arith.constant 0.000000e+00 : f32
    %broadcast_in_dim3A_3 = vector.broadcast %broadcast_in_dim3A : f32 to vector<16xf32>
    %swap3A = arith.constant 0 : index
    %swap3A_4 = tpu.vector_load %arg13[%swap3A] {strides = array<i32>} : memref<640xf32, #tpu.memory_space<vmem>>, vector<16xf32>,
    %swap3A_5 = vector.shape_cast %swap3A_4 : vector<16xf32> to vector<16xf32>
    %swap3A_6 = vector.shape_cast %broadcast_in_dim3A_3 : vector<16xf32> to vector<16xf32>
    tpu.vector_store %arg13[%swap3A], %swap3A_6 {strides = array<i32>} : memref<640xf32, #tpu.memory_space<vmem>>, vector<16xf32>,
    %broadcast_in_dim3A_7 = arith.constant 0.000000e+00 : f32
    %broadcast_in_dim3A_8 = vector.broadcast %broadcast_in_dim3A_7 : f32 to vector<16xf32>
    %swap3A_9 = arith.constant 16 : index
    %swap3A_10 = tpu.vector_load %arg13[%swap3A_9] {strides = array<i32>} : memref<640xf32, #tpu.memory_space<vmem>>, vector<16xf32>,
    %swap3A_11 = vector.shape_cast %swap3A_10 : vector<16xf32> to vector<16xf32>
    %swap3A_12 = vector.shape_cast %broadcast_in_dim3A_8 : vector<16xf32> to vector<16xf32>
    tpu.vector_store %arg13[%swap3A_9], %swap3A_12 {strides = array<i32>} : memref<640xf32, #tpu.memory_space<vmem>>, vector<16xf32>,
    %broadcast_in_dim3A_13 = arith.constant 0.000000e+00 : f32
    %broadcast_in_dim3A_14 = vector.broadcast %broadcast_in_dim3A_13 : f32 to vector<16xf32>
    %swap3A_15 = arith.constant 32 : index
    %swap3A_16 = tpu.vector_load %arg13[%swap3A_15] {strides = array<i32>} : memref<640xf32, #tpu.memory_space<vmem>>, vector<16xf32>,
    %swap3A_17 = vector.shape_cast %swap3A_16 : vector<16xf32> to vector<16xf32>
    %swap3A_18 = vector.shape_cast %broadcast_in_dim3A_14 : vector<16xf32> to vector<16xf32>
    tpu.vector_store %arg13[%swap3A_15], %swap3A_18 {strides = array<i32>} : memref<640xf32, #tpu.memory_space<vmem>>, vector<16xf32>,
    %broadcast_in_dim3A_19 = arith.constant 0.000000e+00 : f32
    %broadcast_in_dim3A_20 = vector.broadcast %broadcast_in_dim3A_19 : f32 to vector<16xf32>
    %swap3A_21 = arith.constant 48 : index
    %swap3A_22 = tpu.vector_load %arg13[%swap3A_21] {strides = array<i32>} : memref<640xf32, #tpu.memory_space<vmem>>, vector<16xf32>,
    %swap3A_23 = vector.shape_cast %swap3A_22 : vector<16xf32> to vector<16xf32>
    %swap3A_24 = vector.shape_cast %broadcast_in_dim3A_20 : vector<16xf32> to vector<16xf32>
    tpu.vector_store %arg13[%swap3A_21], %swap3A_24 {strides = array<i32>} : memref<640xf32, #tpu.memory_space<vmem>>, vector<16xf32>,
    %broadcast_in_dim3A_25 = arith.constant 0.000000e+00 : f32
    %broadcast_in_dim3A_26 = vector.broadcast %broadcast_in_dim3A_25 : f32 to vector<16xf32>
    %swap3A_27 = arith.constant 64 : index
    %swap3A_28 = tpu.vector_load %arg13[%swap3A_27] {strides = array<i32>} : memref<640xf32, #tpu.memory_space<vmem>>, vector<16xf32>,
    %swap3A_29 = vector.shape_cast %swap3A_28 : vector<16xf32> to vector<16xf32>
    %swap3A_30 = vector.shape_cast %broadcast_in_dim3A_26 : vector<16xf32> to vector<16xf32>
    tpu.vector_store %arg13[%swap3A_27], %swap3A_30 {strides = array<i32>} : memref<640xf32, #tpu.memory_space<vmem>>, vector<16xf32>,
    %broadcast_in_dim3A_31 = arith.constant 0.000000e+00 : f32
    %broadcast_in_dim3A_32 = vector.broadcast %broadcast_in_dim3A_31 : f32 to vector<16xf32>
    %swap3A_33 = arith.constant 80 : index
    %swap3A_34 = tpu.vector_load %arg13[%swap3A_33] {strides = array<i32>} : memref<640xf32, #tpu.memory_space<vmem>>, vector<16xf32>,
    %swap3A_35 = vector.shape_cast %swap3A_34 : vector<16xf32> to vector<16xf32>
    %swap3A_36 = vector.shape_cast %broadcast_in_dim3A_32 : vector<16xf32> to vector<16xf32>
    tpu.vector_store %arg13[%swap3A_33], %swap3A_36 {strides = array<i32>} : memref<640xf32, #tpu.memory_space<vmem>>, vector<16xf32>,
    %broadcast_in_dim3A_37 = arith.constant 0.000000e+00 : f32
    %broadcast_in_dim3A_38 = vector.broadcast %broadcast_in_dim3A_37 : f32 to vector<16xf32>
    %swap3A_39 = arith.constant 96 : index
    %swap3A_40 = tpu.vector_load %arg13[%swap3A_39] {strides = array<i32>} : memref<640xf32, #tpu.memory_space<vmem>>, vector<16xf32>,
    %swap3A_41 = vector.shape_cast %swap3A_40 : vector<16xf32> to vector<16xf32>
    %swap3A_42 = vector.shape_cast %broadcast_in_dim3A_38 : vector<16xf32> to vector<16xf32>
    tpu.vector_store %arg13[%swap3A_39], %swap3A_42 {strides = array<i32>} : memref<640xf32, #tpu.memory_space<vmem>>, vector<16xf32>,
    %broadcast_in_dim3A_43 = arith.constant 0.000000e+00 : f32
    %broadcast_in_dim3A_44 = vector.broadcast %broadcast_in_dim3A_43 : f32 to vector<16xf32>
    %swap3A_45 = arith.constant 112 : index
    %swap3A_46 = tpu.vector_load %arg13[%swap3A_45] {strides = array<i32>} : memref<640xf32, #tpu.memory_space<vmem>>, vector<16xf32>,
    %swap3A_47 = vector.shape_cast %swap3A_46 : vector<16xf32> to vector<16xf32>
    %swap3A_48 = vector.shape_cast %broadcast_in_dim3A_44 : vector<16xf32> to vector<16xf32>
    tpu.vector_store %arg13[%swap3A_45], %swap3A_48 {strides = array<i32>} : memref<640xf32, #tpu.memory_space<vmem>>, vector<16xf32>,
    %broadcast_in_dim3A_49 = arith.constant 0.000000e+00 : f32
    %broadcast_in_dim3A_50 = vector.broadcast %broadcast_in_dim3A_49 : f32 to vector<16xf32>
    %swap3A_51 = arith.constant 128 : index
    %swap3A_52 = tpu.vector_load %arg13[%swap3A_51] {strides = array<i32>} : memref<640xf32, #tpu.memory_space<vmem>>, vector<16xf32>,
    %swap3A_53 = vector.shape_cast %swap3A_52 : vector<16xf32> to vector<16xf32>
    %swap3A_54 = vector.shape_cast %broadcast_in_dim3A_50 : vector<16xf32> to vector<16xf32>
    tpu.vector_store %arg13[%swap3A_51], %swap3A_54 {strides = array<i32>} : memref<640xf32, #tpu.memory_space<vmem>>, vector<16xf32>,
    %broadcast_in_dim3A_55 = arith.constant 0.000000e+00 : f32
    %broadcast_in_dim3A_56 = vector.broadcast %broadcast_in_dim3A_55 : f32 to vector<16xf32>
    %swap3A_57 = arith.constant 144 : index
    %swap3A_58 = tpu.vector_load %arg13[%swap3A_57] {strides = array<i32>} : memref<640xf32, #tpu.memory_space<vmem>>, vector<16xf32>,
    %swap3A_59 = vector.shape_cast %swap3A_58 : vector<16xf32> to vector<16xf32>
    %swap3A_60 = vector.shape_cast %broadcast_in_dim3A_56 : vector<16xf32> to vector<16xf32>
    tpu.vector_store %arg13[%swap3A_57], %swap3A_60 {strides = array<i32>} : memref<640xf32, #tpu.memory_space<vmem>>, vector<16xf32>,
    %broadcast_in_dim3A_61 = arith.constant 0.000000e+00 : f32
    %broadcast_in_dim3A_62 = vector.broadcast %broadcast_in_dim3A_61 : f32 to vector<16xf32>
    %swap3A_63 = arith.constant 160 : index
    %swap3A_64 = tpu.vector_load %arg13[%swap3A_63] {strides = array<i32>} : memref<640xf32, #tpu.memory_space<vmem>>, vector<16xf32>,
    %swap3A_65 = vector.shape_cast %swap3A_64 : vector<16xf32> to vector<16xf32>
    %swap3A_66 = vector.shape_cast %broadcast_in_dim3A_62 : vector<16xf32> to vector<16xf32>
    tpu.vector_store %arg13[%swap3A_63], %swap3A_66 {strides = array<i32>} : memref<640xf32, #tpu.memory_space<vmem>>, vector<16xf32>,
    %broadcast_in_dim3A_67 = arith.constant 0.000000e+00 : f32
    %broadcast_in_dim3A_68 = vector.broadcast %broadcast_in_dim3A_67 : f32 to vector<16xf32>
    %swap3A_69 = arith.constant 176 : index
    %swap3A_70 = tpu.vector_load %arg13[%swap3A_69] {strides = array<i32>} : memref<640xf32, #tpu.memory_space<vmem>>, vector<16xf32>,
    %swap3A_71 = vector.shape_cast %swap3A_70 : vector<16xf32> to vector<16xf32>
    %swap3A_72 = vector.shape_cast %broadcast_in_dim3A_68 : vector<16xf32> to vector<16xf32>
    tpu.vector_store %arg13[%swap3A_69], %swap3A_72 {strides = array<i32>} : memref<640xf32, #tpu.memory_space<vmem>>, vector<16xf32>,
    %broadcast_in_dim3A_73 = arith.constant 0.000000e+00 : f32
    %broadcast_in_dim3A_74 = vector.broadcast %broadcast_in_dim3A_73 : f32 to vector<16xf32>
    %swap3A_75 = arith.constant 192 : index
    %swap3A_76 = tpu.vector_load %arg13[%swap3A_75] {strides = array<i32>} : memref<640xf32, #tpu.memory_space<vmem>>, vector<16xf32>,
    %swap3A_77 = vector.shape_cast %swap3A_76 : vector<16xf32> to vector<16xf32>
    %swap3A_78 = vector.shape_cast %broadcast_in_dim3A_74 : vector<16xf32> to vector<16xf32>
    tpu.vector_store %arg13[%swap3A_75], %swap3A_78 {strides = array<i32>} : memref<640xf32, #tpu.memory_space<vmem>>, vector<16xf32>,
    %broadcast_in_dim3A_79 = arith.constant 0.000000e+00 : f32
    %broadcast_in_dim3A_80 = vector.broadcast %broadcast_in_dim3A_79 : f32 to vector<16xf32>
    %swap3A_81 = arith.constant 208 : index
    %swap3A_82 = tpu.vector_load %arg13[%swap3A_81] {strides = array<i32>} : memref<640xf32, #tpu.memory_space<vmem>>, vector<16xf32>,
    %swap3A_83 = vector.shape_cast %swap3A_82 : vector<16xf32> to vector<16xf32>
    %swap3A_84 = vector.shape_cast %broadcast_in_dim3A_80 : vector<16xf32> to vector<16xf32>
    tpu.vector_store %arg13[%swap3A_81], %swap3A_84 {strides = array<i32>} : memref<640xf32, #tpu.memory_space<vmem>>, vector<16xf32>,
    %broadcast_in_dim3A_85 = arith.constant 0.000000e+00 : f32
    %broadcast_in_dim3A_86 = vector.broadcast %broadcast_in_dim3A_85 : f32 to vector<16xf32>
    %swap3A_87 = arith.constant 224 : index
    %swap3A_88 = tpu.vector_load %arg13[%swap3A_87] {strides = array<i32>} : memref<640xf32, #tpu.memory_space<vmem>>, vector<16xf32>,
    %swap3A_89 = vector.shape_cast %swap3A_88 : vector<16xf32> to vector<16xf32>
    %swap3A_90 = vector.shape_cast %broadcast_in_dim3A_86 : vector<16xf32> to vector<16xf32>
    tpu.vector_store %arg13[%swap3A_87], %swap3A_90 {strides = array<i32>} : memref<640xf32, #tpu.memory_space<vmem>>, vector<16xf32>,
    %broadcast_in_dim3A_91 = arith.constant 0.000000e+00 : f32
    %broadcast_in_dim3A_92 = vector.broadcast %broadcast_in_dim3A_91 : f32 to vector<16xf32>
    %swap3A_93 = arith.constant 240 : index
    %swap3A_94 = tpu.vector_load %arg13[%swap3A_93] {strides = array<i32>} : memref<640xf32, #tpu.memory_space<vmem>>, vector<16xf32>,
    %swap3A_95 = vector.shape_cast %swap3A_94 : vector<16xf32> to vector<16xf32>
    %swap3A_96 = vector.shape_cast %broadcast_in_dim3A_92 : vector<16xf32> to vector<16xf32>
    tpu.vector_store %arg13[%swap3A_93], %swap3A_96 {strides = array<i32>} : memref<640xf32, #tpu.memory_space<vmem>>, vector<16xf32>,
    %broadcast_in_dim3A_97 = arith.constant 0.000000e+00 : f32
    %broadcast_in_dim3A_98 = vector.broadcast %broadcast_in_dim3A_97 : f32 to vector<16xf32>
    %swap3A_99 = arith.constant 256 : index
    %swap3A_100 = tpu.vector_load %arg13[%swap3A_99] {strides = array<i32>} : memref<640xf32, #tpu.memory_space<vmem>>, vector<16xf32>,
    %swap3A_101 = vector.shape_cast %swap3A_100 : vector<16xf32> to vector<16xf32>
    %swap3A_102 = vector.shape_cast %broadcast_in_dim3A_98 : vector<16xf32> to vector<16xf32>
    tpu.vector_store %arg13[%swap3A_99], %swap3A_102 {strides = array<i32>} : memref<640xf32, #tpu.memory_space<vmem>>, vector<16xf32>,
    %broadcast_in_dim3A_103 = arith.constant 0.000000e+00 : f32
    %broadcast_in_dim3A_104 = vector.broadcast %broadcast_in_dim3A_103 : f32 to vector<16xf32>
    %swap3A_105 = arith.constant 272 : index
    %swap3A_106 = tpu.vector_load %arg13[%swap3A_105] {strides = array<i32>} : memref<640xf32, #tpu.memory_space<vmem>>, vector<16xf32>,
    %swap3A_107 = vector.shape_cast %swap3A_106 : vector<16xf32> to vector<16xf32>
    %swap3A_108 = vector.shape_cast %broadcast_in_dim3A_104 : vector<16xf32> to vector<16xf32>
    tpu.vector_store %arg13[%swap3A_105], %swap3A_108 {strides = array<i32>} : memref<640xf32, #tpu.memory_space<vmem>>, vector<16xf32>,
    %broadcast_in_dim3A_109 = arith.constant 0.000000e+00 : f32
    %broadcast_in_dim3A_110 = vector.broadcast %broadcast_in_dim3A_109 : f32 to vector<16xf32>
    %swap3A_111 = arith.constant 288 : index
    %swap3A_112 = tpu.vector_load %arg13[%swap3A_111] {strides = array<i32>} : memref<640xf32, #tpu.memory_space<vmem>>, vector<16xf32>,
    %swap3A_113 = vector.shape_cast %swap3A_112 : vector<16xf32> to vector<16xf32>
    %swap3A_114 = vector.shape_cast %broadcast_in_dim3A_110 : vector<16xf32> to vector<16xf32>
    tpu.vector_store %arg13[%swap3A_111], %swap3A_114 {strides = array<i32>} : memref<640xf32, #tpu.memory_space<vmem>>, vector<16xf32>,
    %broadcast_in_dim3A_115 = arith.constant 0.000000e+00 : f32
    %broadcast_in_dim3A_116 = vector.broadcast %broadcast_in_dim3A_115 : f32 to vector<16xf32>
    %swap3A_117 = arith.constant 304 : index
    %swap3A_118 = tpu.vector_load %arg13[%swap3A_117] {strides = array<i32>} : memref<640xf32, #tpu.memory_space<vmem>>, vector<16xf32>,
    %swap3A_119 = vector.shape_cast %swap3A_118 : vector<16xf32> to vector<16xf32>
    %swap3A_120 = vector.shape_cast %broadcast_in_dim3A_116 : vector<16xf32> to vector<16xf32>
    tpu.vector_store %arg13[%swap3A_117], %swap3A_120 {strides = array<i32>} : memref<640xf32, #tpu.memory_space<vmem>>, vector<16xf32>,
    %broadcast_in_dim3A_121 = arith.constant 0.000000e+00 : f32
    %broadcast_in_dim3A_122 = vector.broadcast %broadcast_in_dim3A_121 : f32 to vector<16xf32>
    %swap3A_123 = arith.constant 320 : index
    %swap3A_124 = tpu.vector_load %arg13[%swap3A_123] {strides = array<i32>} : memref<640xf32, #tpu.memory_space<vmem>>, vector<16xf32>,
    %swap3A_125 = vector.shape_cast %swap3A_124 : vector<16xf32> to vector<16xf32>
    %swap3A_126 = vector.shape_cast %broadcast_in_dim3A_122 : vector<16xf32> to vector<16xf32>
    tpu.vector_store %arg13[%swap3A_123], %swap3A_126 {strides = array<i32>} : memref<640xf32, #tpu.memory_space<vmem>>, vector<16xf32>,
    %broadcast_in_dim3A_127 = arith.constant 0.000000e+00 : f32
    %broadcast_in_dim3A_128 = vector.broadcast %broadcast_in_dim3A_127 : f32 to vector<16xf32>
    %swap3A_129 = arith.constant 336 : index
    %swap3A_130 = tpu.vector_load %arg13[%swap3A_129] {strides = array<i32>} : memref<640xf32, #tpu.memory_space<vmem>>, vector<16xf32>,
    %swap3A_131 = vector.shape_cast %swap3A_130 : vector<16xf32> to vector<16xf32>
    %swap3A_132 = vector.shape_cast %broadcast_in_dim3A_128 : vector<16xf32> to vector<16xf32>
    tpu.vector_store %arg13[%swap3A_129], %swap3A_132 {strides = array<i32>} : memref<640xf32, #tpu.memory_space<vmem>>, vector<16xf32>,
    %broadcast_in_dim3A_133 = arith.constant 0.000000e+00 : f32
    %broadcast_in_dim3A_134 = vector.broadcast %broadcast_in_dim3A_133 : f32 to vector<16xf32>
    %swap3A_135 = arith.constant 352 : index
    %swap3A_136 = tpu.vector_load %arg13[%swap3A_135] {strides = array<i32>} : memref<640xf32, #tpu.memory_space<vmem>>, vector<16xf32>,
    %swap3A_137 = vector.shape_cast %swap3A_136 : vector<16xf32> to vector<16xf32>
    %swap3A_138 = vector.shape_cast %broadcast_in_dim3A_134 : vector<16xf32> to vector<16xf32>
    tpu.vector_store %arg13[%swap3A_135], %swap3A_138 {strides = array<i32>} : memref<640xf32, #tpu.memory_space<vmem>>, vector<16xf32>,
    %broadcast_in_dim3A_139 = arith.constant 0.000000e+00 : f32
    %broadcast_in_dim3A_140 = vector.broadcast %broadcast_in_dim3A_139 : f32 to vector<16xf32>
    %swap3A_141 = arith.constant 368 : index
    %swap3A_142 = tpu.vector_load %arg13[%swap3A_141] {strides = array<i32>} : memref<640xf32, #tpu.memory_space<vmem>>, vector<16xf32>,
    %swap3A_143 = vector.shape_cast %swap3A_142 : vector<16xf32> to vector<16xf32>
    %swap3A_144 = vector.shape_cast %broadcast_in_dim3A_140 : vector<16xf32> to vector<16xf32>
    tpu.vector_store %arg13[%swap3A_141], %swap3A_144 {strides = array<i32>} : memref<640xf32, #tpu.memory_space<vmem>>, vector<16xf32>,
    %broadcast_in_dim3A_145 = arith.constant 0.000000e+00 : f32
    %broadcast_in_dim3A_146 = vector.broadcast %broadcast_in_dim3A_145 : f32 to vector<16xf32>
    %swap3A_147 = arith.constant 384 : index
    %swap3A_148 = tpu.vector_load %arg13[%swap3A_147] {strides = array<i32>} : memref<640xf32, #tpu.memory_space<vmem>>, vector<16xf32>,
    %swap3A_149 = vector.shape_cast %swap3A_148 : vector<16xf32> to vector<16xf32>
    %swap3A_150 = vector.shape_cast %broadcast_in_dim3A_146 : vector<16xf32> to vector<16xf32>
    tpu.vector_store %arg13[%swap3A_147], %swap3A_150 {strides = array<i32>} : memref<640xf32, #tpu.memory_space<vmem>>, vector<16xf32>,
    %broadcast_in_dim3A_151 = arith.constant 0.000000e+00 : f32
    %broadcast_in_dim3A_152 = vector.broadcast %broadcast_in_dim3A_151 : f32 to vector<16xf32>
    %swap3A_153 = arith.constant 400 : index
    %swap3A_154 = tpu.vector_load %arg13[%swap3A_153] {strides = array<i32>} : memref<640xf32, #tpu.memory_space<vmem>>, vector<16xf32>,
    %swap3A_155 = vector.shape_cast %swap3A_154 : vector<16xf32> to vector<16xf32>
    %swap3A_156 = vector.shape_cast %broadcast_in_dim3A_152 : vector<16xf32> to vector<16xf32>
    tpu.vector_store %arg13[%swap3A_153], %swap3A_156 {strides = array<i32>} : memref<640xf32, #tpu.memory_space<vmem>>, vector<16xf32>,
    %broadcast_in_dim3A_157 = arith.constant 0.000000e+00 : f32
    %broadcast_in_dim3A_158 = vector.broadcast %broadcast_in_dim3A_157 : f32 to vector<16xf32>
    %swap3A_159 = arith.constant 416 : index
    %swap3A_160 = tpu.vector_load %arg13[%swap3A_159] {strides = array<i32>} : memref<640xf32, #tpu.memory_space<vmem>>, vector<16xf32>,
    %swap3A_161 = vector.shape_cast %swap3A_160 : vector<16xf32> to vector<16xf32>
    %swap3A_162 = vector.shape_cast %broadcast_in_dim3A_158 : vector<16xf32> to vector<16xf32>
    tpu.vector_store %arg13[%swap3A_159], %swap3A_162 {strides = array<i32>} : memref<640xf32, #tpu.memory_space<vmem>>, vector<16xf32>,
    %broadcast_in_dim3A_163 = arith.constant 0.000000e+00 : f32
    %broadcast_in_dim3A_164 = vector.broadcast %broadcast_in_dim3A_163 : f32 to vector<16xf32>
    %swap3A_165 = arith.constant 432 : index
    %swap3A_166 = tpu.vector_load %arg13[%swap3A_165] {strides = array<i32>} : memref<640xf32, #tpu.memory_space<vmem>>, vector<16xf32>,
    %swap3A_167 = vector.shape_cast %swap3A_166 : vector<16xf32> to vector<16xf32>
    %swap3A_168 = vector.shape_cast %broadcast_in_dim3A_164 : vector<16xf32> to vector<16xf32>
    tpu.vector_store %arg13[%swap3A_165], %swap3A_168 {strides = array<i32>} : memref<640xf32, #tpu.memory_space<vmem>>, vector<16xf32>,
    %broadcast_in_dim3A_169 = arith.constant 0.000000e+00 : f32
    %broadcast_in_dim3A_170 = vector.broadcast %broadcast_in_dim3A_169 : f32 to vector<16xf32>
    %swap3A_171 = arith.constant 448 : index
    %swap3A_172 = tpu.vector_load %arg13[%swap3A_171] {strides = array<i32>} : memref<640xf32, #tpu.memory_space<vmem>>, vector<16xf32>,
    %swap3A_173 = vector.shape_cast %swap3A_172 : vector<16xf32> to vector<16xf32>
    %swap3A_174 = vector.shape_cast %broadcast_in_dim3A_170 : vector<16xf32> to vector<16xf32>
    tpu.vector_store %arg13[%swap3A_171], %swap3A_174 {strides = array<i32>} : memref<640xf32, #tpu.memory_space<vmem>>, vector<16xf32>,
    %broadcast_in_dim3A_175 = arith.constant 0.000000e+00 : f32
    %broadcast_in_dim3A_176 = vector.broadcast %broadcast_in_dim3A_175 : f32 to vector<16xf32>
    %swap3A_177 = arith.constant 464 : index
    %swap3A_178 = tpu.vector_load %arg13[%swap3A_177] {strides = array<i32>} : memref<640xf32, #tpu.memory_space<vmem>>, vector<16xf32>,
    %swap3A_179 = vector.shape_cast %swap3A_178 : vector<16xf32> to vector<16xf32>
    %swap3A_180 = vector.shape_cast %broadcast_in_dim3A_176 : vector<16xf32> to vector<16xf32>
    tpu.vector_store %arg13[%swap3A_177], %swap3A_180 {strides = array<i32>} : memref<640xf32, #tpu.memory_space<vmem>>, vector<16xf32>,
    %broadcast_in_dim3A_181 = arith.constant 0.000000e+00 : f32
    %broadcast_in_dim3A_182 = vector.broadcast %broadcast_in_dim3A_181 : f32 to vector<16xf32>
    %swap3A_183 = arith.constant 480 : index
    %swap3A_184 = tpu.vector_load %arg13[%swap3A_183] {strides = array<i32>} : memref<640xf32, #tpu.memory_space<vmem>>, vector<16xf32>,
    %swap3A_185 = vector.shape_cast %swap3A_184 : vector<16xf32> to vector<16xf32>
    %swap3A_186 = vector.shape_cast %broadcast_in_dim3A_182 : vector<16xf32> to vector<16xf32>
    tpu.vector_store %arg13[%swap3A_183], %swap3A_186 {strides = array<i32>} : memref<640xf32, #tpu.memory_space<vmem>>, vector<16xf32>,
    %broadcast_in_dim3A_187 = arith.constant 0.000000e+00 : f32
    %broadcast_in_dim3A_188 = vector.broadcast %broadcast_in_dim3A_187 : f32 to vector<16xf32>
    %swap3A_189 = arith.constant 496 : index
    %swap3A_190 = tpu.vector_load %arg13[%swap3A_189] {strides = array<i32>} : memref<640xf32, #tpu.memory_space<vmem>>, vector<16xf32>,
    %swap3A_191 = vector.shape_cast %swap3A_190 : vector<16xf32> to vector<16xf32>
    %swap3A_192 = vector.shape_cast %broadcast_in_dim3A_188 : vector<16xf32> to vector<16xf32>
    tpu.vector_store %arg13[%swap3A_189], %swap3A_192 {strides = array<i32>} : memref<640xf32, #tpu.memory_space<vmem>>, vector<16xf32>,
    %broadcast_in_dim3A_193 = arith.constant 0.000000e+00 : f32
    %broadcast_in_dim3A_194 = vector.broadcast %broadcast_in_dim3A_193 : f32 to vector<16xf32>
    %swap3A_195 = arith.constant 512 : index
    %swap3A_196 = tpu.vector_load %arg13[%swap3A_195] {strides = array<i32>} : memref<640xf32, #tpu.memory_space<vmem>>, vector<16xf32>,
    %swap3A_197 = vector.shape_cast %swap3A_196 : vector<16xf32> to vector<16xf32>
    %swap3A_198 = vector.shape_cast %broadcast_in_dim3A_194 : vector<16xf32> to vector<16xf32>
    tpu.vector_store %arg13[%swap3A_195], %swap3A_198 {strides = array<i32>} : memref<640xf32, #tpu.memory_space<vmem>>, vector<16xf32>,
    %broadcast_in_dim3A_199 = arith.constant 0.000000e+00 : f32
    %broadcast_in_dim3A_200 = vector.broadcast %broadcast_in_dim3A_199 : f32 to vector<16xf32>
    %swap3A_201 = arith.constant 528 : index
    %swap3A_202 = tpu.vector_load %arg13[%swap3A_201] {strides = array<i32>} : memref<640xf32, #tpu.memory_space<vmem>>, vector<16xf32>,
    %swap3A_203 = vector.shape_cast %swap3A_202 : vector<16xf32> to vector<16xf32>
    %swap3A_204 = vector.shape_cast %broadcast_in_dim3A_200 : vector<16xf32> to vector<16xf32>
    tpu.vector_store %arg13[%swap3A_201], %swap3A_204 {strides = array<i32>} : memref<640xf32, #tpu.memory_space<vmem>>, vector<16xf32>,
    %broadcast_in_dim3A_205 = arith.constant 0.000000e+00 : f32
    %broadcast_in_dim3A_206 = vector.broadcast %broadcast_in_dim3A_205 : f32 to vector<16xf32>
    %swap3A_207 = arith.constant 544 : index
    %swap3A_208 = tpu.vector_load %arg13[%swap3A_207] {strides = array<i32>} : memref<640xf32, #tpu.memory_space<vmem>>, vector<16xf32>,
    %swap3A_209 = vector.shape_cast %swap3A_208 : vector<16xf32> to vector<16xf32>
    %swap3A_210 = vector.shape_cast %broadcast_in_dim3A_206 : vector<16xf32> to vector<16xf32>
    tpu.vector_store %arg13[%swap3A_207], %swap3A_210 {strides = array<i32>} : memref<640xf32, #tpu.memory_space<vmem>>, vector<16xf32>,
    %broadcast_in_dim3A_211 = arith.constant 0.000000e+00 : f32
    %broadcast_in_dim3A_212 = vector.broadcast %broadcast_in_dim3A_211 : f32 to vector<16xf32>
    %swap3A_213 = arith.constant 560 : index
    %swap3A_214 = tpu.vector_load %arg13[%swap3A_213] {strides = array<i32>} : memref<640xf32, #tpu.memory_space<vmem>>, vector<16xf32>,
    %swap3A_215 = vector.shape_cast %swap3A_214 : vector<16xf32> to vector<16xf32>
    %swap3A_216 = vector.shape_cast %broadcast_in_dim3A_212 : vector<16xf32> to vector<16xf32>
    tpu.vector_store %arg13[%swap3A_213], %swap3A_216 {strides = array<i32>} : memref<640xf32, #tpu.memory_space<vmem>>, vector<16xf32>,
    %broadcast_in_dim3A_217 = arith.constant 0.000000e+00 : f32
    %broadcast_in_dim3A_218 = vector.broadcast %broadcast_in_dim3A_217 : f32 to vector<16xf32>
    %swap3A_219 = arith.constant 576 : index
    %swap3A_220 = tpu.vector_load %arg13[%swap3A_219] {strides = array<i32>} : memref<640xf32, #tpu.memory_space<vmem>>, vector<16xf32>,
    %swap3A_221 = vector.shape_cast %swap3A_220 : vector<16xf32> to vector<16xf32>
    %swap3A_222 = vector.shape_cast %broadcast_in_dim3A_218 : vector<16xf32> to vector<16xf32>
    tpu.vector_store %arg13[%swap3A_219], %swap3A_222 {strides = array<i32>} : memref<640xf32, #tpu.memory_space<vmem>>, vector<16xf32>,
    %broadcast_in_dim3A_223 = arith.constant 0.000000e+00 : f32
    %broadcast_in_dim3A_224 = vector.broadcast %broadcast_in_dim3A_223 : f32 to vector<16xf32>
    %swap3A_225 = arith.constant 592 : index
    %swap3A_226 = tpu.vector_load %arg13[%swap3A_225] {strides = array<i32>} : memref<640xf32, #tpu.memory_space<vmem>>, vector<16xf32>,
    %swap3A_227 = vector.shape_cast %swap3A_226 : vector<16xf32> to vector<16xf32>
    %swap3A_228 = vector.shape_cast %broadcast_in_dim3A_224 : vector<16xf32> to vector<16xf32>
    tpu.vector_store %arg13[%swap3A_225], %swap3A_228 {strides = array<i32>} : memref<640xf32, #tpu.memory_space<vmem>>, vector<16xf32>,
    %broadcast_in_dim3A_229 = arith.constant 0.000000e+00 : f32
    %broadcast_in_dim3A_230 = vector.broadcast %broadcast_in_dim3A_229 : f32 to vector<16xf32>
    %swap3A_231 = arith.constant 608 : index
    %swap3A_232 = tpu.vector_load %arg13[%swap3A_231] {strides = array<i32>} : memref<640xf32, #tpu.memory_space<vmem>>, vector<16xf32>,
    %swap3A_233 = vector.shape_cast %swap3A_232 : vector<16xf32> to vector<16xf32>
    %swap3A_234 = vector.shape_cast %broadcast_in_dim3A_230 : vector<16xf32> to vector<16xf32>
    tpu.vector_store %arg13[%swap3A_231], %swap3A_234 {strides = array<i32>} : memref<640xf32, #tpu.memory_space<vmem>>, vector<16xf32>,
    %broadcast_in_dim3A_235 = arith.constant 0.000000e+00 : f32
    %broadcast_in_dim3A_236 = vector.broadcast %broadcast_in_dim3A_235 : f32 to vector<16xf32>
    %swap3A_237 = arith.constant 624 : index
    %swap3A_238 = tpu.vector_load %arg13[%swap3A_237] {strides = array<i32>} : memref<640xf32, #tpu.memory_space<vmem>>, vector<16xf32>,
    %swap3A_239 = vector.shape_cast %swap3A_238 : vector<16xf32> to vector<16xf32>
    %swap3A_240 = vector.shape_cast %broadcast_in_dim3A_236 : vector<16xf32> to vector<16xf32>
    tpu.vector_store %arg13[%swap3A_237], %swap3A_240 {strides = array<i32>} : memref<640xf32, #tpu.memory_space<vmem>>, vector<16xf32>,
    %mul3A_241 = arith.constant 624 : i32
    %mul3A_242 = arith.muli %arg1, %mul3A_241 : i32
    "tpu.region"() ({
      %run_scoped3A = tpu.sem_alloc : memref<!tpu.dma_semaphore, #tpu.memory_space<semaphore_mem>>
      %dma_start3A = tpu.memref_slice %arg14[%mul3A_242] : memref<10128xf32, #tpu.memory_space<vmem_shared>> -> memref<640xf32, #tpu.memory_space<vmem_shared>>
      %dma_start3A_260 = tpu.memref_slice %arg14[%mul3A_242] : memref<10128xf32, #tpu.memory_space<vmem_shared>> -> memref<640xf32, #tpu.memory_space<vmem_shared>>
      tpu.enqueue_dma source(%arg13 : memref<640xf32, #tpu.memory_space<vmem>>) target(%dma_start3A_260 : memref<640xf32, #tpu.memory_space<vmem_shared>>) target_semaphore(%run_scoped3A : memref<!tpu.dma_semaphore, #tpu.memory_space<semaphore_mem>>)
      %dma_wait3A = tpu.memref_slice %arg14[%mul3A_242] : memref<10128xf32, #tpu.memory_space<vmem_shared>> -> memref<640xf32, #tpu.memory_space<vmem_shared>>
      %dma_wait3A_261 = tpu.memref_slice %arg14[%mul3A_242] : memref<10128xf32, #tpu.memory_space<vmem_shared>> -> memref<640xf32, #tpu.memory_space<vmem_shared>>
      tpu.wait_dma2 semaphore(%run_scoped3A : memref<!tpu.dma_semaphore, #tpu.memory_space<semaphore_mem>>) src(%arg13 : memref<640xf32, #tpu.memory_space<vmem>>) dst(%dma_wait3A_261 : memref<640xf32, #tpu.memory_space<vmem_shared>>)
      tpu.yield
    }) : () -> ()
    %barrier3A = arith.constant 0 : index
    tpu.barrier barrier_id(%barrier3A)
    %scan3A = arith.constant 0 : i32
    %scan3A_243 = arith.constant 79 : i32
    %scan3A_244 = arith.addi %scan3A, %scan3A_243 : i32
    %scan3A_245 = arith.constant 1 : i32
    scf.for %scan3A_260 = %scan3A to %scan3A_244 step %scan3A_245  : i32 {
      %mul3A_261 = arith.constant 1 : i32
      %mul3A_262 = arith.muli %scan3A_260, %mul3A_261 : i32
      %add3A_263 = arith.constant 0 : i32
      %add3A_264 = arith.addi %add3A_263, %mul3A_262 : i32
      "tpu.region"() ({
        %run_scoped3A = tpu.sem_alloc : memref<!tpu.dma_semaphore, #tpu.memory_space<semaphore_mem>>
        %dma_start3A = arith.constant 0 : i32
        %dma_start3A_265 = tpu.memref_slice %arg8[%add3A_264, %dma_start3A] : memref<79x128xi32, #tpu.memory_space<vmem>> -> memref<1x128xi32, #tpu.memory_space<vmem>>
        %dma_start3A_266 = tpu.memref_squeeze %dma_start3A_265 : memref<1x128xi32, #tpu.memory_space<vmem>> -> memref<128xi32, #tpu.memory_space<vmem>>
        %dma_start3A_267 = arith.constant 0 : i32
        %dma_start3A_268 = tpu.memref_slice %arg14[%dma_start3A_267] : memref<10128xf32, #tpu.memory_space<vmem_shared>> -> memref<10128xf32, #tpu.memory_space<vmem_shared>>
        tpu.enqueue_indirect_dma source(%arg9 : memref<128xf32, #tpu.memory_space<vmem>>) target(%dma_start3A_268 : memref<10128xf32, #tpu.memory_space<vmem_shared>>) offsets(%dma_start3A_266 : memref<128xi32, #tpu.memory_space<vmem>>) semaphore(%run_scoped3A : memref<!tpu.dma_semaphore, #tpu.memory_space<semaphore_mem>>) {add = true}
        %dma_wait3A = arith.constant 0 : i32
        %dma_wait3A_269 = tpu.memref_slice %arg8[%add3A_264, %dma_wait3A] : memref<79x128xi32, #tpu.memory_space<vmem>> -> memref<1x128xi32, #tpu.memory_space<vmem>>
        %dma_wait3A_270 = tpu.memref_squeeze %dma_wait3A_269 : memref<1x128xi32, #tpu.memory_space<vmem>> -> memref<128xi32, #tpu.memory_space<vmem>>
        %dma_wait3A_271 = arith.constant 0 : i32
        %dma_wait3A_272 = tpu.memref_slice %arg14[%dma_wait3A_271] : memref<10128xf32, #tpu.memory_space<vmem_shared>> -> memref<10128xf32, #tpu.memory_space<vmem_shared>>
        tpu.wait_indirect_dma semaphore(%run_scoped3A : memref<!tpu.dma_semaphore, #tpu.memory_space<semaphore_mem>>) src(%arg9 : memref<128xf32, #tpu.memory_space<vmem>>) dst(%dma_wait3A_272 : memref<10128xf32, #tpu.memory_space<vmem_shared>>)
        tpu.yield
      }) : () -> ()
    }
    %scan3A_246 = arith.constant 79 : i32
    %eq3A_247 = arith.constant 0 : i32
    %eq3A_248 = arith.cmpi eq, %arg0, %eq3A_247 : i32
    %convert_element_type3A_249 = arith.extui %eq3A_248 : i1 to i32
    %cond3A_250 = arith.constant 0 : i32
    %cond3A_251 = arith.cmpi ne, %convert_element_type3A_249, %cond3A_250 : i32
    scf.if %cond3A_251 {
      %dma_wait3A = arith.constant 0 : i32
      %dma_wait3A_260 = tpu.memref_slice %arg10[%dma_wait3A] : memref<640xi32, #tpu.memory_space<vmem>> -> memref<128xi32, #tpu.memory_space<vmem>>
      %dma_wait3A_261 = arith.constant 0 : i32
      %dma_wait3A_262 = arith.constant 0 : i32
      %dma_wait3A_263 = tpu.memref_slice %arg4[%dma_wait3A_261, %dma_wait3A_262] : memref<10000x128xf32, #tpu.memory_space<hbm>> -> memref<10000x128xf32, #tpu.memory_space<hbm>>
      tpu.wait_indirect_dma semaphore(%arg15 : memref<!tpu.dma_semaphore, #tpu.memory_space<semaphore_mem>>) src(%dma_wait3A_263 : memref<10000x128xf32, #tpu.memory_space<hbm>>) dst(%arg11 : memref<128x128xf32, #tpu.memory_space<vmem>>)
      %dma_start3A = arith.constant 128 : i32
      %dma_start3A_264 = tpu.memref_slice %arg10[%dma_start3A] : memref<640xi32, #tpu.memory_space<vmem>> -> memref<128xi32, #tpu.memory_space<vmem>>
      %dma_start3A_265 = arith.constant 0 : i32
      %dma_start3A_266 = arith.constant 0 : i32
      %dma_start3A_267 = tpu.memref_slice %arg4[%dma_start3A_265, %dma_start3A_266] : memref<10000x128xf32, #tpu.memory_space<hbm>> -> memref<10000x128xf32, #tpu.memory_space<hbm>>
      tpu.enqueue_indirect_dma source(%dma_start3A_267 : memref<10000x128xf32, #tpu.memory_space<hbm>>) target(%arg12 : memref<128x128xf32, #tpu.memory_space<vmem>>) offsets(%dma_start3A_264 : memref<128xi32, #tpu.memory_space<vmem>>) semaphore(%arg15 : memref<!tpu.dma_semaphore, #tpu.memory_space<semaphore_mem>>)
      %mul3A_268 = arith.constant 624 : i32
      %mul3A_269 = arith.muli %arg1, %mul3A_268 : i32
      %add3A_270 = arith.constant 0 : i32
      %add3A_271 = arith.addi %mul3A_269, %add3A_270 : i32
      "tpu.region"() ({
        %run_scoped3A = tpu.sem_alloc : memref<!tpu.dma_semaphore, #tpu.memory_space<semaphore_mem>>
        %dma_start3A_323 = arith.constant 0 : i32
        %dma_start3A_324 = tpu.memref_slice %arg7[%add3A_271, %dma_start3A_323] : memref<10000x128xf32, #tpu.memory_space<hbm>> -> memref<128x128xf32, #tpu.memory_space<hbm>>
        %dma_start3A_325 = arith.constant 0 : i32
        %dma_start3A_326 = tpu.memref_slice %arg7[%add3A_271, %dma_start3A_325] : memref<10000x128xf32, #tpu.memory_space<hbm>> -> memref<128x128xf32, #tpu.memory_space<hbm>>
        tpu.enqueue_dma source(%arg11 : memref<128x128xf32, #tpu.memory_space<vmem>>) target(%dma_start3A_326 : memref<128x128xf32, #tpu.memory_space<hbm>>) target_semaphore(%run_scoped3A : memref<!tpu.dma_semaphore, #tpu.memory_space<semaphore_mem>>)
        %dma_wait3A_327 = arith.constant 0 : i32
        %dma_wait3A_328 = tpu.memref_slice %arg7[%add3A_271, %dma_wait3A_327] : memref<10000x128xf32, #tpu.memory_space<hbm>> -> memref<128x128xf32, #tpu.memory_space<hbm>>
        %dma_wait3A_329 = arith.constant 0 : i32
        %dma_wait3A_330 = tpu.memref_slice %arg7[%add3A_271, %dma_wait3A_329] : memref<10000x128xf32, #tpu.memory_space<hbm>> -> memref<128x128xf32, #tpu.memory_space<hbm>>
        tpu.wait_dma2 semaphore(%run_scoped3A : memref<!tpu.dma_semaphore, #tpu.memory_space<semaphore_mem>>) src(%arg11 : memref<128x128xf32, #tpu.memory_space<vmem>>) dst(%dma_wait3A_330 : memref<128x128xf32, #tpu.memory_space<hbm>>)
        tpu.yield
      }) : () -> ()
      %dma_wait3A_272 = arith.constant 128 : i32
      %dma_wait3A_273 = tpu.memref_slice %arg10[%dma_wait3A_272] : memref<640xi32, #tpu.memory_space<vmem>> -> memref<128xi32, #tpu.memory_space<vmem>>
      %dma_wait3A_274 = arith.constant 0 : i32
      %dma_wait3A_275 = arith.constant 0 : i32
      %dma_wait3A_276 = tpu.memref_slice %arg4[%dma_wait3A_274, %dma_wait3A_275] : memref<10000x128xf32, #tpu.memory_space<hbm>> -> memref<10000x128xf32, #tpu.memory_space<hbm>>
      tpu.wait_indirect_dma semaphore(%arg15 : memref<!tpu.dma_semaphore, #tpu.memory_space<semaphore_mem>>) src(%dma_wait3A_276 : memref<10000x128xf32, #tpu.memory_space<hbm>>) dst(%arg12 : memref<128x128xf32, #tpu.memory_space<vmem>>)
      %dma_start3A_277 = arith.constant 256 : i32
      %dma_start3A_278 = tpu.memref_slice %arg10[%dma_start3A_277] : memref<640xi32, #tpu.memory_space<vmem>> -> memref<128xi32, #tpu.memory_space<vmem>>
      %dma_start3A_279 = arith.constant 0 : i32
      %dma_start3A_280 = arith.constant 0 : i32
      %dma_start3A_281 = tpu.memref_slice %arg4[%dma_start3A_279, %dma_start3A_280] : memref<10000x128xf32, #tpu.memory_space<hbm>> -> memref<10000x128xf32, #tpu.memory_space<hbm>>
      tpu.enqueue_indirect_dma source(%dma_start3A_281 : memref<10000x128xf32, #tpu.memory_space<hbm>>) target(%arg11 : memref<128x128xf32, #tpu.memory_space<vmem>>) offsets(%dma_start3A_278 : memref<128xi32, #tpu.memory_space<vmem>>) semaphore(%arg15 : memref<!tpu.dma_semaphore, #tpu.memory_space<semaphore_mem>>)
      %mul3A_282 = arith.constant 624 : i32
      %mul3A_283 = arith.muli %arg1, %mul3A_282 : i32
      %add3A_284 = arith.constant 128 : i32
      %add3A_285 = arith.addi %mul3A_283, %add3A_284 : i32
      "tpu.region"() ({
        %run_scoped3A = tpu.sem_alloc : memref<!tpu.dma_semaphore, #tpu.memory_space<semaphore_mem>>
        %dma_start3A_323 = arith.constant 0 : i32
        %dma_start3A_324 = tpu.memref_slice %arg7[%add3A_285, %dma_start3A_323] : memref<10000x128xf32, #tpu.memory_space<hbm>> -> memref<128x128xf32, #tpu.memory_space<hbm>>
        %dma_start3A_325 = arith.constant 0 : i32
        %dma_start3A_326 = tpu.memref_slice %arg7[%add3A_285, %dma_start3A_325] : memref<10000x128xf32, #tpu.memory_space<hbm>> -> memref<128x128xf32, #tpu.memory_space<hbm>>
        tpu.enqueue_dma source(%arg12 : memref<128x128xf32, #tpu.memory_space<vmem>>) target(%dma_start3A_326 : memref<128x128xf32, #tpu.memory_space<hbm>>) target_semaphore(%run_scoped3A : memref<!tpu.dma_semaphore, #tpu.memory_space<semaphore_mem>>)
        %dma_wait3A_327 = arith.constant 0 : i32
        %dma_wait3A_328 = tpu.memref_slice %arg7[%add3A_285, %dma_wait3A_327] : memref<10000x128xf32, #tpu.memory_space<hbm>> -> memref<128x128xf32, #tpu.memory_space<hbm>>
        %dma_wait3A_329 = arith.constant 0 : i32
        %dma_wait3A_330 = tpu.memref_slice %arg7[%add3A_285, %dma_wait3A_329] : memref<10000x128xf32, #tpu.memory_space<hbm>> -> memref<128x128xf32, #tpu.memory_space<hbm>>
        tpu.wait_dma2 semaphore(%run_scoped3A : memref<!tpu.dma_semaphore, #tpu.memory_space<semaphore_mem>>) src(%arg12 : memref<128x128xf32, #tpu.memory_space<vmem>>) dst(%dma_wait3A_330 : memref<128x128xf32, #tpu.memory_space<hbm>>)
        tpu.yield
      }) : () -> ()
      %dma_wait3A_286 = arith.constant 256 : i32
      %dma_wait3A_287 = tpu.memref_slice %arg10[%dma_wait3A_286] : memref<640xi32, #tpu.memory_space<vmem>> -> memref<128xi32, #tpu.memory_space<vmem>>
      %dma_wait3A_288 = arith.constant 0 : i32
      %dma_wait3A_289 = arith.constant 0 : i32
      %dma_wait3A_290 = tpu.memref_slice %arg4[%dma_wait3A_288, %dma_wait3A_289] : memref<10000x128xf32, #tpu.memory_space<hbm>> -> memref<10000x128xf32, #tpu.memory_space<hbm>>
      tpu.wait_indirect_dma semaphore(%arg15 : memref<!tpu.dma_semaphore, #tpu.memory_space<semaphore_mem>>) src(%dma_wait3A_290 : memref<10000x128xf32, #tpu.memory_space<hbm>>) dst(%arg11 : memref<128x128xf32, #tpu.memory_space<vmem>>)
      %dma_start3A_291 = arith.constant 384 : i32
      %dma_start3A_292 = tpu.memref_slice %arg10[%dma_start3A_291] : memref<640xi32, #tpu.memory_space<vmem>> -> memref<128xi32, #tpu.memory_space<vmem>>
      %dma_start3A_293 = arith.constant 0 : i32
      %dma_start3A_294 = arith.constant 0 : i32
      %dma_start3A_295 = tpu.memref_slice %arg4[%dma_start3A_293, %dma_start3A_294] : memref<10000x128xf32, #tpu.memory_space<hbm>> -> memref<10000x128xf32, #tpu.memory_space<hbm>>
      tpu.enqueue_indirect_dma source(%dma_start3A_295 : memref<10000x128xf32, #tpu.memory_space<hbm>>) target(%arg12 : memref<128x128xf32, #tpu.memory_space<vmem>>) offsets(%dma_start3A_292 : memref<128xi32, #tpu.memory_space<vmem>>) semaphore(%arg15 : memref<!tpu.dma_semaphore, #tpu.memory_space<semaphore_mem>>)
      %mul3A_296 = arith.constant 624 : i32
      %mul3A_297 = arith.muli %arg1, %mul3A_296 : i32
      %add3A_298 = arith.constant 256 : i32
      %add3A_299 = arith.addi %mul3A_297, %add3A_298 : i32
      "tpu.region"() ({
        %run_scoped3A = tpu.sem_alloc : memref<!tpu.dma_semaphore, #tpu.memory_space<semaphore_mem>>
        %dma_start3A_323 = arith.constant 0 : i32
        %dma_start3A_324 = tpu.memref_slice %arg7[%add3A_299, %dma_start3A_323] : memref<10000x128xf32, #tpu.memory_space<hbm>> -> memref<128x128xf32, #tpu.memory_space<hbm>>
        %dma_start3A_325 = arith.constant 0 : i32
        %dma_start3A_326 = tpu.memref_slice %arg7[%add3A_299, %dma_start3A_325] : memref<10000x128xf32, #tpu.memory_space<hbm>> -> memref<128x128xf32, #tpu.memory_space<hbm>>
        tpu.enqueue_dma source(%arg11 : memref<128x128xf32, #tpu.memory_space<vmem>>) target(%dma_start3A_326 : memref<128x128xf32, #tpu.memory_space<hbm>>) target_semaphore(%run_scoped3A : memref<!tpu.dma_semaphore, #tpu.memory_space<semaphore_mem>>)
        %dma_wait3A_327 = arith.constant 0 : i32
        %dma_wait3A_328 = tpu.memref_slice %arg7[%add3A_299, %dma_wait3A_327] : memref<10000x128xf32, #tpu.memory_space<hbm>> -> memref<128x128xf32, #tpu.memory_space<hbm>>
        %dma_wait3A_329 = arith.constant 0 : i32
        %dma_wait3A_330 = tpu.memref_slice %arg7[%add3A_299, %dma_wait3A_329] : memref<10000x128xf32, #tpu.memory_space<hbm>> -> memref<128x128xf32, #tpu.memory_space<hbm>>
        tpu.wait_dma2 semaphore(%run_scoped3A : memref<!tpu.dma_semaphore, #tpu.memory_space<semaphore_mem>>) src(%arg11 : memref<128x128xf32, #tpu.memory_space<vmem>>) dst(%dma_wait3A_330 : memref<128x128xf32, #tpu.memory_space<hbm>>)
        tpu.yield
      }) : () -> ()
      %dma_wait3A_300 = arith.constant 384 : i32
      %dma_wait3A_301 = tpu.memref_slice %arg10[%dma_wait3A_300] : memref<640xi32, #tpu.memory_space<vmem>> -> memref<128xi32, #tpu.memory_space<vmem>>
      %dma_wait3A_302 = arith.constant 0 : i32
      %dma_wait3A_303 = arith.constant 0 : i32
      %dma_wait3A_304 = tpu.memref_slice %arg4[%dma_wait3A_302, %dma_wait3A_303] : memref<10000x128xf32, #tpu.memory_space<hbm>> -> memref<10000x128xf32, #tpu.memory_space<hbm>>
      tpu.wait_indirect_dma semaphore(%arg15 : memref<!tpu.dma_semaphore, #tpu.memory_space<semaphore_mem>>) src(%dma_wait3A_304 : memref<10000x128xf32, #tpu.memory_space<hbm>>) dst(%arg12 : memref<128x128xf32, #tpu.memory_space<vmem>>)
      %dma_start3A_305 = arith.constant 512 : i32
      %dma_start3A_306 = tpu.memref_slice %arg10[%dma_start3A_305] : memref<640xi32, #tpu.memory_space<vmem>> -> memref<128xi32, #tpu.memory_space<vmem>>
      %dma_start3A_307 = arith.constant 0 : i32
      %dma_start3A_308 = arith.constant 0 : i32
      %dma_start3A_309 = tpu.memref_slice %arg4[%dma_start3A_307, %dma_start3A_308] : memref<10000x128xf32, #tpu.memory_space<hbm>> -> memref<10000x128xf32, #tpu.memory_space<hbm>>
      tpu.enqueue_indirect_dma source(%dma_start3A_309 : memref<10000x128xf32, #tpu.memory_space<hbm>>) target(%arg11 : memref<128x128xf32, #tpu.memory_space<vmem>>) offsets(%dma_start3A_306 : memref<128xi32, #tpu.memory_space<vmem>>) semaphore(%arg15 : memref<!tpu.dma_semaphore, #tpu.memory_space<semaphore_mem>>)
      %mul3A_310 = arith.constant 624 : i32
      %mul3A_311 = arith.muli %arg1, %mul3A_310 : i32
      %add3A_312 = arith.constant 384 : i32
      %add3A_313 = arith.addi %mul3A_311, %add3A_312 : i32
      "tpu.region"() ({
        %run_scoped3A = tpu.sem_alloc : memref<!tpu.dma_semaphore, #tpu.memory_space<semaphore_mem>>
        %dma_start3A_323 = arith.constant 0 : i32
        %dma_start3A_324 = tpu.memref_slice %arg7[%add3A_313, %dma_start3A_323] : memref<10000x128xf32, #tpu.memory_space<hbm>> -> memref<128x128xf32, #tpu.memory_space<hbm>>
        %dma_start3A_325 = arith.constant 0 : i32
        %dma_start3A_326 = tpu.memref_slice %arg7[%add3A_313, %dma_start3A_325] : memref<10000x128xf32, #tpu.memory_space<hbm>> -> memref<128x128xf32, #tpu.memory_space<hbm>>
        tpu.enqueue_dma source(%arg12 : memref<128x128xf32, #tpu.memory_space<vmem>>) target(%dma_start3A_326 : memref<128x128xf32, #tpu.memory_space<hbm>>) target_semaphore(%run_scoped3A : memref<!tpu.dma_semaphore, #tpu.memory_space<semaphore_mem>>)
        %dma_wait3A_327 = arith.constant 0 : i32
        %dma_wait3A_328 = tpu.memref_slice %arg7[%add3A_313, %dma_wait3A_327] : memref<10000x128xf32, #tpu.memory_space<hbm>> -> memref<128x128xf32, #tpu.memory_space<hbm>>
        %dma_wait3A_329 = arith.constant 0 : i32
        %dma_wait3A_330 = tpu.memref_slice %arg7[%add3A_313, %dma_wait3A_329] : memref<10000x128xf32, #tpu.memory_space<hbm>> -> memref<128x128xf32, #tpu.memory_space<hbm>>
        tpu.wait_dma2 semaphore(%run_scoped3A : memref<!tpu.dma_semaphore, #tpu.memory_space<semaphore_mem>>) src(%arg12 : memref<128x128xf32, #tpu.memory_space<vmem>>) dst(%dma_wait3A_330 : memref<128x128xf32, #tpu.memory_space<hbm>>)
        tpu.yield
      }) : () -> ()
      %dma_wait3A_314 = arith.constant 512 : i32
      %dma_wait3A_315 = tpu.memref_slice %arg10[%dma_wait3A_314] : memref<640xi32, #tpu.memory_space<vmem>> -> memref<128xi32, #tpu.memory_space<vmem>>
      %dma_wait3A_316 = arith.constant 0 : i32
      %dma_wait3A_317 = arith.constant 0 : i32
      %dma_wait3A_318 = tpu.memref_slice %arg4[%dma_wait3A_316, %dma_wait3A_317] : memref<10000x128xf32, #tpu.memory_space<hbm>> -> memref<10000x128xf32, #tpu.memory_space<hbm>>
      tpu.wait_indirect_dma semaphore(%arg15 : memref<!tpu.dma_semaphore, #tpu.memory_space<semaphore_mem>>) src(%dma_wait3A_318 : memref<10000x128xf32, #tpu.memory_space<hbm>>) dst(%arg11 : memref<128x128xf32, #tpu.memory_space<vmem>>)
      %mul3A_319 = arith.constant 624 : i32
      %mul3A_320 = arith.muli %arg1, %mul3A_319 : i32
      %add3A_321 = arith.constant 512 : i32
      %add3A_322 = arith.addi %mul3A_320, %add3A_321 : i32
      "tpu.region"() ({
        %run_scoped3A = tpu.sem_alloc : memref<!tpu.dma_semaphore, #tpu.memory_space<semaphore_mem>>
        %dma_start3A_323 = arith.constant 0 : i32
        %dma_start3A_324 = tpu.memref_slice %arg7[%add3A_322, %dma_start3A_323] : memref<10000x128xf32, #tpu.memory_space<hbm>> -> memref<128x128xf32, #tpu.memory_space<hbm>>
        %dma_start3A_325 = arith.constant 0 : i32
        %dma_start3A_326 = tpu.memref_slice %arg7[%add3A_322, %dma_start3A_325] : memref<10000x128xf32, #tpu.memory_space<hbm>> -> memref<128x128xf32, #tpu.memory_space<hbm>>
        tpu.enqueue_dma source(%arg11 : memref<128x128xf32, #tpu.memory_space<vmem>>) target(%dma_start3A_326 : memref<128x128xf32, #tpu.memory_space<hbm>>) target_semaphore(%run_scoped3A : memref<!tpu.dma_semaphore, #tpu.memory_space<semaphore_mem>>)
        %dma_wait3A_327 = arith.constant 0 : i32
        %dma_wait3A_328 = tpu.memref_slice %arg7[%add3A_322, %dma_wait3A_327] : memref<10000x128xf32, #tpu.memory_space<hbm>> -> memref<128x128xf32, #tpu.memory_space<hbm>>
        %dma_wait3A_329 = arith.constant 0 : i32
        %dma_wait3A_330 = tpu.memref_slice %arg7[%add3A_322, %dma_wait3A_329] : memref<10000x128xf32, #tpu.memory_space<hbm>> -> memref<128x128xf32, #tpu.memory_space<hbm>>
        tpu.wait_dma2 semaphore(%run_scoped3A : memref<!tpu.dma_semaphore, #tpu.memory_space<semaphore_mem>>) src(%arg11 : memref<128x128xf32, #tpu.memory_space<vmem>>) dst(%dma_wait3A_330 : memref<128x128xf32, #tpu.memory_space<hbm>>)
        tpu.yield
      }) : () -> ()
    } else {
    }
    %barrier3A_252 = arith.constant 0 : index
    tpu.barrier barrier_id(%barrier3A_252)
    %mul3A_253 = arith.constant 624 : i32
    %mul3A_254 = arith.muli %arg1, %mul3A_253 : i32
    "tpu.region"() ({
      %run_scoped3A = tpu.sem_alloc : memref<!tpu.dma_semaphore, #tpu.memory_space<semaphore_mem>>
      %dma_start3A = tpu.memref_slice %arg14[%mul3A_254] : memref<10128xf32, #tpu.memory_space<vmem_shared>> -> memref<640xf32, #tpu.memory_space<vmem_shared>>
      %dma_start3A_260 = tpu.memref_slice %arg14[%mul3A_254] : memref<10128xf32, #tpu.memory_space<vmem_shared>> -> memref<640xf32, #tpu.memory_space<vmem_shared>>
      tpu.enqueue_dma source(%dma_start3A_260 : memref<640xf32, #tpu.memory_space<vmem_shared>>) target(%arg13 : memref<640xf32, #tpu.memory_space<vmem>>) target_semaphore(%run_scoped3A : memref<!tpu.dma_semaphore, #tpu.memory_space<semaphore_mem>>)
      %dma_wait3A = tpu.memref_slice %arg14[%mul3A_254] : memref<10128xf32, #tpu.memory_space<vmem_shared>> -> memref<640xf32, #tpu.memory_space<vmem_shared>>
      %dma_wait3A_261 = tpu.memref_slice %arg14[%mul3A_254] : memref<10128xf32, #tpu.memory_space<vmem_shared>> -> memref<640xf32, #tpu.memory_space<vmem_shared>>
      tpu.wait_dma2 semaphore(%run_scoped3A : memref<!tpu.dma_semaphore, #tpu.memory_space<semaphore_mem>>) src(%dma_wait3A_261 : memref<640xf32, #tpu.memory_space<vmem_shared>>) dst(%arg13 : memref<640xf32, #tpu.memory_space<vmem>>)
      tpu.yield
    }) : () -> ()
    %mul3A_255 = arith.constant 10000 : i32
    %mul3A_256 = arith.muli %arg0, %mul3A_255 : i32
    %mul3A_257 = arith.constant 624 : i32
    %mul3A_258 = arith.muli %arg1, %mul3A_257 : i32
    %add3A_259 = arith.addi %mul3A_256, %mul3A_258 : i32
    "tpu.region"() ({
      %run_scoped3A = tpu.sem_alloc : memref<!tpu.dma_semaphore, #tpu.memory_space<semaphore_mem>>
      %dma_start3A = tpu.memref_slice %arg6[%add3A_259] : memref<20000xf32, #tpu.memory_space<hbm>> -> memref<640xf32, #tpu.memory_space<hbm>>
      %dma_start3A_260 = tpu.memref_slice %arg6[%add3A_259] : memref<20000xf32, #tpu.memory_space<hbm>> -> memref<640xf32, #tpu.memory_space<hbm>>
      tpu.enqueue_dma source(%arg13 : memref<640xf32, #tpu.memory_space<vmem>>) target(%dma_start3A_260 : memref<640xf32, #tpu.memory_space<hbm>>) target_semaphore(%run_scoped3A : memref<!tpu.dma_semaphore, #tpu.memory_space<semaphore_mem>>)
      %dma_wait3A = tpu.memref_slice %arg6[%add3A_259] : memref<20000xf32, #tpu.memory_space<hbm>> -> memref<640xf32, #tpu.memory_space<hbm>>
      %dma_wait3A_261 = tpu.memref_slice %arg6[%add3A_259] : memref<20000xf32, #tpu.memory_space<hbm>> -> memref<640xf32, #tpu.memory_space<hbm>>
      tpu.wait_dma2 semaphore(%run_scoped3A : memref<!tpu.dma_semaphore, #tpu.memory_space<semaphore_mem>>) src(%arg13 : memref<640xf32, #tpu.memory_space<vmem>>) dst(%dma_wait3A_261 : memref<640xf32, #tpu.memory_space<hbm>>)
      tpu.yield
    }) : () -> ()
    return
  }
}

#map = affine_map<(d0, d1) -> (0, 0)>
#map1 = affine_map<(d0, d1) -> (0)>
#map2 = affine_map<(d0, d1) -> (0, 0, 0)>
module attributes {stable_mosaic.version = 14 : i64} {
  func.func @_msgpass_body(%arg0: i32, %arg1: i32, %arg2: memref<10000x128xf32, #tpu.memory_space<hbm>>, %arg3: memref<323584xi32, #tpu.memory_space<hbm>>, %arg4: memref<32x79x128xi32, #tpu.memory_space<hbm>>, %arg5: memref<10000x128xf32, #tpu.memory_space<hbm>>, %arg6: memref<2x10000x128xf32, #tpu.memory_space<hbm>>, %arg7: memref<5120xi32, #tpu.memory_space<vmem>>, %arg8: memref<79x128xi32, #tpu.memory_space<vmem>>, %arg9: memref<128x128xf32, #tpu.memory_space<vmem>>, %arg10: memref<128x128xf32, #tpu.memory_space<vmem>>, %arg11: memref<10128x128xf32, #tpu.memory_space<vmem_shared>>, %arg12: memref<!tpu.dma_semaphore, #tpu.memory_space<semaphore_mem>>, %arg13: memref<!tpu.dma_semaphore, #tpu.memory_space<semaphore_mem>>) attributes {dimension_semantics = [#tpu.dimension_semantics<core_parallel>, #tpu.dimension_semantics<subcore_parallel>], iteration_bounds = array<i64: 2, 16>, scalar_prefetch = 0 : i64, scratch_operands = 7 : i64, tpu.core_type = #tpu.core_type<sc_vector_subcore>, window_params = [{transform_indices = #map}, {transform_indices = #map1}, {transform_indices = #map2}, {transform_indices = #map}, {transform_indices = #map2}]} {
    %mul3A = arith.constant 16 : i32
    %mul3A_0 = arith.muli %arg0, %mul3A : i32
    %add3A = arith.addi %mul3A_0, %arg1 : i32
    %mul3A_1 = arith.constant 624 : i32
    %mul3A_2 = arith.muli %arg1, %mul3A_1 : i32
    %mul3A_3 = arith.constant 10112 : i32
    %mul3A_4 = arith.muli %add3A, %mul3A_3 : i32
    "tpu.region"() ({
      %run_scoped3A_60 = tpu.sem_alloc : memref<!tpu.dma_semaphore, #tpu.memory_space<semaphore_mem>>
      %dma_start3A_61 = tpu.memref_slice %arg3[%mul3A_4] : memref<323584xi32, #tpu.memory_space<hbm>> -> memref<5120xi32, #tpu.memory_space<hbm>>
      %dma_start3A_62 = tpu.memref_slice %arg3[%mul3A_4] : memref<323584xi32, #tpu.memory_space<hbm>> -> memref<5120xi32, #tpu.memory_space<hbm>>
      tpu.enqueue_dma source(%dma_start3A_62 : memref<5120xi32, #tpu.memory_space<hbm>>) target(%arg7 : memref<5120xi32, #tpu.memory_space<vmem>>) target_semaphore(%run_scoped3A_60 : memref<!tpu.dma_semaphore, #tpu.memory_space<semaphore_mem>>)
      %dma_wait3A_63 = tpu.memref_slice %arg3[%mul3A_4] : memref<323584xi32, #tpu.memory_space<hbm>> -> memref<5120xi32, #tpu.memory_space<hbm>>
      %dma_wait3A_64 = tpu.memref_slice %arg3[%mul3A_4] : memref<323584xi32, #tpu.memory_space<hbm>> -> memref<5120xi32, #tpu.memory_space<hbm>>
      tpu.wait_dma2 semaphore(%run_scoped3A_60 : memref<!tpu.dma_semaphore, #tpu.memory_space<semaphore_mem>>) src(%dma_wait3A_64 : memref<5120xi32, #tpu.memory_space<hbm>>) dst(%arg7 : memref<5120xi32, #tpu.memory_space<vmem>>)
      tpu.yield
    }) : () -> ()
    %dma_start3A = arith.constant 0 : i32
    %dma_start3A_5 = tpu.memref_slice %arg7[%dma_start3A] : memref<5120xi32, #tpu.memory_space<vmem>> -> memref<128xi32, #tpu.memory_space<vmem>>
    %dma_start3A_6 = arith.constant 0 : i32
    %dma_start3A_7 = arith.constant 0 : i32
    %dma_start3A_8 = tpu.memref_slice %arg2[%dma_start3A_6, %dma_start3A_7] : memref<10000x128xf32, #tpu.memory_space<hbm>> -> memref<10000x128xf32, #tpu.memory_space<hbm>>
    tpu.enqueue_indirect_dma source(%dma_start3A_8 : memref<10000x128xf32, #tpu.memory_space<hbm>>) target(%arg9 : memref<128x128xf32, #tpu.memory_space<vmem>>) offsets(%dma_start3A_5 : memref<128xi32, #tpu.memory_space<vmem>>) semaphore(%arg12 : memref<!tpu.dma_semaphore, #tpu.memory_space<semaphore_mem>>)
    %dma_start3A_9 = arith.constant 128 : i32
    %dma_start3A_10 = tpu.memref_slice %arg7[%dma_start3A_9] : memref<5120xi32, #tpu.memory_space<vmem>> -> memref<128xi32, #tpu.memory_space<vmem>>
    %dma_start3A_11 = arith.constant 0 : i32
    %dma_start3A_12 = arith.constant 0 : i32
    %dma_start3A_13 = tpu.memref_slice %arg2[%dma_start3A_11, %dma_start3A_12] : memref<10000x128xf32, #tpu.memory_space<hbm>> -> memref<10000x128xf32, #tpu.memory_space<hbm>>
    tpu.enqueue_indirect_dma source(%dma_start3A_13 : memref<10000x128xf32, #tpu.memory_space<hbm>>) target(%arg10 : memref<128x128xf32, #tpu.memory_space<vmem>>) offsets(%dma_start3A_10 : memref<128xi32, #tpu.memory_space<vmem>>) semaphore(%arg13 : memref<!tpu.dma_semaphore, #tpu.memory_space<semaphore_mem>>)
    "tpu.region"() ({
      %run_scoped3A_60 = tpu.sem_alloc : memref<!tpu.dma_semaphore, #tpu.memory_space<semaphore_mem>>
      %dma_start3A_61 = arith.constant 0 : i32
      %dma_start3A_62 = arith.constant 0 : i32
      %dma_start3A_63 = tpu.memref_slice %arg4[%add3A, %dma_start3A_61, %dma_start3A_62] : memref<32x79x128xi32, #tpu.memory_space<hbm>> -> memref<1x79x128xi32, #tpu.memory_space<hbm>>
      %dma_start3A_64 = tpu.memref_squeeze %dma_start3A_63 : memref<1x79x128xi32, #tpu.memory_space<hbm>> -> memref<79x128xi32, #tpu.memory_space<hbm>>
      %dma_start3A_65 = arith.constant 0 : i32
      %dma_start3A_66 = arith.constant 0 : i32
      %dma_start3A_67 = tpu.memref_slice %arg4[%add3A, %dma_start3A_65, %dma_start3A_66] : memref<32x79x128xi32, #tpu.memory_space<hbm>> -> memref<1x79x128xi32, #tpu.memory_space<hbm>>
      %dma_start3A_68 = tpu.memref_squeeze %dma_start3A_67 : memref<1x79x128xi32, #tpu.memory_space<hbm>> -> memref<79x128xi32, #tpu.memory_space<hbm>>
      tpu.enqueue_dma source(%dma_start3A_68 : memref<79x128xi32, #tpu.memory_space<hbm>>) target(%arg8 : memref<79x128xi32, #tpu.memory_space<vmem>>) target_semaphore(%run_scoped3A_60 : memref<!tpu.dma_semaphore, #tpu.memory_space<semaphore_mem>>)
      %dma_wait3A_69 = arith.constant 0 : i32
      %dma_wait3A_70 = arith.constant 0 : i32
      %dma_wait3A_71 = tpu.memref_slice %arg4[%add3A, %dma_wait3A_69, %dma_wait3A_70] : memref<32x79x128xi32, #tpu.memory_space<hbm>> -> memref<1x79x128xi32, #tpu.memory_space<hbm>>
      %dma_wait3A_72 = tpu.memref_squeeze %dma_wait3A_71 : memref<1x79x128xi32, #tpu.memory_space<hbm>> -> memref<79x128xi32, #tpu.memory_space<hbm>>
      %dma_wait3A_73 = arith.constant 0 : i32
      %dma_wait3A_74 = arith.constant 0 : i32
      %dma_wait3A_75 = tpu.memref_slice %arg4[%add3A, %dma_wait3A_73, %dma_wait3A_74] : memref<32x79x128xi32, #tpu.memory_space<hbm>> -> memref<1x79x128xi32, #tpu.memory_space<hbm>>
      %dma_wait3A_76 = tpu.memref_squeeze %dma_wait3A_75 : memref<1x79x128xi32, #tpu.memory_space<hbm>> -> memref<79x128xi32, #tpu.memory_space<hbm>>
      tpu.wait_dma2 semaphore(%run_scoped3A_60 : memref<!tpu.dma_semaphore, #tpu.memory_space<semaphore_mem>>) src(%dma_wait3A_76 : memref<79x128xi32, #tpu.memory_space<hbm>>) dst(%arg8 : memref<79x128xi32, #tpu.memory_space<vmem>>)
      tpu.yield
    }) : () -> ()
    %eq3A = arith.constant 0 : i32
    %eq3A_14 = arith.cmpi eq, %arg0, %eq3A : i32
    %convert_element_type3A = arith.extui %eq3A_14 : i1 to i32
    %cond3A = arith.constant 0 : i32
    %cond3A_15 = arith.cmpi ne, %convert_element_type3A, %cond3A : i32
    scf.if %cond3A_15 {
      "tpu.region"() ({
        %run_scoped3A_60 = tpu.sem_alloc : memref<!tpu.dma_semaphore, #tpu.memory_space<semaphore_mem>>
        %dma_start3A_61 = arith.constant 0 : i32
        %dma_start3A_62 = tpu.memref_slice %arg11[%mul3A_2, %dma_start3A_61] : memref<10128x128xf32, #tpu.memory_space<vmem_shared>> -> memref<640x128xf32, #tpu.memory_space<vmem_shared>>
        %dma_start3A_63 = arith.constant 0 : i32
        %dma_start3A_64 = tpu.memref_slice %arg2[%mul3A_2, %dma_start3A_63] : memref<10000x128xf32, #tpu.memory_space<hbm>> -> memref<640x128xf32, #tpu.memory_space<hbm>>
        tpu.enqueue_dma source(%dma_start3A_64 : memref<640x128xf32, #tpu.memory_space<hbm>>) target(%dma_start3A_62 : memref<640x128xf32, #tpu.memory_space<vmem_shared>>) target_semaphore(%run_scoped3A_60 : memref<!tpu.dma_semaphore, #tpu.memory_space<semaphore_mem>>)
        %dma_wait3A_65 = arith.constant 0 : i32
        %dma_wait3A_66 = tpu.memref_slice %arg11[%mul3A_2, %dma_wait3A_65] : memref<10128x128xf32, #tpu.memory_space<vmem_shared>> -> memref<640x128xf32, #tpu.memory_space<vmem_shared>>
        %dma_wait3A_67 = arith.constant 0 : i32
        %dma_wait3A_68 = tpu.memref_slice %arg2[%mul3A_2, %dma_wait3A_67] : memref<10000x128xf32, #tpu.memory_space<hbm>> -> memref<640x128xf32, #tpu.memory_space<hbm>>
        tpu.wait_dma2 semaphore(%run_scoped3A_60 : memref<!tpu.dma_semaphore, #tpu.memory_space<semaphore_mem>>) src(%dma_wait3A_68 : memref<640x128xf32, #tpu.memory_space<hbm>>) dst(%dma_wait3A_66 : memref<640x128xf32, #tpu.memory_space<vmem_shared>>)
        tpu.yield
      }) : () -> ()
    } else {
    }
    %ne3A = arith.constant 0 : i32
    %ne3A_16 = arith.cmpi ne, %arg0, %ne3A : i32
    %convert_element_type3A_17 = arith.extui %ne3A_16 : i1 to i32
    %cond3A_18 = arith.constant 0 : i32
    %cond3A_19 = arith.cmpi ne, %convert_element_type3A_17, %cond3A_18 : i32
    scf.if %cond3A_19 {
      "tpu.region"() ({
        %run_scoped3A_60 = tpu.sem_alloc : memref<!tpu.dma_semaphore, #tpu.memory_space<semaphore_mem>>
        %dma_start3A_61 = arith.constant 0 : i32
        %dma_start3A_62 = tpu.memref_slice %arg11[%mul3A_2, %dma_start3A_61] : memref<10128x128xf32, #tpu.memory_space<vmem_shared>> -> memref<640x128xf32, #tpu.memory_space<vmem_shared>>
        %dma_start3A_63 = arith.constant 0 : i32
        %dma_start3A_64 = tpu.memref_slice %arg5[%mul3A_2, %dma_start3A_63] : memref<10000x128xf32, #tpu.memory_space<hbm>> -> memref<640x128xf32, #tpu.memory_space<hbm>>
        tpu.enqueue_dma source(%dma_start3A_64 : memref<640x128xf32, #tpu.memory_space<hbm>>) target(%dma_start3A_62 : memref<640x128xf32, #tpu.memory_space<vmem_shared>>) target_semaphore(%run_scoped3A_60 : memref<!tpu.dma_semaphore, #tpu.memory_space<semaphore_mem>>)
        %dma_wait3A_65 = arith.constant 0 : i32
        %dma_wait3A_66 = tpu.memref_slice %arg11[%mul3A_2, %dma_wait3A_65] : memref<10128x128xf32, #tpu.memory_space<vmem_shared>> -> memref<640x128xf32, #tpu.memory_space<vmem_shared>>
        %dma_wait3A_67 = arith.constant 0 : i32
        %dma_wait3A_68 = tpu.memref_slice %arg5[%mul3A_2, %dma_wait3A_67] : memref<10000x128xf32, #tpu.memory_space<hbm>> -> memref<640x128xf32, #tpu.memory_space<hbm>>
        tpu.wait_dma2 semaphore(%run_scoped3A_60 : memref<!tpu.dma_semaphore, #tpu.memory_space<semaphore_mem>>) src(%dma_wait3A_68 : memref<640x128xf32, #tpu.memory_space<hbm>>) dst(%dma_wait3A_66 : memref<640x128xf32, #tpu.memory_space<vmem_shared>>)
        tpu.yield
      }) : () -> ()
    } else {
    }
    %barrier3A = arith.constant 0 : index
    tpu.barrier barrier_id(%barrier3A)
    %scan3A = arith.constant 0 : i32
    %scan3A_20 = arith.constant 19 : i32
    %scan3A_21 = arith.addi %scan3A, %scan3A_20 : i32
    %scan3A_22 = arith.constant 1 : i32
    scf.for %scan3A_60 = %scan3A to %scan3A_21 step %scan3A_22  : i32 {
      %mul3A_61 = arith.constant 1 : i32
      %mul3A_62 = arith.muli %scan3A_60, %mul3A_61 : i32
      %add3A_63 = arith.constant 0 : i32
      %add3A_64 = arith.addi %add3A_63, %mul3A_62 : i32
      %mul3A_65 = arith.constant 2 : i32
      %mul3A_66 = arith.muli %mul3A_65, %add3A_64 : i32
      %sub3A = arith.constant 0 : i32
      %sub3A_67 = arith.subi %mul3A_66, %sub3A : i32
      %mul3A_68 = arith.constant 128 : i32
      %mul3A_69 = arith.muli %sub3A_67, %mul3A_68 : i32
      %dma_wait3A_70 = tpu.memref_slice %arg7[%mul3A_69] : memref<5120xi32, #tpu.memory_space<vmem>> -> memref<128xi32, #tpu.memory_space<vmem>>
      %dma_wait3A_71 = arith.constant 0 : i32
      %dma_wait3A_72 = arith.constant 0 : i32
      %dma_wait3A_73 = tpu.memref_slice %arg2[%dma_wait3A_71, %dma_wait3A_72] : memref<10000x128xf32, #tpu.memory_space<hbm>> -> memref<10000x128xf32, #tpu.memory_space<hbm>>
      tpu.wait_indirect_dma semaphore(%arg12 : memref<!tpu.dma_semaphore, #tpu.memory_space<semaphore_mem>>) src(%dma_wait3A_73 : memref<10000x128xf32, #tpu.memory_space<hbm>>) dst(%arg9 : memref<128x128xf32, #tpu.memory_space<vmem>>)
      "tpu.region"() ({
        %run_scoped3A_100 = tpu.sem_alloc : memref<!tpu.dma_semaphore, #tpu.memory_space<semaphore_mem>>
        %dma_start3A_101 = arith.constant 0 : i32
        %dma_start3A_102 = tpu.memref_slice %arg8[%mul3A_66, %dma_start3A_101] : memref<79x128xi32, #tpu.memory_space<vmem>> -> memref<1x128xi32, #tpu.memory_space<vmem>>
        %dma_start3A_103 = tpu.memref_squeeze %dma_start3A_102 : memref<1x128xi32, #tpu.memory_space<vmem>> -> memref<128xi32, #tpu.memory_space<vmem>>
        %dma_start3A_104 = arith.constant 0 : i32
        %dma_start3A_105 = arith.constant 0 : i32
        %dma_start3A_106 = tpu.memref_slice %arg11[%dma_start3A_104, %dma_start3A_105] : memref<10128x128xf32, #tpu.memory_space<vmem_shared>> -> memref<10128x128xf32, #tpu.memory_space<vmem_shared>>
        tpu.enqueue_indirect_dma source(%arg9 : memref<128x128xf32, #tpu.memory_space<vmem>>) target(%dma_start3A_106 : memref<10128x128xf32, #tpu.memory_space<vmem_shared>>) offsets(%dma_start3A_103 : memref<128xi32, #tpu.memory_space<vmem>>) semaphore(%run_scoped3A_100 : memref<!tpu.dma_semaphore, #tpu.memory_space<semaphore_mem>>) {add = true}
        %dma_wait3A_107 = arith.constant 0 : i32
        %dma_wait3A_108 = tpu.memref_slice %arg8[%mul3A_66, %dma_wait3A_107] : memref<79x128xi32, #tpu.memory_space<vmem>> -> memref<1x128xi32, #tpu.memory_space<vmem>>
        %dma_wait3A_109 = tpu.memref_squeeze %dma_wait3A_108 : memref<1x128xi32, #tpu.memory_space<vmem>> -> memref<128xi32, #tpu.memory_space<vmem>>
        %dma_wait3A_110 = arith.constant 0 : i32
        %dma_wait3A_111 = arith.constant 0 : i32
        %dma_wait3A_112 = tpu.memref_slice %arg11[%dma_wait3A_110, %dma_wait3A_111] : memref<10128x128xf32, #tpu.memory_space<vmem_shared>> -> memref<10128x128xf32, #tpu.memory_space<vmem_shared>>
        tpu.wait_indirect_dma semaphore(%run_scoped3A_100 : memref<!tpu.dma_semaphore, #tpu.memory_space<semaphore_mem>>) src(%arg9 : memref<128x128xf32, #tpu.memory_space<vmem>>) dst(%dma_wait3A_112 : memref<10128x128xf32, #tpu.memory_space<vmem_shared>>)
        tpu.yield
      }) : () -> ()
      %add3A_74 = arith.constant 2 : i32
      %add3A_75 = arith.addi %mul3A_66, %add3A_74 : i32
      %sub3A_76 = arith.constant 0 : i32
      %sub3A_77 = arith.subi %add3A_75, %sub3A_76 : i32
      %mul3A_78 = arith.constant 128 : i32
      %mul3A_79 = arith.muli %sub3A_77, %mul3A_78 : i32
      %dma_start3A_80 = tpu.memref_slice %arg7[%mul3A_79] : memref<5120xi32, #tpu.memory_space<vmem>> -> memref<128xi32, #tpu.memory_space<vmem>>
      %dma_start3A_81 = arith.constant 0 : i32
      %dma_start3A_82 = arith.constant 0 : i32
      %dma_start3A_83 = tpu.memref_slice %arg2[%dma_start3A_81, %dma_start3A_82] : memref<10000x128xf32, #tpu.memory_space<hbm>> -> memref<10000x128xf32, #tpu.memory_space<hbm>>
      tpu.enqueue_indirect_dma source(%dma_start3A_83 : memref<10000x128xf32, #tpu.memory_space<hbm>>) target(%arg9 : memref<128x128xf32, #tpu.memory_space<vmem>>) offsets(%dma_start3A_80 : memref<128xi32, #tpu.memory_space<vmem>>) semaphore(%arg12 : memref<!tpu.dma_semaphore, #tpu.memory_space<semaphore_mem>>)
      %add3A_84 = arith.constant 1 : i32
      %add3A_85 = arith.addi %mul3A_66, %add3A_84 : i32
      %sub3A_86 = arith.constant 0 : i32
      %sub3A_87 = arith.subi %add3A_85, %sub3A_86 : i32
      %mul3A_88 = arith.constant 128 : i32
      %mul3A_89 = arith.muli %sub3A_87, %mul3A_88 : i32
      %dma_wait3A_90 = tpu.memref_slice %arg7[%mul3A_89] : memref<5120xi32, #tpu.memory_space<vmem>> -> memref<128xi32, #tpu.memory_space<vmem>>
      %dma_wait3A_91 = arith.constant 0 : i32
      %dma_wait3A_92 = arith.constant 0 : i32
      %dma_wait3A_93 = tpu.memref_slice %arg2[%dma_wait3A_91, %dma_wait3A_92] : memref<10000x128xf32, #tpu.memory_space<hbm>> -> memref<10000x128xf32, #tpu.memory_space<hbm>>
      tpu.wait_indirect_dma semaphore(%arg13 : memref<!tpu.dma_semaphore, #tpu.memory_space<semaphore_mem>>) src(%dma_wait3A_93 : memref<10000x128xf32, #tpu.memory_space<hbm>>) dst(%arg10 : memref<128x128xf32, #tpu.memory_space<vmem>>)
      %add3A_94 = arith.constant 1 : i32
      %add3A_95 = arith.addi %mul3A_66, %add3A_94 : i32
      "tpu.region"() ({
        %run_scoped3A_100 = tpu.sem_alloc : memref<!tpu.dma_semaphore, #tpu.memory_space<semaphore_mem>>
        %dma_start3A_101 = arith.constant 0 : i32
        %dma_start3A_102 = tpu.memref_slice %arg8[%add3A_95, %dma_start3A_101] : memref<79x128xi32, #tpu.memory_space<vmem>> -> memref<1x128xi32, #tpu.memory_space<vmem>>
        %dma_start3A_103 = tpu.memref_squeeze %dma_start3A_102 : memref<1x128xi32, #tpu.memory_space<vmem>> -> memref<128xi32, #tpu.memory_space<vmem>>
        %dma_start3A_104 = arith.constant 0 : i32
        %dma_start3A_105 = arith.constant 0 : i32
        %dma_start3A_106 = tpu.memref_slice %arg11[%dma_start3A_104, %dma_start3A_105] : memref<10128x128xf32, #tpu.memory_space<vmem_shared>> -> memref<10128x128xf32, #tpu.memory_space<vmem_shared>>
        tpu.enqueue_indirect_dma source(%arg10 : memref<128x128xf32, #tpu.memory_space<vmem>>) target(%dma_start3A_106 : memref<10128x128xf32, #tpu.memory_space<vmem_shared>>) offsets(%dma_start3A_103 : memref<128xi32, #tpu.memory_space<vmem>>) semaphore(%run_scoped3A_100 : memref<!tpu.dma_semaphore, #tpu.memory_space<semaphore_mem>>) {add = true}
        %dma_wait3A_107 = arith.constant 0 : i32
        %dma_wait3A_108 = tpu.memref_slice %arg8[%add3A_95, %dma_wait3A_107] : memref<79x128xi32, #tpu.memory_space<vmem>> -> memref<1x128xi32, #tpu.memory_space<vmem>>
        %dma_wait3A_109 = tpu.memref_squeeze %dma_wait3A_108 : memref<1x128xi32, #tpu.memory_space<vmem>> -> memref<128xi32, #tpu.memory_space<vmem>>
        %dma_wait3A_110 = arith.constant 0 : i32
        %dma_wait3A_111 = arith.constant 0 : i32
        %dma_wait3A_112 = tpu.memref_slice %arg11[%dma_wait3A_110, %dma_wait3A_111] : memref<10128x128xf32, #tpu.memory_space<vmem_shared>> -> memref<10128x128xf32, #tpu.memory_space<vmem_shared>>
        tpu.wait_indirect_dma semaphore(%run_scoped3A_100 : memref<!tpu.dma_semaphore, #tpu.memory_space<semaphore_mem>>) src(%arg10 : memref<128x128xf32, #tpu.memory_space<vmem>>) dst(%dma_wait3A_112 : memref<10128x128xf32, #tpu.memory_space<vmem_shared>>)
        tpu.yield
      }) : () -> ()
      %lt3A = arith.constant 19 : i32
      %lt3A_96 = arith.cmpi slt, %add3A_64, %lt3A : i32
      %convert_element_type3A_97 = arith.extui %lt3A_96 : i1 to i32
      %cond3A_98 = arith.constant 0 : i32
      %cond3A_99 = arith.cmpi ne, %convert_element_type3A_97, %cond3A_98 : i32
      scf.if %cond3A_99 {
        %add3A_100 = arith.constant 3 : i32
        %add3A_101 = arith.addi %mul3A_66, %add3A_100 : i32
        %sub3A_102 = arith.constant 0 : i32
        %sub3A_103 = arith.subi %add3A_101, %sub3A_102 : i32
        %mul3A_104 = arith.constant 128 : i32
        %mul3A_105 = arith.muli %sub3A_103, %mul3A_104 : i32
        %dma_start3A_106 = tpu.memref_slice %arg7[%mul3A_105] : memref<5120xi32, #tpu.memory_space<vmem>> -> memref<128xi32, #tpu.memory_space<vmem>>
        %dma_start3A_107 = arith.constant 0 : i32
        %dma_start3A_108 = arith.constant 0 : i32
        %dma_start3A_109 = tpu.memref_slice %arg2[%dma_start3A_107, %dma_start3A_108] : memref<10000x128xf32, #tpu.memory_space<hbm>> -> memref<10000x128xf32, #tpu.memory_space<hbm>>
        tpu.enqueue_indirect_dma source(%dma_start3A_109 : memref<10000x128xf32, #tpu.memory_space<hbm>>) target(%arg10 : memref<128x128xf32, #tpu.memory_space<vmem>>) offsets(%dma_start3A_106 : memref<128xi32, #tpu.memory_space<vmem>>) semaphore(%arg13 : memref<!tpu.dma_semaphore, #tpu.memory_space<semaphore_mem>>)
      } else {
      }
    }
    %scan3A_23 = arith.constant 19 : i32
    %dma_wait3A = arith.constant 4864 : i32
    %dma_wait3A_24 = tpu.memref_slice %arg7[%dma_wait3A] : memref<5120xi32, #tpu.memory_space<vmem>> -> memref<128xi32, #tpu.memory_space<vmem>>
    %dma_wait3A_25 = arith.constant 0 : i32
    %dma_wait3A_26 = arith.constant 0 : i32
    %dma_wait3A_27 = tpu.memref_slice %arg2[%dma_wait3A_25, %dma_wait3A_26] : memref<10000x128xf32, #tpu.memory_space<hbm>> -> memref<10000x128xf32, #tpu.memory_space<hbm>>
    tpu.wait_indirect_dma semaphore(%arg12 : memref<!tpu.dma_semaphore, #tpu.memory_space<semaphore_mem>>) src(%dma_wait3A_27 : memref<10000x128xf32, #tpu.memory_space<hbm>>) dst(%arg9 : memref<128x128xf32, #tpu.memory_space<vmem>>)
    %run_scoped3A = arith.constant 38 : i32
    "tpu.region"() ({
      %run_scoped3A_60 = tpu.sem_alloc : memref<!tpu.dma_semaphore, #tpu.memory_space<semaphore_mem>>
      %dma_start3A_61 = arith.constant 0 : i32
      %dma_start3A_62 = tpu.memref_slice %arg8[%run_scoped3A, %dma_start3A_61] : memref<79x128xi32, #tpu.memory_space<vmem>> -> memref<1x128xi32, #tpu.memory_space<vmem>>
      %dma_start3A_63 = tpu.memref_squeeze %dma_start3A_62 : memref<1x128xi32, #tpu.memory_space<vmem>> -> memref<128xi32, #tpu.memory_space<vmem>>
      %dma_start3A_64 = arith.constant 0 : i32
      %dma_start3A_65 = arith.constant 0 : i32
      %dma_start3A_66 = tpu.memref_slice %arg11[%dma_start3A_64, %dma_start3A_65] : memref<10128x128xf32, #tpu.memory_space<vmem_shared>> -> memref<10128x128xf32, #tpu.memory_space<vmem_shared>>
      tpu.enqueue_indirect_dma source(%arg9 : memref<128x128xf32, #tpu.memory_space<vmem>>) target(%dma_start3A_66 : memref<10128x128xf32, #tpu.memory_space<vmem_shared>>) offsets(%dma_start3A_63 : memref<128xi32, #tpu.memory_space<vmem>>) semaphore(%run_scoped3A_60 : memref<!tpu.dma_semaphore, #tpu.memory_space<semaphore_mem>>) {add = true}
      %dma_wait3A_67 = arith.constant 0 : i32
      %dma_wait3A_68 = tpu.memref_slice %arg8[%run_scoped3A, %dma_wait3A_67] : memref<79x128xi32, #tpu.memory_space<vmem>> -> memref<1x128xi32, #tpu.memory_space<vmem>>
      %dma_wait3A_69 = tpu.memref_squeeze %dma_wait3A_68 : memref<1x128xi32, #tpu.memory_space<vmem>> -> memref<128xi32, #tpu.memory_space<vmem>>
      %dma_wait3A_70 = arith.constant 0 : i32
      %dma_wait3A_71 = arith.constant 0 : i32
      %dma_wait3A_72 = tpu.memref_slice %arg11[%dma_wait3A_70, %dma_wait3A_71] : memref<10128x128xf32, #tpu.memory_space<vmem_shared>> -> memref<10128x128xf32, #tpu.memory_space<vmem_shared>>
      tpu.wait_indirect_dma semaphore(%run_scoped3A_60 : memref<!tpu.dma_semaphore, #tpu.memory_space<semaphore_mem>>) src(%arg9 : memref<128x128xf32, #tpu.memory_space<vmem>>) dst(%dma_wait3A_72 : memref<10128x128xf32, #tpu.memory_space<vmem_shared>>)
      tpu.yield
    }) : () -> ()
    %dma_wait3A_28 = arith.constant 4992 : i32
    %dma_wait3A_29 = tpu.memref_slice %arg7[%dma_wait3A_28] : memref<5120xi32, #tpu.memory_space<vmem>> -> memref<128xi32, #tpu.memory_space<vmem>>
    %dma_wait3A_30 = arith.constant 0 : i32
    %dma_wait3A_31 = arith.constant 0 : i32
    %dma_wait3A_32 = tpu.memref_slice %arg2[%dma_wait3A_30, %dma_wait3A_31] : memref<10000x128xf32, #tpu.memory_space<hbm>> -> memref<10000x128xf32, #tpu.memory_space<hbm>>
    tpu.wait_indirect_dma semaphore(%arg13 : memref<!tpu.dma_semaphore, #tpu.memory_space<semaphore_mem>>) src(%dma_wait3A_32 : memref<10000x128xf32, #tpu.memory_space<hbm>>) dst(%arg10 : memref<128x128xf32, #tpu.memory_space<vmem>>)
    %run_scoped3A_33 = arith.constant 39 : i32
    "tpu.region"() ({
      %run_scoped3A_60 = tpu.sem_alloc : memref<!tpu.dma_semaphore, #tpu.memory_space<semaphore_mem>>
      %dma_start3A_61 = arith.constant 0 : i32
      %dma_start3A_62 = tpu.memref_slice %arg8[%run_scoped3A_33, %dma_start3A_61] : memref<79x128xi32, #tpu.memory_space<vmem>> -> memref<1x128xi32, #tpu.memory_space<vmem>>
      %dma_start3A_63 = tpu.memref_squeeze %dma_start3A_62 : memref<1x128xi32, #tpu.memory_space<vmem>> -> memref<128xi32, #tpu.memory_space<vmem>>
      %dma_start3A_64 = arith.constant 0 : i32
      %dma_start3A_65 = arith.constant 0 : i32
      %dma_start3A_66 = tpu.memref_slice %arg11[%dma_start3A_64, %dma_start3A_65] : memref<10128x128xf32, #tpu.memory_space<vmem_shared>> -> memref<10128x128xf32, #tpu.memory_space<vmem_shared>>
      tpu.enqueue_indirect_dma source(%arg10 : memref<128x128xf32, #tpu.memory_space<vmem>>) target(%dma_start3A_66 : memref<10128x128xf32, #tpu.memory_space<vmem_shared>>) offsets(%dma_start3A_63 : memref<128xi32, #tpu.memory_space<vmem>>) semaphore(%run_scoped3A_60 : memref<!tpu.dma_semaphore, #tpu.memory_space<semaphore_mem>>) {add = true}
      %dma_wait3A_67 = arith.constant 0 : i32
      %dma_wait3A_68 = tpu.memref_slice %arg8[%run_scoped3A_33, %dma_wait3A_67] : memref<79x128xi32, #tpu.memory_space<vmem>> -> memref<1x128xi32, #tpu.memory_space<vmem>>
      %dma_wait3A_69 = tpu.memref_squeeze %dma_wait3A_68 : memref<1x128xi32, #tpu.memory_space<vmem>> -> memref<128xi32, #tpu.memory_space<vmem>>
      %dma_wait3A_70 = arith.constant 0 : i32
      %dma_wait3A_71 = arith.constant 0 : i32
      %dma_wait3A_72 = tpu.memref_slice %arg11[%dma_wait3A_70, %dma_wait3A_71] : memref<10128x128xf32, #tpu.memory_space<vmem_shared>> -> memref<10128x128xf32, #tpu.memory_space<vmem_shared>>
      tpu.wait_indirect_dma semaphore(%run_scoped3A_60 : memref<!tpu.dma_semaphore, #tpu.memory_space<semaphore_mem>>) src(%arg10 : memref<128x128xf32, #tpu.memory_space<vmem>>) dst(%dma_wait3A_72 : memref<10128x128xf32, #tpu.memory_space<vmem_shared>>)
      tpu.yield
    }) : () -> ()
    %mul3A_34 = arith.constant 10112 : i32
    %mul3A_35 = arith.muli %add3A, %mul3A_34 : i32
    %add3A_36 = arith.constant 5120 : i32
    %add3A_37 = arith.addi %mul3A_35, %add3A_36 : i32
    "tpu.region"() ({
      %run_scoped3A_60 = tpu.sem_alloc : memref<!tpu.dma_semaphore, #tpu.memory_space<semaphore_mem>>
      %dma_start3A_61 = arith.constant 0 : i32
      %dma_start3A_62 = tpu.memref_slice %arg7[%dma_start3A_61] : memref<5120xi32, #tpu.memory_space<vmem>> -> memref<4992xi32, #tpu.memory_space<vmem>>
      %dma_start3A_63 = tpu.memref_slice %arg3[%add3A_37] : memref<323584xi32, #tpu.memory_space<hbm>> -> memref<4992xi32, #tpu.memory_space<hbm>>
      %dma_start3A_64 = arith.constant 0 : i32
      %dma_start3A_65 = tpu.memref_slice %arg7[%dma_start3A_64] : memref<5120xi32, #tpu.memory_space<vmem>> -> memref<4992xi32, #tpu.memory_space<vmem>>
      %dma_start3A_66 = tpu.memref_slice %arg3[%add3A_37] : memref<323584xi32, #tpu.memory_space<hbm>> -> memref<4992xi32, #tpu.memory_space<hbm>>
      tpu.enqueue_dma source(%dma_start3A_66 : memref<4992xi32, #tpu.memory_space<hbm>>) target(%dma_start3A_65 : memref<4992xi32, #tpu.memory_space<vmem>>) target_semaphore(%run_scoped3A_60 : memref<!tpu.dma_semaphore, #tpu.memory_space<semaphore_mem>>)
      %dma_wait3A_67 = arith.constant 0 : i32
      %dma_wait3A_68 = tpu.memref_slice %arg7[%dma_wait3A_67] : memref<5120xi32, #tpu.memory_space<vmem>> -> memref<4992xi32, #tpu.memory_space<vmem>>
      %dma_wait3A_69 = tpu.memref_slice %arg3[%add3A_37] : memref<323584xi32, #tpu.memory_space<hbm>> -> memref<4992xi32, #tpu.memory_space<hbm>>
      %dma_wait3A_70 = arith.constant 0 : i32
      %dma_wait3A_71 = tpu.memref_slice %arg7[%dma_wait3A_70] : memref<5120xi32, #tpu.memory_space<vmem>> -> memref<4992xi32, #tpu.memory_space<vmem>>
      %dma_wait3A_72 = tpu.memref_slice %arg3[%add3A_37] : memref<323584xi32, #tpu.memory_space<hbm>> -> memref<4992xi32, #tpu.memory_space<hbm>>
      tpu.wait_dma2 semaphore(%run_scoped3A_60 : memref<!tpu.dma_semaphore, #tpu.memory_space<semaphore_mem>>) src(%dma_wait3A_72 : memref<4992xi32, #tpu.memory_space<hbm>>) dst(%dma_wait3A_71 : memref<4992xi32, #tpu.memory_space<vmem>>)
      tpu.yield
    }) : () -> ()
    %dma_start3A_38 = arith.constant 0 : i32
    %dma_start3A_39 = tpu.memref_slice %arg7[%dma_start3A_38] : memref<5120xi32, #tpu.memory_space<vmem>> -> memref<128xi32, #tpu.memory_space<vmem>>
    %dma_start3A_40 = arith.constant 0 : i32
    %dma_start3A_41 = arith.constant 0 : i32
    %dma_start3A_42 = tpu.memref_slice %arg2[%dma_start3A_40, %dma_start3A_41] : memref<10000x128xf32, #tpu.memory_space<hbm>> -> memref<10000x128xf32, #tpu.memory_space<hbm>>
    tpu.enqueue_indirect_dma source(%dma_start3A_42 : memref<10000x128xf32, #tpu.memory_space<hbm>>) target(%arg9 : memref<128x128xf32, #tpu.memory_space<vmem>>) offsets(%dma_start3A_39 : memref<128xi32, #tpu.memory_space<vmem>>) semaphore(%arg12 : memref<!tpu.dma_semaphore, #tpu.memory_space<semaphore_mem>>)
    %dma_start3A_43 = arith.constant 128 : i32
    %dma_start3A_44 = tpu.memref_slice %arg7[%dma_start3A_43] : memref<5120xi32, #tpu.memory_space<vmem>> -> memref<128xi32, #tpu.memory_space<vmem>>
    %dma_start3A_45 = arith.constant 0 : i32
    %dma_start3A_46 = arith.constant 0 : i32
    %dma_start3A_47 = tpu.memref_slice %arg2[%dma_start3A_45, %dma_start3A_46] : memref<10000x128xf32, #tpu.memory_space<hbm>> -> memref<10000x128xf32, #tpu.memory_space<hbm>>
    tpu.enqueue_indirect_dma source(%dma_start3A_47 : memref<10000x128xf32, #tpu.memory_space<hbm>>) target(%arg10 : memref<128x128xf32, #tpu.memory_space<vmem>>) offsets(%dma_start3A_44 : memref<128xi32, #tpu.memory_space<vmem>>) semaphore(%arg13 : memref<!tpu.dma_semaphore, #tpu.memory_space<semaphore_mem>>)
    %scan3A_48 = arith.constant 0 : i32
    %scan3A_49 = arith.constant 19 : i32
    %scan3A_50 = arith.addi %scan3A_48, %scan3A_49 : i32
    %scan3A_51 = arith.constant 1 : i32
    scf.for %scan3A_60 = %scan3A_48 to %scan3A_50 step %scan3A_51  : i32 {
      %mul3A_61 = arith.constant 1 : i32
      %mul3A_62 = arith.muli %scan3A_60, %mul3A_61 : i32
      %add3A_63 = arith.constant 0 : i32
      %add3A_64 = arith.addi %add3A_63, %mul3A_62 : i32
      %mul3A_65 = arith.constant 2 : i32
      %mul3A_66 = arith.muli %mul3A_65, %add3A_64 : i32
      %add3A_67 = arith.constant 40 : i32
      %add3A_68 = arith.addi %add3A_67, %mul3A_66 : i32
      %sub3A = arith.constant 40 : i32
      %sub3A_69 = arith.subi %add3A_68, %sub3A : i32
      %mul3A_70 = arith.constant 128 : i32
      %mul3A_71 = arith.muli %sub3A_69, %mul3A_70 : i32
      %dma_wait3A_72 = tpu.memref_slice %arg7[%mul3A_71] : memref<5120xi32, #tpu.memory_space<vmem>> -> memref<128xi32, #tpu.memory_space<vmem>>
      %dma_wait3A_73 = arith.constant 0 : i32
      %dma_wait3A_74 = arith.constant 0 : i32
      %dma_wait3A_75 = tpu.memref_slice %arg2[%dma_wait3A_73, %dma_wait3A_74] : memref<10000x128xf32, #tpu.memory_space<hbm>> -> memref<10000x128xf32, #tpu.memory_space<hbm>>
      tpu.wait_indirect_dma semaphore(%arg12 : memref<!tpu.dma_semaphore, #tpu.memory_space<semaphore_mem>>) src(%dma_wait3A_75 : memref<10000x128xf32, #tpu.memory_space<hbm>>) dst(%arg9 : memref<128x128xf32, #tpu.memory_space<vmem>>)
      "tpu.region"() ({
        %run_scoped3A_102 = tpu.sem_alloc : memref<!tpu.dma_semaphore, #tpu.memory_space<semaphore_mem>>
        %dma_start3A_103 = arith.constant 0 : i32
        %dma_start3A_104 = tpu.memref_slice %arg8[%add3A_68, %dma_start3A_103] : memref<79x128xi32, #tpu.memory_space<vmem>> -> memref<1x128xi32, #tpu.memory_space<vmem>>
        %dma_start3A_105 = tpu.memref_squeeze %dma_start3A_104 : memref<1x128xi32, #tpu.memory_space<vmem>> -> memref<128xi32, #tpu.memory_space<vmem>>
        %dma_start3A_106 = arith.constant 0 : i32
        %dma_start3A_107 = arith.constant 0 : i32
        %dma_start3A_108 = tpu.memref_slice %arg11[%dma_start3A_106, %dma_start3A_107] : memref<10128x128xf32, #tpu.memory_space<vmem_shared>> -> memref<10128x128xf32, #tpu.memory_space<vmem_shared>>
        tpu.enqueue_indirect_dma source(%arg9 : memref<128x128xf32, #tpu.memory_space<vmem>>) target(%dma_start3A_108 : memref<10128x128xf32, #tpu.memory_space<vmem_shared>>) offsets(%dma_start3A_105 : memref<128xi32, #tpu.memory_space<vmem>>) semaphore(%run_scoped3A_102 : memref<!tpu.dma_semaphore, #tpu.memory_space<semaphore_mem>>) {add = true}
        %dma_wait3A_109 = arith.constant 0 : i32
        %dma_wait3A_110 = tpu.memref_slice %arg8[%add3A_68, %dma_wait3A_109] : memref<79x128xi32, #tpu.memory_space<vmem>> -> memref<1x128xi32, #tpu.memory_space<vmem>>
        %dma_wait3A_111 = tpu.memref_squeeze %dma_wait3A_110 : memref<1x128xi32, #tpu.memory_space<vmem>> -> memref<128xi32, #tpu.memory_space<vmem>>
        %dma_wait3A_112 = arith.constant 0 : i32
        %dma_wait3A_113 = arith.constant 0 : i32
        %dma_wait3A_114 = tpu.memref_slice %arg11[%dma_wait3A_112, %dma_wait3A_113] : memref<10128x128xf32, #tpu.memory_space<vmem_shared>> -> memref<10128x128xf32, #tpu.memory_space<vmem_shared>>
        tpu.wait_indirect_dma semaphore(%run_scoped3A_102 : memref<!tpu.dma_semaphore, #tpu.memory_space<semaphore_mem>>) src(%arg9 : memref<128x128xf32, #tpu.memory_space<vmem>>) dst(%dma_wait3A_114 : memref<10128x128xf32, #tpu.memory_space<vmem_shared>>)
        tpu.yield
      }) : () -> ()
      %add3A_76 = arith.constant 2 : i32
      %add3A_77 = arith.addi %add3A_68, %add3A_76 : i32
      %sub3A_78 = arith.constant 40 : i32
      %sub3A_79 = arith.subi %add3A_77, %sub3A_78 : i32
      %mul3A_80 = arith.constant 128 : i32
      %mul3A_81 = arith.muli %sub3A_79, %mul3A_80 : i32
      %dma_start3A_82 = tpu.memref_slice %arg7[%mul3A_81] : memref<5120xi32, #tpu.memory_space<vmem>> -> memref<128xi32, #tpu.memory_space<vmem>>
      %dma_start3A_83 = arith.constant 0 : i32
      %dma_start3A_84 = arith.constant 0 : i32
      %dma_start3A_85 = tpu.memref_slice %arg2[%dma_start3A_83, %dma_start3A_84] : memref<10000x128xf32, #tpu.memory_space<hbm>> -> memref<10000x128xf32, #tpu.memory_space<hbm>>
      tpu.enqueue_indirect_dma source(%dma_start3A_85 : memref<10000x128xf32, #tpu.memory_space<hbm>>) target(%arg9 : memref<128x128xf32, #tpu.memory_space<vmem>>) offsets(%dma_start3A_82 : memref<128xi32, #tpu.memory_space<vmem>>) semaphore(%arg12 : memref<!tpu.dma_semaphore, #tpu.memory_space<semaphore_mem>>)
      %add3A_86 = arith.constant 1 : i32
      %add3A_87 = arith.addi %add3A_68, %add3A_86 : i32
      %sub3A_88 = arith.constant 40 : i32
      %sub3A_89 = arith.subi %add3A_87, %sub3A_88 : i32
      %mul3A_90 = arith.constant 128 : i32
      %mul3A_91 = arith.muli %sub3A_89, %mul3A_90 : i32
      %dma_wait3A_92 = tpu.memref_slice %arg7[%mul3A_91] : memref<5120xi32, #tpu.memory_space<vmem>> -> memref<128xi32, #tpu.memory_space<vmem>>
      %dma_wait3A_93 = arith.constant 0 : i32
      %dma_wait3A_94 = arith.constant 0 : i32
      %dma_wait3A_95 = tpu.memref_slice %arg2[%dma_wait3A_93, %dma_wait3A_94] : memref<10000x128xf32, #tpu.memory_space<hbm>> -> memref<10000x128xf32, #tpu.memory_space<hbm>>
      tpu.wait_indirect_dma semaphore(%arg13 : memref<!tpu.dma_semaphore, #tpu.memory_space<semaphore_mem>>) src(%dma_wait3A_95 : memref<10000x128xf32, #tpu.memory_space<hbm>>) dst(%arg10 : memref<128x128xf32, #tpu.memory_space<vmem>>)
      %add3A_96 = arith.constant 1 : i32
      %add3A_97 = arith.addi %add3A_68, %add3A_96 : i32
      "tpu.region"() ({
        %run_scoped3A_102 = tpu.sem_alloc : memref<!tpu.dma_semaphore, #tpu.memory_space<semaphore_mem>>
        %dma_start3A_103 = arith.constant 0 : i32
        %dma_start3A_104 = tpu.memref_slice %arg8[%add3A_97, %dma_start3A_103] : memref<79x128xi32, #tpu.memory_space<vmem>> -> memref<1x128xi32, #tpu.memory_space<vmem>>
        %dma_start3A_105 = tpu.memref_squeeze %dma_start3A_104 : memref<1x128xi32, #tpu.memory_space<vmem>> -> memref<128xi32, #tpu.memory_space<vmem>>
        %dma_start3A_106 = arith.constant 0 : i32
        %dma_start3A_107 = arith.constant 0 : i32
        %dma_start3A_108 = tpu.memref_slice %arg11[%dma_start3A_106, %dma_start3A_107] : memref<10128x128xf32, #tpu.memory_space<vmem_shared>> -> memref<10128x128xf32, #tpu.memory_space<vmem_shared>>
        tpu.enqueue_indirect_dma source(%arg10 : memref<128x128xf32, #tpu.memory_space<vmem>>) target(%dma_start3A_108 : memref<10128x128xf32, #tpu.memory_space<vmem_shared>>) offsets(%dma_start3A_105 : memref<128xi32, #tpu.memory_space<vmem>>) semaphore(%run_scoped3A_102 : memref<!tpu.dma_semaphore, #tpu.memory_space<semaphore_mem>>) {add = true}
        %dma_wait3A_109 = arith.constant 0 : i32
        %dma_wait3A_110 = tpu.memref_slice %arg8[%add3A_97, %dma_wait3A_109] : memref<79x128xi32, #tpu.memory_space<vmem>> -> memref<1x128xi32, #tpu.memory_space<vmem>>
        %dma_wait3A_111 = tpu.memref_squeeze %dma_wait3A_110 : memref<1x128xi32, #tpu.memory_space<vmem>> -> memref<128xi32, #tpu.memory_space<vmem>>
        %dma_wait3A_112 = arith.constant 0 : i32
        %dma_wait3A_113 = arith.constant 0 : i32
        %dma_wait3A_114 = tpu.memref_slice %arg11[%dma_wait3A_112, %dma_wait3A_113] : memref<10128x128xf32, #tpu.memory_space<vmem_shared>> -> memref<10128x128xf32, #tpu.memory_space<vmem_shared>>
        tpu.wait_indirect_dma semaphore(%run_scoped3A_102 : memref<!tpu.dma_semaphore, #tpu.memory_space<semaphore_mem>>) src(%arg10 : memref<128x128xf32, #tpu.memory_space<vmem>>) dst(%dma_wait3A_114 : memref<10128x128xf32, #tpu.memory_space<vmem_shared>>)
        tpu.yield
      }) : () -> ()
      %lt3A = arith.constant 18 : i32
      %lt3A_98 = arith.cmpi slt, %add3A_64, %lt3A : i32
      %convert_element_type3A_99 = arith.extui %lt3A_98 : i1 to i32
      %cond3A_100 = arith.constant 0 : i32
      %cond3A_101 = arith.cmpi ne, %convert_element_type3A_99, %cond3A_100 : i32
      scf.if %cond3A_101 {
        %add3A_102 = arith.constant 3 : i32
        %add3A_103 = arith.addi %add3A_68, %add3A_102 : i32
        %sub3A_104 = arith.constant 40 : i32
        %sub3A_105 = arith.subi %add3A_103, %sub3A_104 : i32
        %mul3A_106 = arith.constant 128 : i32
        %mul3A_107 = arith.muli %sub3A_105, %mul3A_106 : i32
        %dma_start3A_108 = tpu.memref_slice %arg7[%mul3A_107] : memref<5120xi32, #tpu.memory_space<vmem>> -> memref<128xi32, #tpu.memory_space<vmem>>
        %dma_start3A_109 = arith.constant 0 : i32
        %dma_start3A_110 = arith.constant 0 : i32
        %dma_start3A_111 = tpu.memref_slice %arg2[%dma_start3A_109, %dma_start3A_110] : memref<10000x128xf32, #tpu.memory_space<hbm>> -> memref<10000x128xf32, #tpu.memory_space<hbm>>
        tpu.enqueue_indirect_dma source(%dma_start3A_111 : memref<10000x128xf32, #tpu.memory_space<hbm>>) target(%arg10 : memref<128x128xf32, #tpu.memory_space<vmem>>) offsets(%dma_start3A_108 : memref<128xi32, #tpu.memory_space<vmem>>) semaphore(%arg13 : memref<!tpu.dma_semaphore, #tpu.memory_space<semaphore_mem>>)
      } else {
      }
    }
    %scan3A_52 = arith.constant 19 : i32
    %dma_wait3A_53 = arith.constant 4864 : i32
    %dma_wait3A_54 = tpu.memref_slice %arg7[%dma_wait3A_53] : memref<5120xi32, #tpu.memory_space<vmem>> -> memref<128xi32, #tpu.memory_space<vmem>>
    %dma_wait3A_55 = arith.constant 0 : i32
    %dma_wait3A_56 = arith.constant 0 : i32
    %dma_wait3A_57 = tpu.memref_slice %arg2[%dma_wait3A_55, %dma_wait3A_56] : memref<10000x128xf32, #tpu.memory_space<hbm>> -> memref<10000x128xf32, #tpu.memory_space<hbm>>
    tpu.wait_indirect_dma semaphore(%arg12 : memref<!tpu.dma_semaphore, #tpu.memory_space<semaphore_mem>>) src(%dma_wait3A_57 : memref<10000x128xf32, #tpu.memory_space<hbm>>) dst(%arg9 : memref<128x128xf32, #tpu.memory_space<vmem>>)
    %run_scoped3A_58 = arith.constant 78 : i32
    "tpu.region"() ({
      %run_scoped3A_60 = tpu.sem_alloc : memref<!tpu.dma_semaphore, #tpu.memory_space<semaphore_mem>>
      %dma_start3A_61 = arith.constant 0 : i32
      %dma_start3A_62 = tpu.memref_slice %arg8[%run_scoped3A_58, %dma_start3A_61] : memref<79x128xi32, #tpu.memory_space<vmem>> -> memref<1x128xi32, #tpu.memory_space<vmem>>
      %dma_start3A_63 = tpu.memref_squeeze %dma_start3A_62 : memref<1x128xi32, #tpu.memory_space<vmem>> -> memref<128xi32, #tpu.memory_space<vmem>>
      %dma_start3A_64 = arith.constant 0 : i32
      %dma_start3A_65 = arith.constant 0 : i32
      %dma_start3A_66 = tpu.memref_slice %arg11[%dma_start3A_64, %dma_start3A_65] : memref<10128x128xf32, #tpu.memory_space<vmem_shared>> -> memref<10128x128xf32, #tpu.memory_space<vmem_shared>>
      tpu.enqueue_indirect_dma source(%arg9 : memref<128x128xf32, #tpu.memory_space<vmem>>) target(%dma_start3A_66 : memref<10128x128xf32, #tpu.memory_space<vmem_shared>>) offsets(%dma_start3A_63 : memref<128xi32, #tpu.memory_space<vmem>>) semaphore(%run_scoped3A_60 : memref<!tpu.dma_semaphore, #tpu.memory_space<semaphore_mem>>) {add = true}
      %dma_wait3A_67 = arith.constant 0 : i32
      %dma_wait3A_68 = tpu.memref_slice %arg8[%run_scoped3A_58, %dma_wait3A_67] : memref<79x128xi32, #tpu.memory_space<vmem>> -> memref<1x128xi32, #tpu.memory_space<vmem>>
      %dma_wait3A_69 = tpu.memref_squeeze %dma_wait3A_68 : memref<1x128xi32, #tpu.memory_space<vmem>> -> memref<128xi32, #tpu.memory_space<vmem>>
      %dma_wait3A_70 = arith.constant 0 : i32
      %dma_wait3A_71 = arith.constant 0 : i32
      %dma_wait3A_72 = tpu.memref_slice %arg11[%dma_wait3A_70, %dma_wait3A_71] : memref<10128x128xf32, #tpu.memory_space<vmem_shared>> -> memref<10128x128xf32, #tpu.memory_space<vmem_shared>>
      tpu.wait_indirect_dma semaphore(%run_scoped3A_60 : memref<!tpu.dma_semaphore, #tpu.memory_space<semaphore_mem>>) src(%arg9 : memref<128x128xf32, #tpu.memory_space<vmem>>) dst(%dma_wait3A_72 : memref<10128x128xf32, #tpu.memory_space<vmem_shared>>)
      tpu.yield
    }) : () -> ()
    %barrier3A_59 = arith.constant 0 : index
    tpu.barrier barrier_id(%barrier3A_59)
    "tpu.region"() ({
      %run_scoped3A_60 = tpu.sem_alloc : memref<!tpu.dma_semaphore, #tpu.memory_space<semaphore_mem>>
      %dma_start3A_61 = arith.constant 0 : i32
      %dma_start3A_62 = tpu.memref_slice %arg6[%arg0, %mul3A_2, %dma_start3A_61] : memref<2x10000x128xf32, #tpu.memory_space<hbm>> -> memref<1x640x128xf32, #tpu.memory_space<hbm>>
      %dma_start3A_63 = tpu.memref_squeeze %dma_start3A_62 : memref<1x640x128xf32, #tpu.memory_space<hbm>> -> memref<640x128xf32, #tpu.memory_space<hbm>>
      %dma_start3A_64 = arith.constant 0 : i32
      %dma_start3A_65 = tpu.memref_slice %arg11[%mul3A_2, %dma_start3A_64] : memref<10128x128xf32, #tpu.memory_space<vmem_shared>> -> memref<640x128xf32, #tpu.memory_space<vmem_shared>>
      tpu.enqueue_dma source(%dma_start3A_65 : memref<640x128xf32, #tpu.memory_space<vmem_shared>>) target(%dma_start3A_63 : memref<640x128xf32, #tpu.memory_space<hbm>>) target_semaphore(%run_scoped3A_60 : memref<!tpu.dma_semaphore, #tpu.memory_space<semaphore_mem>>)
      %dma_wait3A_66 = arith.constant 0 : i32
      %dma_wait3A_67 = tpu.memref_slice %arg6[%arg0, %mul3A_2, %dma_wait3A_66] : memref<2x10000x128xf32, #tpu.memory_space<hbm>> -> memref<1x640x128xf32, #tpu.memory_space<hbm>>
      %dma_wait3A_68 = tpu.memref_squeeze %dma_wait3A_67 : memref<1x640x128xf32, #tpu.memory_space<hbm>> -> memref<640x128xf32, #tpu.memory_space<hbm>>
      %dma_wait3A_69 = arith.constant 0 : i32
      %dma_wait3A_70 = tpu.memref_slice %arg11[%mul3A_2, %dma_wait3A_69] : memref<10128x128xf32, #tpu.memory_space<vmem_shared>> -> memref<640x128xf32, #tpu.memory_space<vmem_shared>>
      tpu.wait_dma2 semaphore(%run_scoped3A_60 : memref<!tpu.dma_semaphore, #tpu.memory_space<semaphore_mem>>) src(%dma_wait3A_70 : memref<640x128xf32, #tpu.memory_space<vmem_shared>>) dst(%dma_wait3A_68 : memref<640x128xf32, #tpu.memory_space<hbm>>)
      tpu.yield
    }) : () -> ()
    return
  }
}

module attributes {stable_mosaic.version = 14 : i64} {
  func.func @_mm_scale_body(%arg0: i32, %arg1: memref<1000x128xf32, #tpu.memory_space<vmem>>, %arg2: memref<128x128xf32, #tpu.memory_space<vmem>>, %arg3: memref<1x1000x1xf32, #tpu.memory_space<vmem>>, %arg4: memref<1x1000x1xf32, #tpu.memory_space<vmem>>, %arg5: memref<1000x128xf32, #tpu.memory_space<vmem>>) attributes {dimension_semantics = [#tpu.dimension_semantics<arbitrary>], iteration_bounds = array<i64: 10>, scalar_prefetch = 0 : i64, scratch_operands = 0 : i64, tpu.core_type = #tpu.core_type<tc>, window_params = [{transform_indices = @transform_0, window_bounds = array<i64: 1000, 128>}, {pipeline_mode = #tpu.pipeline_mode<synchronous>, transform_indices = @transform_1, window_bounds = array<i64: 128, 128>}, {transform_indices = @transform_2, window_bounds = array<i64: 1, 1000, 1>}, {transform_indices = @transform_3, window_bounds = array<i64: 1, 1000, 1>}, {transform_indices = @transform_4, window_bounds = array<i64: 1000, 128>}]} {
    %get3A = arith.constant 0 : index
    %get3A_0 = arith.constant 0 : index
    %get3A_1 = arith.constant 0 : index
    %get3A_2 = vector.load %arg3[%get3A, %get3A_0, %get3A_1] : memref<1x1000x1xf32, #tpu.memory_space<vmem>>, vector<1x1000x1xf32>
    %get3A_3 = vector.shape_cast %get3A_2 : vector<1x1000x1xf32> to vector<1000x1xf32>
    %add3A = arith.constant 1.000000e+00 : f32
    %add3A_4 = vector.broadcast %add3A : f32 to vector<1000x1xf32>
    %add3A_5 = arith.addf %add3A_4, %get3A_3 : vector<1000x1xf32>
    %get3A_6 = arith.constant 0 : index
    %get3A_7 = arith.constant 0 : index
    %get3A_8 = arith.constant 0 : index
    %get3A_9 = vector.load %arg4[%get3A_6, %get3A_7, %get3A_8] : memref<1x1000x1xf32, #tpu.memory_space<vmem>>, vector<1x1000x1xf32>
    %get3A_10 = vector.shape_cast %get3A_9 : vector<1x1000x1xf32> to vector<1000x1xf32>
    %add3A_11 = arith.addf %add3A_5, %get3A_10 : vector<1000x1xf32>
    %rsqrt3A = math.rsqrt %add3A_11 : vector<1000x1xf32>
    %get3A_12 = arith.constant 0 : index
    %get3A_13 = arith.constant 0 : index
    %get3A_14 = vector.load %arg1[%get3A_12, %get3A_13] : memref<1000x128xf32, #tpu.memory_space<vmem>>, vector<1000x128xf32>
    %get3A_15 = arith.constant 0 : index
    %get3A_16 = arith.constant 0 : index
    %get3A_17 = vector.load %arg2[%get3A_15, %get3A_16] : memref<128x128xf32, #tpu.memory_space<vmem>>, vector<128x128xf32>
    %dot_general3A = arith.constant dense<0.000000e+00> : vector<1000x128xf32>
    %dot_general3A_18 = tpu.matmul %get3A_14, %get3A_17, %dot_general3A {dimension_numbers = #tpu.dot_dimension_numbers<[1], [0], [0], [1], [0, 0, 1, 1], [], []>, transpose_lhs_hint = false} : vector<1000x128xf32>, vector<128x128xf32>, vector<1000x128xf32> -> vector<1000x128xf32>
    %mul3A = vector.broadcast %rsqrt3A : vector<1000x1xf32> to vector<1000x128xf32>
    %mul3A_19 = arith.mulf %dot_general3A_18, %mul3A : vector<1000x128xf32>
    %swap3A = arith.constant 0 : index
    %swap3A_20 = arith.constant 0 : index
    %swap3A_21 = vector.load %arg5[%swap3A, %swap3A_20] : memref<1000x128xf32, #tpu.memory_space<vmem>>, vector<1000x128xf32>
    tpu.vector_store %arg5[%swap3A, %swap3A_20], %mul3A_19 {strides = array<i32>} : memref<1000x128xf32, #tpu.memory_space<vmem>>, vector<1000x128xf32>,
    return
  }
  func.func @transform_0(%arg0: i32) -> (i32, i32) {
    %c0_i32 = arith.constant 0 : i32
    %c0_i32_0 = arith.constant 0 : i32
    return %arg0, %c0_i32 : i32, i32
  }
  func.func @transform_1(%arg0: i32) -> (i32, i32) {
    %c0_i32 = arith.constant 0 : i32
    %c0_i32_0 = arith.constant 0 : i32
    %c0_i32_1 = arith.constant 0 : i32
    return %c0_i32, %c0_i32_0 : i32, i32
  }
  func.func @transform_2(%arg0: i32) -> (i32, i32, i32) {
    %c0_i32 = arith.constant 0 : i32
    %c0_i32_0 = arith.constant 0 : i32
    %c0_i32_1 = arith.constant 0 : i32
    return %arg0, %c0_i32, %c0_i32_0 : i32, i32, i32
  }
  func.func @transform_3(%arg0: i32) -> (i32, i32, i32) {
    %c0_i32 = arith.constant 0 : i32
    %c0_i32_0 = arith.constant 0 : i32
    %c0_i32_1 = arith.constant 0 : i32
    return %arg0, %c0_i32, %c0_i32_0 : i32, i32, i32
  }
  func.func @transform_4(%arg0: i32) -> (i32, i32) {
    %c0_i32 = arith.constant 0 : i32
    %c0_i32_0 = arith.constant 0 : i32
    return %arg0, %c0_i32 : i32, i32
  }
}

module attributes {stable_mosaic.version = 14 : i64} {
  func.func @_mid_body(%arg0: i32, %arg1: memref<2x1000x128xf32, #tpu.memory_space<vmem>>, %arg2: memref<1x1000x1xf32, #tpu.memory_space<vmem>>, %arg3: memref<1x1000x1xf32, #tpu.memory_space<vmem>>, %arg4: memref<1x128xf32, #tpu.memory_space<vmem>>, %arg5: memref<128x128xf32, #tpu.memory_space<vmem>>, %arg6: memref<1000x128xf32, #tpu.memory_space<vmem>>) attributes {dimension_semantics = [#tpu.dimension_semantics<arbitrary>], iteration_bounds = array<i64: 10>, scalar_prefetch = 0 : i64, scratch_operands = 0 : i64, tpu.core_type = #tpu.core_type<tc>, window_params = [{transform_indices = @transform_0, window_bounds = array<i64: 2, 1000, 128>}, {transform_indices = @transform_1, window_bounds = array<i64: 1, 1000, 1>}, {transform_indices = @transform_2, window_bounds = array<i64: 1, 1000, 1>}, {pipeline_mode = #tpu.pipeline_mode<synchronous>, transform_indices = @transform_3, window_bounds = array<i64: 1, 128>}, {pipeline_mode = #tpu.pipeline_mode<synchronous>, transform_indices = @transform_4, window_bounds = array<i64: 128, 128>}, {transform_indices = @transform_5, window_bounds = array<i64: 1000, 128>}]} {
    %get3A = arith.constant 0 : index
    %get3A_0 = arith.constant 0 : index
    %get3A_1 = arith.constant 0 : index
    %get3A_2 = vector.load %arg2[%get3A, %get3A_0, %get3A_1] : memref<1x1000x1xf32, #tpu.memory_space<vmem>>, vector<1x1000x1xf32>
    %get3A_3 = vector.shape_cast %get3A_2 : vector<1x1000x1xf32> to vector<1000x1xf32>
    %add3A = arith.constant 1.000000e+00 : f32
    %add3A_4 = vector.broadcast %add3A : f32 to vector<1000x1xf32>
    %add3A_5 = arith.addf %add3A_4, %get3A_3 : vector<1000x1xf32>
    %get3A_6 = arith.constant 0 : index
    %get3A_7 = arith.constant 0 : index
    %get3A_8 = arith.constant 0 : index
    %get3A_9 = vector.load %arg3[%get3A_6, %get3A_7, %get3A_8] : memref<1x1000x1xf32, #tpu.memory_space<vmem>>, vector<1x1000x1xf32>
    %get3A_10 = vector.shape_cast %get3A_9 : vector<1x1000x1xf32> to vector<1000x1xf32>
    %add3A_11 = arith.addf %add3A_5, %get3A_10 : vector<1000x1xf32>
    %rsqrt3A = math.rsqrt %add3A_11 : vector<1000x1xf32>
    %get3A_12 = arith.constant 0 : index
    %get3A_13 = arith.constant 0 : index
    %get3A_14 = arith.constant 0 : index
    %get3A_15 = vector.load %arg1[%get3A_12, %get3A_13, %get3A_14] : memref<2x1000x128xf32, #tpu.memory_space<vmem>>, vector<1x1000x128xf32>
    %get3A_16 = vector.shape_cast %get3A_15 : vector<1x1000x128xf32> to vector<1000x128xf32>
    %get3A_17 = arith.constant 1 : index
    %get3A_18 = arith.constant 0 : index
    %get3A_19 = arith.constant 0 : index
    %get3A_20 = vector.load %arg1[%get3A_17, %get3A_18, %get3A_19] : memref<2x1000x128xf32, #tpu.memory_space<vmem>>, vector<1x1000x128xf32>
    %get3A_21 = vector.shape_cast %get3A_20 : vector<1x1000x128xf32> to vector<1000x128xf32>
    %add3A_22 = arith.addf %get3A_16, %get3A_21 : vector<1000x128xf32>
    %mul3A = vector.broadcast %rsqrt3A : vector<1000x1xf32> to vector<1000x128xf32>
    %mul3A_23 = arith.mulf %mul3A, %add3A_22 : vector<1000x128xf32>
    %get3A_24 = arith.constant 0 : index
    %get3A_25 = arith.constant 0 : index
    %get3A_26 = vector.load %arg4[%get3A_24, %get3A_25] : memref<1x128xf32, #tpu.memory_space<vmem>>, vector<1x128xf32>
    %add3A_27 = vector.broadcast %get3A_26 : vector<1x128xf32> to vector<1000x128xf32>
    %add3A_28 = arith.addf %mul3A_23, %add3A_27 : vector<1000x128xf32>
    %max3A = arith.constant 0.000000e+00 : f32
    %max3A_29 = vector.broadcast %max3A : f32 to vector<1000x128xf32>
    %max3A_30 = arith.maximumf %add3A_28, %max3A_29 : vector<1000x128xf32>
    %get3A_31 = arith.constant 0 : index
    %get3A_32 = arith.constant 0 : index
    %get3A_33 = vector.load %arg5[%get3A_31, %get3A_32] : memref<128x128xf32, #tpu.memory_space<vmem>>, vector<128x128xf32>
    %dot_general3A = arith.constant dense<0.000000e+00> : vector<1000x128xf32>
    %dot_general3A_34 = tpu.matmul %max3A_30, %get3A_33, %dot_general3A {dimension_numbers = #tpu.dot_dimension_numbers<[1], [0], [0], [1], [0, 0, 1, 1], [], []>, transpose_lhs_hint = false} : vector<1000x128xf32>, vector<128x128xf32>, vector<1000x128xf32> -> vector<1000x128xf32>
    %mul3A_35 = vector.broadcast %rsqrt3A : vector<1000x1xf32> to vector<1000x128xf32>
    %mul3A_36 = arith.mulf %dot_general3A_34, %mul3A_35 : vector<1000x128xf32>
    %swap3A = arith.constant 0 : index
    %swap3A_37 = arith.constant 0 : index
    %swap3A_38 = vector.load %arg6[%swap3A, %swap3A_37] : memref<1000x128xf32, #tpu.memory_space<vmem>>, vector<1000x128xf32>
    tpu.vector_store %arg6[%swap3A, %swap3A_37], %mul3A_36 {strides = array<i32>} : memref<1000x128xf32, #tpu.memory_space<vmem>>, vector<1000x128xf32>,
    return
  }
  func.func @transform_0(%arg0: i32) -> (i32, i32, i32) {
    %c0_i32 = arith.constant 0 : i32
    %c0_i32_0 = arith.constant 0 : i32
    %c0_i32_1 = arith.constant 0 : i32
    return %c0_i32, %arg0, %c0_i32_0 : i32, i32, i32
  }
  func.func @transform_1(%arg0: i32) -> (i32, i32, i32) {
    %c0_i32 = arith.constant 0 : i32
    %c0_i32_0 = arith.constant 0 : i32
    %c0_i32_1 = arith.constant 0 : i32
    return %arg0, %c0_i32, %c0_i32_0 : i32, i32, i32
  }
  func.func @transform_2(%arg0: i32) -> (i32, i32, i32) {
    %c0_i32 = arith.constant 0 : i32
    %c0_i32_0 = arith.constant 0 : i32
    %c0_i32_1 = arith.constant 0 : i32
    return %arg0, %c0_i32, %c0_i32_0 : i32, i32, i32
  }
  func.func @transform_3(%arg0: i32) -> (i32, i32) {
    %c0_i32 = arith.constant 0 : i32
    %c0_i32_0 = arith.constant 0 : i32
    %c0_i32_1 = arith.constant 0 : i32
    return %c0_i32, %c0_i32_0 : i32, i32
  }
  func.func @transform_4(%arg0: i32) -> (i32, i32) {
    %c0_i32 = arith.constant 0 : i32
    %c0_i32_0 = arith.constant 0 : i32
    %c0_i32_1 = arith.constant 0 : i32
    return %c0_i32, %c0_i32_0 : i32, i32
  }
  func.func @transform_5(%arg0: i32) -> (i32, i32) {
    %c0_i32 = arith.constant 0 : i32
    %c0_i32_0 = arith.constant 0 : i32
    return %arg0, %c0_i32 : i32, i32
  }
}

module attributes {stable_mosaic.version = 14 : i64} {
  func.func @_final_body(%arg0: i32, %arg1: memref<2x1000x128xf32, #tpu.memory_space<vmem>>, %arg2: memref<1x1000x1xf32, #tpu.memory_space<vmem>>, %arg3: memref<1x1000x1xf32, #tpu.memory_space<vmem>>, %arg4: memref<1x128xf32, #tpu.memory_space<vmem>>, %arg5: memref<1000x64xf32, #tpu.memory_space<vmem>>, %arg6: memref<1000x64xf32, #tpu.memory_space<vmem>>) attributes {dimension_semantics = [#tpu.dimension_semantics<arbitrary>], iteration_bounds = array<i64: 10>, scalar_prefetch = 0 : i64, scratch_operands = 0 : i64, tpu.core_type = #tpu.core_type<tc>, window_params = [{transform_indices = @transform_0, window_bounds = array<i64: 2, 1000, 128>}, {transform_indices = @transform_1, window_bounds = array<i64: 1, 1000, 1>}, {transform_indices = @transform_2, window_bounds = array<i64: 1, 1000, 1>}, {pipeline_mode = #tpu.pipeline_mode<synchronous>, transform_indices = @transform_3, window_bounds = array<i64: 1, 128>}, {transform_indices = @transform_4, window_bounds = array<i64: 1000, 64>}, {transform_indices = @transform_5, window_bounds = array<i64: 1000, 64>}]} {
    %get3A = arith.constant 0 : index
    %get3A_0 = arith.constant 0 : index
    %get3A_1 = arith.constant 0 : index
    %get3A_2 = vector.load %arg2[%get3A, %get3A_0, %get3A_1] : memref<1x1000x1xf32, #tpu.memory_space<vmem>>, vector<1x1000x1xf32>
    %get3A_3 = vector.shape_cast %get3A_2 : vector<1x1000x1xf32> to vector<1000x1xf32>
    %add3A = arith.constant 1.000000e+00 : f32
    %add3A_4 = vector.broadcast %add3A : f32 to vector<1000x1xf32>
    %add3A_5 = arith.addf %add3A_4, %get3A_3 : vector<1000x1xf32>
    %get3A_6 = arith.constant 0 : index
    %get3A_7 = arith.constant 0 : index
    %get3A_8 = arith.constant 0 : index
    %get3A_9 = vector.load %arg3[%get3A_6, %get3A_7, %get3A_8] : memref<1x1000x1xf32, #tpu.memory_space<vmem>>, vector<1x1000x1xf32>
    %get3A_10 = vector.shape_cast %get3A_9 : vector<1x1000x1xf32> to vector<1000x1xf32>
    %add3A_11 = arith.addf %add3A_5, %get3A_10 : vector<1000x1xf32>
    %rsqrt3A = math.rsqrt %add3A_11 : vector<1000x1xf32>
    %get3A_12 = arith.constant 0 : index
    %get3A_13 = arith.constant 0 : index
    %get3A_14 = arith.constant 0 : index
    %get3A_15 = vector.load %arg1[%get3A_12, %get3A_13, %get3A_14] : memref<2x1000x128xf32, #tpu.memory_space<vmem>>, vector<1x1000x128xf32>
    %get3A_16 = vector.shape_cast %get3A_15 : vector<1x1000x128xf32> to vector<1000x128xf32>
    %get3A_17 = arith.constant 1 : index
    %get3A_18 = arith.constant 0 : index
    %get3A_19 = arith.constant 0 : index
    %get3A_20 = vector.load %arg1[%get3A_17, %get3A_18, %get3A_19] : memref<2x1000x128xf32, #tpu.memory_space<vmem>>, vector<1x1000x128xf32>
    %get3A_21 = vector.shape_cast %get3A_20 : vector<1x1000x128xf32> to vector<1000x128xf32>
    %add3A_22 = arith.addf %get3A_16, %get3A_21 : vector<1000x128xf32>
    %mul3A = vector.broadcast %rsqrt3A : vector<1000x1xf32> to vector<1000x128xf32>
    %mul3A_23 = arith.mulf %mul3A, %add3A_22 : vector<1000x128xf32>
    %get3A_24 = arith.constant 0 : index
    %get3A_25 = arith.constant 0 : index
    %get3A_26 = vector.load %arg4[%get3A_24, %get3A_25] : memref<1x128xf32, #tpu.memory_space<vmem>>, vector<1x128xf32>
    %add3A_27 = vector.broadcast %get3A_26 : vector<1x128xf32> to vector<1000x128xf32>
    %add3A_28 = arith.addf %mul3A_23, %add3A_27 : vector<1000x128xf32>
    %slice3A = vector.extract_strided_slice %add3A_28 {offsets = [0, 0], sizes = [1000, 64], strides = [1, 1]} : vector<1000x128xf32> to vector<1000x64xf32>
    %swap3A = arith.constant 0 : index
    %swap3A_29 = arith.constant 0 : index
    %swap3A_30 = vector.load %arg5[%swap3A, %swap3A_29] : memref<1000x64xf32, #tpu.memory_space<vmem>>, vector<1000x64xf32>
    tpu.vector_store %arg5[%swap3A, %swap3A_29], %slice3A {strides = array<i32>} : memref<1000x64xf32, #tpu.memory_space<vmem>>, vector<1000x64xf32>,
    %slice3A_31 = vector.extract_strided_slice %add3A_28 {offsets = [0, 64], sizes = [1000, 64], strides = [1, 1]} : vector<1000x128xf32> to vector<1000x64xf32>
    %swap3A_32 = arith.constant 0 : index
    %swap3A_33 = arith.constant 0 : index
    %swap3A_34 = vector.load %arg6[%swap3A_32, %swap3A_33] : memref<1000x64xf32, #tpu.memory_space<vmem>>, vector<1000x64xf32>
    tpu.vector_store %arg6[%swap3A_32, %swap3A_33], %slice3A_31 {strides = array<i32>} : memref<1000x64xf32, #tpu.memory_space<vmem>>, vector<1000x64xf32>,
    return
  }
  func.func @transform_0(%arg0: i32) -> (i32, i32, i32) {
    %c0_i32 = arith.constant 0 : i32
    %c0_i32_0 = arith.constant 0 : i32
    %c0_i32_1 = arith.constant 0 : i32
    return %c0_i32, %arg0, %c0_i32_0 : i32, i32, i32
  }
  func.func @transform_1(%arg0: i32) -> (i32, i32, i32) {
    %c0_i32 = arith.constant 0 : i32
    %c0_i32_0 = arith.constant 0 : i32
    %c0_i32_1 = arith.constant 0 : i32
    return %arg0, %c0_i32, %c0_i32_0 : i32, i32, i32
  }
  func.func @transform_2(%arg0: i32) -> (i32, i32, i32) {
    %c0_i32 = arith.constant 0 : i32
    %c0_i32_0 = arith.constant 0 : i32
    %c0_i32_1 = arith.constant 0 : i32
    return %arg0, %c0_i32, %c0_i32_0 : i32, i32, i32
  }
  func.func @transform_3(%arg0: i32) -> (i32, i32) {
    %c0_i32 = arith.constant 0 : i32
    %c0_i32_0 = arith.constant 0 : i32
    %c0_i32_1 = arith.constant 0 : i32
    return %c0_i32, %c0_i32_0 : i32, i32
  }
  func.func @transform_4(%arg0: i32) -> (i32, i32) {
    %c0_i32 = arith.constant 0 : i32
    %c0_i32_0 = arith.constant 0 : i32
    return %arg0, %c0_i32 : i32, i32
  }
  func.func @transform_5(%arg0: i32) -> (i32, i32) {
    %c0_i32 = arith.constant 0 : i32
    %c0_i32_0 = arith.constant 0 : i32
    return %arg0, %c0_i32 : i32, i32
  }
}

</mosaic_0001>

<sc_bundles>
// kernel: kernel.11.cloned.1.call-start
scs
__scs_entry_jumppad:
0x0: {  	(pc) =	sbr.rel $0x88, $3  }
0x1: {  	(tag) =	ssettag $0x0;
	lr =	simm.s32 $0x1  }
0x2: {  	[smem:$0x3F98] =	sst lr;
	_ =	strace $0xD0000000  }
0x3: {  	_ = 	snop  }
0x4: {  	_ = 	snop  }
0x5: {  	_ = 	snop  }
0x6: {  	_ = 	snop  }
0x7: {  	_ = 	snop  }
__scs_overlays_trampoline_lowered:
0x8: {  	[smem:$0x3FA7] =	sst s0  }
0x9: {  	[smem:$0x3FA8] =	sst s1  }
0xa: {  	[smem:$0x3FA9] =	sst s2  }
0xb: {  	[smem:$0x3FAA] =	sst s3  }
0xc: {  	[smem:$0x3FAB] =	sst s4  }
0xd: {  	[smem:$0x3FAC] =	sst s5  }
0xe: {  	[smem:$0x3FAD] =	sst s6  }
0xf: {  	[smem:$0x3FAE] =	sst s7  }
0x10: {  	[smem:$0x3FAF] =	sst s8  }
0x11: {  	[smem:$0x3FB0] =	sst s9;
	s0 =	simm.s32 @!p0 $0x0  }
0x12: {  	s1 =	sld [smem:$0x3F96];
	s0 =	simm.s32 @p0 $0x1  }
0x13: {  	[smem:$0x3FB1] =	sst s0;
	s0 =	simm.s32 @!p1 $0x0  }
0x14: {  	s2 =	sld [smem:$0x3F95];
	s0 =	simm.s32 @p1 $0x1  }
0x15: {  	[smem:$0x3FB2] =	sst s0;
	s0 =	simm.s32 @!p2 $0x0  }
0x16: {  	s3 =	sld [smem:$0x3FDB];
	s0 =	simm.s32 @p2 $0x1  }
0x17: {  	s4 =	simm.s32 $0x1BF5;
	[smem:$0x3FB4] =	sst s0  }
0x18: {  	s0 =	sld [smem:$0x3F97];
	_ =	swait.ge [sflag:s4], $0x0  }
0x19: {  	s7 =	sld [smem:$0x3F98]  }
0x1a: {  	s8 =	sadd.s32 $0xFFFFE003, lr  }
0x1b: {  	s9 =	sadd.s32 $0xFFFFFEF7, lr;
	s5 =	simm.s32 $0xFFFFFFFF;
	p2 =	slt.u32 s8, $0xFFFFF086  }
0x1c: {  	p1 =	slt.u32 s9, $0xF7A;
	s5 =	simm.s32 @!p2 $0x0  }
0x1d: {  	s5 =	simm.s32 @p1 $0x1;
	p0 =	seq.s32 s7, s2  }
0x1e: {  	s7 =	smul.u32 @!p0 $0xF7A, s2;
	p2 =	seq.s32 @!p0 s5, $0x0  }
0x1f: {  	s9 =	smul.u32 $0xF7A, s1;
	s8 =	simm.s32 @!p0 $0x1BF5;
	p2 =	por !p2, p0  }
0x20: {  	[sflag:s8] =	ssyncset.s32 @!p0 $0xFFFFF086;
	s6 =	sadd.s32 @!p0 s3, s7;
	s7 =	simm.s32 @!p0 $0x108  }
0x21: {  	s3 =	sadd.s32 s3, s9;
	s6 =	sadd.s32 @!p0 $0x88, s6;
	s7 =	simm.s32 @p2 $0x1082  }
0x22: {  	[simem:s7], [sflag:s8] =	dma.local @!p0 [hbm:s6], $0xF7A  }
0x23: {  	s9 =	sor.u32 $0xD0000000, s2;
	s6 =	simm.s32 $0x108;
	_ =	swait.ge @!p0 [sflag:s8], $0x0  }
0x24: {  	s3 =	sadd.s32 $0x88, s3;
	s6 =	simm.s32 @!p1 $0x1082;
	[sflag:s4] =	ssyncset.s32 $0xFFFFF086  }
0x25: {  	[simem:s6], [sflag:s4] =	dma.local [hbm:s3], $0xF7A  }
0x26: {  	[smem:$0x3F98] =	sst s1;
	(tag) =	ssettag s2;
	_ =	strace s9  }
0x27: {  	s1 =	sld [smem:$0x3FA8]  }
0x28: {  	s2 =	sld [smem:$0x3FA9]  }
0x29: {  	s4 =	sld [smem:$0x3FAB]  }
0x2a: {  	p0 =	seq.s32 s5, $0x0;
	s5 =	sld [smem:$0x3FAC]  }
0x2b: {  	s6 =	sld [smem:$0x3FAD]  }
0x2c: {  	s7 =	sld [smem:$0x3FAE]  }
0x2d: {  	s3 =	simm.s32 $0x108;
	s8 =	sld [smem:$0x3FAF]  }
0x2e: {  	s3 =	simm.s32 @!p0 $0x1082;
	s9 =	sld [smem:$0x3FB0]  }
0x2f: {  	lr =	sadd.s32 s0, s3;
	s0 =	sld [smem:$0x3FA7]  }
0x30: {  	s3 =	sld [smem:$0x3FAA]  }
0x31: {  	[smem:$0x3FB3] =	sst s10  }
0x32: {  	s10 =	sld [smem:$0x3FB1];
	_ =	sdelay $0x3  }
0x33: {  	p0 =	seq.s32 s10, $0x1;
	s10 =	sld [smem:$0x3FB3];
	_ =	sdelay $0x3  }
0x34: {  	[smem:$0x3FB3] =	sst s10  }
0x35: {  	s10 =	sld [smem:$0x3FB2];
	_ =	sdelay $0x3  }
0x36: {  	p1 =	seq.s32 s10, $0x1;
	s10 =	sld [smem:$0x3FB3];
	_ =	sdelay $0x3  }
0x37: {  	[smem:$0x3FB3] =	sst s10  }
0x38: {  	s10 =	sld [smem:$0x3FB4]  }
0x39: {  	_ = 	snop;
	(pc) =	sbr.ind lr, $3  }
0x3a: {  	_ = 	snop  }
0x3b: {  	_ = 	snop  }
0x3c: {  	p2 =	seq.s32 s10, $0x1;
	s10 =	sld [smem:$0x3FB3]  }
0x3d: {  	_ =	shalt  }
0x3e: {  	_ =	shalt  }
0x3f: {  	_ =	shalt  }
0x40: {  	_ =	shalt  }
0x41: {  	_ =	shalt  }
0x42: {  	_ =	shalt  }
0x43: {  	_ =	shalt  }
0x44: {  	_ =	shalt  }
0x45: {  	_ =	shalt  }
0x46: {  	_ =	shalt  }
0x47: {  	_ =	shalt  }
0x48: {  	_ =	shalt  }
0x49: {  	_ =	shalt  }
0x4a: {  	_ =	shalt  }
0x4b: {  	_ =	shalt  }
0x4c: {  	_ =	shalt  }
0x4d: {  	_ =	shalt  }
0x4e: {  	_ =	shalt  }
0x4f: {  	_ =	shalt  }
0x50: {  	_ =	shalt  }
0x51: {  	_ =	shalt  }
0x52: {  	_ =	shalt  }
0x53: {  	_ =	shalt  }
0x54: {  	_ =	shalt  }
0x55: {  	_ =	shalt  }
0x56: {  	_ =	shalt  }
0x57: {  	_ =	shalt  }
0x58: {  	_ =	shalt  }
0x59: {  	_ =	shalt  }
0x5a: {  	_ =	shalt  }
0x5b: {  	_ =	shalt  }
0x5c: {  	_ =	shalt  }
0x5d: {  	_ =	shalt  }
0x5e: {  	_ =	shalt  }
0x5f: {  	_ =	shalt  }
0x60: {  	_ =	shalt  }
0x61: {  	_ =	shalt  }
0x62: {  	_ =	shalt  }
0x63: {  	_ =	shalt  }
0x64: {  	_ =	shalt  }
0x65: {  	_ =	shalt  }
0x66: {  	_ =	shalt  }
0x67: {  	_ =	shalt  }
0x68: {  	_ =	shalt  }
0x69: {  	_ =	shalt  }
0x6a: {  	_ =	shalt  }
0x6b: {  	_ =	shalt  }
0x6c: {  	_ =	shalt  }
0x6d: {  	_ =	shalt  }
0x6e: {  	_ =	shalt  }
0x6f: {  	_ =	shalt  }
0x70: {  	_ =	shalt  }
0x71: {  	_ =	shalt  }
0x72: {  	_ =	shalt  }
0x73: {  	_ =	shalt  }
0x74: {  	_ =	shalt  }
0x75: {  	_ =	shalt  }
0x76: {  	_ =	shalt  }
0x77: {  	_ =	shalt  }
0x78: {  	_ =	shalt  }
0x79: {  	_ =	shalt  }
0x7a: {  	_ =	shalt  }
0x7b: {  	_ =	shalt  }
0x7c: {  	_ =	shalt  }
0x7d: {  	_ =	shalt  }
0x7e: {  	_ =	shalt  }
0x7f: {  	_ =	shalt  }
0x80: {  	_ =	shalt  }
0x81: {  	_ =	shalt  }
0x82: {  	_ =	shalt  }
0x83: {  	_ =	shalt  }
0x84: {  	_ =	shalt  }
0x85: {  	_ =	shalt  }
0x86: {  	_ =	shalt  }
0x87: {  	_ =	shalt  }
.Lfunc_end0:
.L_simem_size_0:
called_computation.1_lowered:
.L_overlay_start_0:
0x88: {  	s2 =	sld [smem:$0x3FD9]  }
0x89: {  	s3 =	sld [smem:$0x3FFE];
	_ =	sdelay $0x1  }
0x8a: {  	s1 =	srdreg.scid  }
0x8b: {  	s0 =	sand.u32 $0x1, s1  }
0x8c: {  	s14 =	sshll.u32 s0, $0xA;
	s2 =	sadd.s32 s3, s2  }
0x8d: {  	s2 =	sadd.s32 s2, s14  }
0x8e: {  	[smem:$0x3FBF] =	sst s2  }
0x8f: {  	_ = 	snop  }
0x90: {  	s2 =	sld [smem:$0x3FD0];
	_ =	sdelay $0x2  }
0x91: {  	s15 =	simm.s32 $0xA;
	s4 =	simm.s32 $0x10  }
0x92: {  	[smem:s4], [sflag:s15] =	dma.local [hbm:s2], $0x1  }
0x93: {  	_ =	swait.eq [sflag:s15], $0x1  }
0x94: {  	[sflag:s15] =	ssyncset.done $0x0  }
0x95: {  	s16 =	sld [smem:$0x10];
	[sflag:s15] =	ssyncadd.s32 $0xFFFFFFFF  }
0x96: {  	s17 =	sld [smem:$0x11];
	(tm) =	ssettm $0x1  }
0x97: {  	s18 =	sld [smem:$0x3FFB];
	_ =	sdelay $0x3  }
0x98: {  	_ =	strace s18  }
0x99: {  	s4 =	sld [smem:$0x3FFC];
	_ =	sdelay $0x3  }
0x9a: {  	_ =	strace s4  }
0x9b: {  	s4 =	sld [smem:$0x3FFD];
	_ =	sdelay $0x3  }
0x9c: {  	_ =	strace s4  }
0x9d: {  	_ =	strace $0x8FFFFFFF  }
0x9e: {  	s19 =	sld [smem:$0x3FDB];
	_ =	sdelay $0x1  }
0x9f: {  	s5 =	simm.s32 $_scs_section_size  }
0xa0: {  	s6 =	simm.s32 $_size__tile_overlayer_lowered;
	s7 =	simm.s32 $_tile_overlayer_lowered  }
0xa1: {  	s22 =	simm.s32 $0x1BFF;
	s21 =	sshll.u32 s7, $0x1;
	s4 =	sadd.s32 s5, s19  }
0xa2: {  	s8 =	simm.s32 $0x0;
	s20 =	sshll.u32 s6, $0x1;
	s6 =	sadd.s32 s21, s4  }
0xa3: {  	[timem:s8], [sflag:s22] =	dma.local [hbm:s6], s20  }
0xa4: {  	_ =	swait.ge [sflag:s22], s20  }
0xa5: {  	s5 =	ssub.s32 $0x0, s20;
	[sflag:s22] =	ssyncset.done $0x0  }
0xa6: {  	[sflag:s22] =	ssyncadd.s32 s5;
	_ =	sdelay $0x1  }
0xa7: {  	s23 =	simm.s32 $0x1B8B  }
0xa8: {  	_ =	swait.ge [sflag:s23], $0x1  }
0xa9: {  	[sflag:s23] =	ssyncset.done $0x0  }
0xaa: {  	s25 =	simm.s32 $0x1B8E;
	s24 =	sld [smem:$0x3FFE];
	[sflag:s23] =	ssyncadd.s32 $0xFFFFFFFF  }
0xab: {  	s26 =	simm.s32 $execute0_lowered;
	[smem:$0x3FD2] =	sst s25  }
0xac: {  	s6 =	sshll.u32 s26, $0x1;
	_ =	strace $0x80000049;
	[dreg:$0x1] =	wrdreg $0xFFFFFFFF  }
0xad: {  	s28 =	simm.s32 $_size_execute0_lowered;
	s4 =	sadd.s32 s4, s6;
	[dreg:$0x0] =	wrdreg $0x0  }
0xae: {  	s6 =	sshll.u32 s28, $0x1;
	[dreg:$0x2] =	wrdreg s4  }
0xaf: {  	[dreg:$0x3] =	wrdreg s6  }
0xb0: {  	[dreg:$0x4] =	wrdreg $0xC0  }
0xb1: {  	_ =	task [dreg:s8], $0x5FFFF  }
0xb2: {  	[dreg:$0x1] =	wrdreg $0xFFFFFFFF  }
0xb3: {  	[dreg:$0x0] =	wrdreg $0x60  }
0xb4: {  	[dreg:$0x2] =	wrdreg s24  }
0xb5: {  	[dreg:$0x3] =	wrdreg s16  }
0xb6: {  	[dreg:$0x4] =	wrdreg s17  }
0xb7: {  	[dreg:$0x5] =	wrdreg $0xBC000  }
0xb8: {  	[dreg:$0x6] =	wrdreg $0x9  }
0xb9: {  	_ =	task.clear_ibuf [dreg:s8], $0x7FFFF;
	_ =	strace $0x90000049  }
0xba: {  	s29 =	simm.s32 $0x9;
	_ =	strace $0x8000004B  }
0xbb: {  	_ =	swait.ge [sflag:s29], $0x1  }
0xbc: {  	[sflag:s29] =	ssyncadd.s32 $0xFFFFFFFF  }
0xbd: {  	_ =	strace $0x9000004B  }
0xbe: {  	_ =	sfence  }
0xbf: {  	s30 =	sld [smem:$0x0];
	_ =	sdelay $0x2  }
0xc0: {  	s31 =	sshll.u32 s1, $0xD;
	s1 =	sshrl.u32 s1, $0x2  }
0xc1: {  	s3 =	sand.u32 $0x4000, s31;
	s1 =	sadd.s32 s1, s30  }
0xc2: {  	s0 =	sor.u32 s3, s0;
	s1 =	sshll.u32 s1, $0x11  }
0xc3: {  	s0 =	sor.u32 s1, s0  }
0xc4: {  	s0 =	sadd.s32 $0x8F2B, s0  }
0xc5: {  	[sflag:s0] =	ssyncadd.remote.s32 $0x1  }
0xc6: {  	_ =	sfence.sel $0xFFFF  }
0xc7: {  	[dreg:$0x0] =	wrdreg $0xFFFFFFFF;
	(pc) =	sbr.abs _section_cstart, $3  }
0xc8: {  	[dreg:$0x1] =	wrdreg $0xFFFFFFFF  }
0xc9: {  	_ =	task.clear_ibuf [dreg:s8], $0x2FFFF;
	_ =	strace $0x9FFFFFFF  }
0xca: {  	(tm) =	ssettm $0x7FFFFFFF  }
0xcb: {  	_ =	shalt  }
tec
execute0_lowered:
.L_overlay_start_1:
0x0: {  	(tag) =	ssettag $0x1  }
0x1: {  	s5 =	rddreg [dreg:$0x0]  }
0x2: {  	s6 =	rddreg [dreg:$0x1]  }
0x3: {  	s7 =	rddreg [dreg:$0x2]  }
0x4: {  	s1 =	rddreg [dreg:$0x3]  }
0x5: {  	s2 =	srdreg.scid;
	s0 =	rddreg [dreg:$0x4];
	s3 =	simm.s32 $0x0  }
0x6: {  	s18 =	simm.s32 $0x1;
	s19 =	simm.s32 $0x2;
	s20 =	simm.s32 $0x2700  }
0x7: {  	s21 =	simm.s32 $0x2780;
	s22 =	simm.s32 $0x3A00;
	s23 =	simm.s32 $0x1300  }
0x8: {  	s24 =	simm.s32 $0x3A80;
	s25 =	simm.s32 $0x3B00;
	s26 =	simm.s32 $0x0  }
0x9: {  	s8 =	sand.u32 $0x1, s2;
	s2 =	stileid.u32;
	[smem:$0x7FF] =	sst s3  }
0xa: {  	s4 =	sadd.s32 $0x2400, s5;
	s12 =	sadd.s32 $0x29600, s5;
	s9 =	smul.u32 $0x138800, s8  }
0xb: {  	s10 =	smul.u32 $0x13800, s2;
	s11 =	sshll.u32 s8, $0x4;
	_ =	strace $0x8000004A  }
0xc: {  	s13 =	ssub.s32 $0x2, s8;
	s15 =	smul.u32 $0x4E000, s2;
	p0 =	seq.s32 s8, $0x0  }
0xd: {  	s31 =	smul.u32 $0x2700, s2;
	s16 =	sshll.u32 s2, $0x6;
	s11 =	sor.u32 s2, s11  }
0xe: {  	s14 =	sshrl.u32 s13, $0x1;
	s12 =	smov.u32 @p0 s4;
	s29 =	smul.u32 $0x2780, s11  }
0xf: {  	s16 =	sor.u32 $0x1C03, s16;
	s9 =	sadd.s32 s10, s9;
	s11 =	smul.u32 $0x500, s11  }
0x10: {  	s13 =	ssub.s32 s13, s14;
	s30 =	sshrl.u32 s15, $0x2;
	s14 =	simm.s32 $0x7C00  }
0x11: {  	s15 =	simm.s32 $0x1400;
	s9 =	sshrl.u32 s9, $0x3;
	s17 =	sadd.s32 s30, s1  }
0x12: {  	s10 =	sshrl.u32 s29, $0x3;
	s9 =	sadd.s32 s9, s5;
	s17 =	sshrl.u32 s17, $0x3  }
0x13: {  	s5 =	sadd.s32 s6, s10;
	s6 =	sadd.s32 s7, s11;
	s8 =	sadd.s32 $0x50800, s9  }
0x14: {  	s9 =	smax.u32 s13, $0x1;
	s10 =	sadd.s32 s12, s31;
	s11 =	simm.s32 $0x3  }
0x15: {  	s12 =	simm.s32 $0x80;
	s13 =	simm.s32 $0x3C00;
	s7 =	sadd.s32 $0x280, s5  }
.LBB2_1:
0x16: {  	[tilespmem:s3], [sflag:$0x3] =	stream.linear.gather [hbm4b:s5+s3], $0x1400, $0x38;
	[tilespmem:$0x1F880] =	vst v63  }
0x17: {  	_ =	swait.ge [sflag:s11], $0x1400  }
0x18: {  	[sflag:s11] =	ssyncset.done $0x0  }
0x19: {  	[sflag:s11] =	ssyncadd.s32 $0xFFFFEC00  }
0x1a: {  	[tilespmem:s13], [sflag:$0x1] =	stream.indirect.gather [hbm4b:s4+s12], $0x80, s3, s12, $0xb8;
	[tilespmem:$0x1F880] =	vst v63  }
0x1b: {  	_ = 	snop  }
0x1c: {  	[tilespmem:s14], [sflag:$0x2] =	stream.indirect.gather [hbm4b:s4+s12], $0x80, s12, s12, $0xb8;
	[tilespmem:$0x1F880] =	vst v63  }
0x1d: {  	_ = 	snop  }
0x1e: {  	[tilespmem:s15], [sflag:$0x3] =	stream.linear.gather [hbm4b:s6+s3], $0x2780, $0x38;
	[tilespmem:$0x1F880] =	vst v63  }
0x1f: {  	_ =	swait.ge [sflag:s11], $0x2780  }
0x20: {  	[sflag:s11] =	ssyncset.done $0x0  }
0x21: {  	[sflag:s11] =	ssyncadd.s32 $0xFFFFD880  }
0x22: {  	[spmem:s17], [sflag:s16] =	dma.local [hbm:s10], $0x2800  }
0x23: {  	_ =	swait.ge [sflag:s11], $0x2800  }
0x24: {  	[sflag:s11] =	ssyncset.done $0x0  }
0x25: {  	[sflag:s11] =	ssyncadd.s32 $0xFFFFD800  }
0x26: {  	[bflag:$0x0] =	sbarrier.arrive $0xFFFF  }
0x27: {  	_ =	swait.ge [sflag:s18], $0x4000  }
0x28: {  	[sflag:s18] =	ssyncset.done $0x0  }
0x29: {  	s28 =	simm.s32 $0x1400;
	[sflag:s18] =	ssyncadd.s32 $0xFFFFC000  }
0x2a: {  	[spmem:s1] =	stream.indirect.scatter.add.f32 [tilespmem:s13], [sflag:$0x3], $0x80, s28, s12, $0xb8;
	[tilespmem:$0x1F880] =	vst v63  }
0x2b: {  	_ =	swait.ge [sflag:s11], $0x4000  }
0x2c: {  	[sflag:s11] =	ssyncset.done $0x0  }
0x2d: {  	s28 =	simm.s32 $0x100;
	[sflag:s11] =	ssyncadd.s32 $0xFFFFC000  }
0x2e: {  	[tilespmem:s13], [sflag:$0x1] =	stream.indirect.gather [hbm4b:s4+s12], $0x80, s28, s12, $0xb8;
	[tilespmem:$0x1F880] =	vst v63  }
0x2f: {  	_ =	swait.ge [sflag:s19], $0x4000  }
0x30: {  	[sflag:s19] =	ssyncset.done $0x0  }
0x31: {  	s28 =	simm.s32 $0x1480;
	[sflag:s19] =	ssyncadd.s32 $0xFFFFC000  }
0x32: {  	[spmem:s1] =	stream.indirect.scatter.add.f32 [tilespmem:s14], [sflag:$0x3], $0x80, s28, s12, $0xb8;
	[tilespmem:$0x1F880] =	vst v63  }
0x33: {  	_ =	swait.ge [sflag:s11], $0x4000  }
0x34: {  	[sflag:s11] =	ssyncset.done $0x0  }
0x35: {  	s29 =	simm.s32 $0x180;
	s28 =	simm.s32 $0x400;
	[sflag:s11] =	ssyncadd.s32 $0xFFFFC000  }
.LBB2_2:
0x36: {  	[tilespmem:s14], [sflag:$0x2] =	stream.indirect.gather [hbm4b:s4+s12], $0x80, s29, s12, $0xb8;
	[tilespmem:$0x1F880] =	vst v63  }
0x37: {  	s29 =	smov.u32 s28  }
0x38: {  	p0 =	sne.s32 s28, $0x4800;
	s28 =	sadd.s32 $0x400, s28;
	_ =	swait.ge [sflag:s18], $0x4000  }
0x39: {  	s29 =	sshra.s32 s29, $0x2;
	[sflag:s18] =	ssyncset.done $0x0  }
0x3a: {  	s30 =	sadd.s32 $0x1400, s29;
	[sflag:s18] =	ssyncadd.s32 $0xFFFFC000  }
0x3b: {  	[spmem:s1] =	stream.indirect.scatter.add.f32 [tilespmem:s13], [sflag:$0x3], $0x80, s30, s12, $0xb8;
	[tilespmem:$0x1F880] =	vst v63  }
0x3c: {  	_ =	swait.ge [sflag:s11], $0x4000  }
0x3d: {  	[sflag:s11] =	ssyncset.done $0x0  }
0x3e: {  	s30 =	sadd.s32 $0x100, s29;
	[sflag:s11] =	ssyncadd.s32 $0xFFFFC000  }
0x3f: {  	[tilespmem:s13], [sflag:$0x1] =	stream.indirect.gather [hbm4b:s4+s12], $0x80, s30, s12, $0xb8;
	[tilespmem:$0x1F880] =	vst v63  }
0x40: {  	_ =	swait.ge [sflag:s19], $0x4000  }
0x41: {  	[sflag:s19] =	ssyncset.done $0x0  }
.Ltmp0:
0x42: {  	s30 =	sadd.s32 $0x1480, s29;
	[sflag:s19] =	ssyncadd.s32 $0xFFFFC000;
	(pc) =	sbr.rel @p0 .LBB2_2-.Ltmp0, $4  }
0x43: {  	[spmem:s1] =	stream.indirect.scatter.add.f32 [tilespmem:s14], [sflag:$0x3], $0x80, s30, s12, $0xb8;
	[tilespmem:$0x1F880] =	vst v63  }
0x44: {  	_ =	swait.ge [sflag:s11], $0x4000  }
0x45: {  	[sflag:s11] =	ssyncset.done $0x0  }
0x46: {  	s29 =	sadd.s32 $0x180, s29;
	[sflag:s11] =	ssyncadd.s32 $0xFFFFC000  }
0x47: {  	[tilespmem:s14], [sflag:$0x2] =	stream.indirect.gather [hbm4b:s4+s12], $0x80, s29, s12, $0xb8;
	[tilespmem:$0x1F880] =	vst v63  }
0x48: {  	_ =	swait.ge [sflag:s18], $0x4000  }
0x49: {  	[sflag:s18] =	ssyncset.done $0x0  }
0x4a: {  	[sflag:s18] =	ssyncadd.s32 $0xFFFFC000  }
0x4b: {  	[spmem:s1] =	stream.indirect.scatter.add.f32 [tilespmem:s13], [sflag:$0x3], $0x80, s20, s12, $0xb8;
	[tilespmem:$0x1F880] =	vst v63  }
0x4c: {  	_ =	swait.ge [sflag:s11], $0x4000  }
0x4d: {  	[sflag:s11] =	ssyncset.done $0x0  }
0x4e: {  	[sflag:s11] =	ssyncadd.s32 $0xFFFFC000  }
0x4f: {  	_ =	swait.ge [sflag:s19], $0x4000  }
0x50: {  	[sflag:s19] =	ssyncset.done $0x0  }
0x51: {  	[sflag:s19] =	ssyncadd.s32 $0xFFFFC000  }
0x52: {  	[spmem:s1] =	stream.indirect.scatter.add.f32 [tilespmem:s14], [sflag:$0x3], $0x80, s21, s12, $0xb8;
	[tilespmem:$0x1F880] =	vst v63  }
0x53: {  	_ =	swait.ge [sflag:s11], $0x4000  }
0x54: {  	[sflag:s11] =	ssyncset.done $0x0  }
0x55: {  	[sflag:s11] =	ssyncadd.s32 $0xFFFFC000  }
0x56: {  	[tilespmem:s3], [sflag:$0x3] =	stream.linear.gather [hbm4b:s7+s3], $0x1380, $0x38;
	[tilespmem:$0x1F880] =	vst v63  }
0x57: {  	_ =	swait.ge [sflag:s11], $0x1380  }
0x58: {  	[sflag:s11] =	ssyncset.done $0x0  }
0x59: {  	[sflag:s11] =	ssyncadd.s32 $0xFFFFEC80  }
0x5a: {  	[tilespmem:s13], [sflag:$0x1] =	stream.indirect.gather [hbm4b:s4+s12], $0x80, s3, s12, $0xb8;
	[tilespmem:$0x1F880] =	vst v63  }
0x5b: {  	_ = 	snop  }
0x5c: {  	[tilespmem:s14], [sflag:$0x2] =	stream.indirect.gather [hbm4b:s4+s12], $0x80, s12, s12, $0xb8;
	[tilespmem:$0x1F880] =	vst v63  }
0x5d: {  	_ =	swait.ge [sflag:s18], $0x4000  }
0x5e: {  	[sflag:s18] =	ssyncset.done $0x0  }
0x5f: {  	s28 =	simm.s32 $0x2800;
	[sflag:s18] =	ssyncadd.s32 $0xFFFFC000  }
0x60: {  	[spmem:s1] =	stream.indirect.scatter.add.f32 [tilespmem:s13], [sflag:$0x3], $0x80, s28, s12, $0xb8;
	[tilespmem:$0x1F880] =	vst v63  }
0x61: {  	_ =	swait.ge [sflag:s11], $0x4000  }
0x62: {  	[sflag:s11] =	ssyncset.done $0x0  }
0x63: {  	s28 =	simm.s32 $0x100;
	[sflag:s11] =	ssyncadd.s32 $0xFFFFC000  }
0x64: {  	[tilespmem:s13], [sflag:$0x1] =	stream.indirect.gather [hbm4b:s4+s12], $0x80, s28, s12, $0xb8;
	[tilespmem:$0x1F880] =	vst v63  }
0x65: {  	_ =	swait.ge [sflag:s19], $0x4000  }
0x66: {  	[sflag:s19] =	ssyncset.done $0x0  }
0x67: {  	s28 =	simm.s32 $0x2880;
	[sflag:s19] =	ssyncadd.s32 $0xFFFFC000  }
0x68: {  	[spmem:s1] =	stream.indirect.scatter.add.f32 [tilespmem:s14], [sflag:$0x3], $0x80, s28, s12, $0xb8;
	[tilespmem:$0x1F880] =	vst v63  }
0x69: {  	_ =	swait.ge [sflag:s11], $0x4000  }
0x6a: {  	[sflag:s11] =	ssyncset.done $0x0  }
0x6b: {  	s29 =	simm.s32 $0x180;
	s28 =	simm.s32 $0xFFFFBC00;
	[sflag:s11] =	ssyncadd.s32 $0xFFFFC000  }
.LBB2_4:
0x6c: {  	[tilespmem:s14], [sflag:$0x2] =	stream.indirect.gather [hbm4b:s4+s12], $0x80, s29, s12, $0xb8;
	[tilespmem:$0x1F880] =	vst v63  }
0x6d: {  	s29 =	smov.u32 s28  }
0x6e: {  	p0 =	sne.s32 s28, $0xFFFFFC00;
	s28 =	sadd.s32 $0x400, s28;
	_ =	swait.ge [sflag:s18], $0x4000  }
0x6f: {  	s29 =	sshra.s32 s29, $0x2;
	[sflag:s18] =	ssyncset.done $0x0  }
0x70: {  	s30 =	sadd.s32 $0x3A00, s29;
	[sflag:s18] =	ssyncadd.s32 $0xFFFFC000  }
0x71: {  	[spmem:s1] =	stream.indirect.scatter.add.f32 [tilespmem:s13], [sflag:$0x3], $0x80, s30, s12, $0xb8;
	[tilespmem:$0x1F880] =	vst v63  }
0x72: {  	_ =	swait.ge [sflag:s11], $0x4000  }
0x73: {  	[sflag:s11] =	ssyncset.done $0x0  }
0x74: {  	s30 =	sadd.s32 $0x1300, s29;
	[sflag:s11] =	ssyncadd.s32 $0xFFFFC000  }
0x75: {  	[tilespmem:s13], [sflag:$0x1] =	stream.indirect.gather [hbm4b:s4+s12], $0x80, s30, s12, $0xb8;
	[tilespmem:$0x1F880] =	vst v63  }
0x76: {  	_ =	swait.ge [sflag:s19], $0x4000  }
0x77: {  	[sflag:s19] =	ssyncset.done $0x0  }
.Ltmp1:
0x78: {  	s30 =	sadd.s32 $0x3A80, s29;
	[sflag:s19] =	ssyncadd.s32 $0xFFFFC000;
	(pc) =	sbr.rel @p0 .LBB2_4-.Ltmp1, $4  }
0x79: {  	[spmem:s1] =	stream.indirect.scatter.add.f32 [tilespmem:s14], [sflag:$0x3], $0x80, s30, s12, $0xb8;
	[tilespmem:$0x1F880] =	vst v63  }
0x7a: {  	_ =	swait.ge [sflag:s11], $0x4000  }
0x7b: {  	[sflag:s11] =	ssyncset.done $0x0  }
0x7c: {  	s29 =	sadd.s32 $0x1380, s29;
	[sflag:s11] =	ssyncadd.s32 $0xFFFFC000  }
0x7d: {  	[tilespmem:s14], [sflag:$0x2] =	stream.indirect.gather [hbm4b:s4+s12], $0x80, s29, s12, $0xb8;
	[tilespmem:$0x1F880] =	vst v63  }
0x7e: {  	_ =	swait.ge [sflag:s18], $0x4000  }
0x7f: {  	[sflag:s18] =	ssyncset.done $0x0  }
0x80: {  	[sflag:s18] =	ssyncadd.s32 $0xFFFFC000  }
0x81: {  	[spmem:s1] =	stream.indirect.scatter.add.f32 [tilespmem:s13], [sflag:$0x3], $0x80, s22, s12, $0xb8;
	[tilespmem:$0x1F880] =	vst v63  }
0x82: {  	_ =	swait.ge [sflag:s11], $0x4000  }
0x83: {  	[sflag:s11] =	ssyncset.done $0x0  }
0x84: {  	[sflag:s11] =	ssyncadd.s32 $0xFFFFC000  }
0x85: {  	[tilespmem:s13], [sflag:$0x1] =	stream.indirect.gather [hbm4b:s4+s12], $0x80, s23, s12, $0xb8;
	[tilespmem:$0x1F880] =	vst v63  }
0x86: {  	_ =	swait.ge [sflag:s19], $0x4000  }
0x87: {  	[sflag:s19] =	ssyncset.done $0x0  }
0x88: {  	[sflag:s19] =	ssyncadd.s32 $0xFFFFC000  }
0x89: {  	[spmem:s1] =	stream.indirect.scatter.add.f32 [tilespmem:s14], [sflag:$0x3], $0x80, s24, s12, $0xb8;
	[tilespmem:$0x1F880] =	vst v63  }
0x8a: {  	_ =	swait.ge [sflag:s11], $0x4000  }
0x8b: {  	[sflag:s11] =	ssyncset.done $0x0  }
0x8c: {  	[sflag:s11] =	ssyncadd.s32 $0xFFFFC000  }
0x8d: {  	_ =	swait.ge [sflag:s18], $0x4000  }
0x8e: {  	[sflag:s18] =	ssyncset.done $0x0  }
0x8f: {  	[sflag:s18] =	ssyncadd.s32 $0xFFFFC000  }
0x90: {  	[spmem:s1] =	stream.indirect.scatter.add.f32 [tilespmem:s13], [sflag:$0x3], $0x80, s25, s12, $0xb8;
	[tilespmem:$0x1F880] =	vst v63  }
0x91: {  	_ =	swait.ge [sflag:s11], $0x4000  }
0x92: {  	s26 =	sadd.s32 $0x1, s26;
	[sflag:s11] =	ssyncset.done $0x0  }
0x93: {  	p0 =	sne.s32 s26, s9;
	[sflag:s11] =	ssyncadd.s32 $0xFFFFC000  }
.Ltmp2:
0x94: {  	[bflag:$0x0] =	sbarrier.arrive $0xFFFF;
	(pc) =	sbr.rel @p0 .LBB2_1-.Ltmp2, $4  }
0x95: {  	[hbm:s8], [sflag:s16] =	dma.local [spmem:s17], $0x2800  }
0x96: {  	_ =	swait.ge [sflag:s11], $0x2800  }
0x97: {  	[sflag:s11] =	ssyncset.done $0x0  }
0x98: {  	[sflag:s11] =	ssyncadd.s32 $0xFFFFD800  }
0x99: {  	_ =	sfence.sel $0x180000  }
0x9a: {  	[bflag:$0x0] =	sbarrier.arrive $0xFFFF  }
0x9b: {  	p0 =	sne.s32 s2, $0x0;
	_ =	strace $0x9000004A  }
0x9c: {  	s0 =	sadd.s32 @!p0 $0x100000, s0;
	[bflag:$0x2] =	sbarrier.arrive $0xFFFF  }
0x9d: {  	[sflag:s0] =	ssyncadd.tile.s32 @!p0 $0x1;
	_ =	shalt  }
.Lfunc_end2:
_tile_overlayer_lowered:
.L_overlay_start_2:
0x9e: {  	(tag) =	ssettag $0x2  }
0x9f: {  	s0 =	rddreg [dreg:$0x0];
	s2 =	stileid.u32  }
0xa0: {  	s1 =	rddreg [dreg:$0x1];
	p0 =	sne.s32 s2, $0x0  }
0xa1: {  	s3 =	rddreg [dreg:$0x2];
	[bflag:$0x3] =	sbarrier.arrive $0xFFFF;
	s2 =	simm.s32 @!p0 $0x1C03  }
0xa2: {  	[timem:s3], [sflag:s2] =	dma.local @!p0 [hbm:s0], s1  }
0xa3: {  	s0 =	simm.s32 @!p0 $0x3  }
0xa4: {  	_ =	swait.ge @!p0 [sflag:s0], s1  }
0xa5: {  	s1 =	ssub.s32 @!p0 $0x0, s1;
	[sflag:s0] =	ssyncset.done @!p0 $0x0  }
0xa6: {  	[sflag:s0] =	ssyncadd.s32 @!p0 s1  }
0xa7: {  	[bflag:$0x3] =	sbarrier.arrive $0xFFFF  }
0xa8: {  	_ =	shalt  }

// kernel: kernel.14.cloned.1.call-start
scs
__scs_entry_jumppad:
0x0: {  	(pc) =	sbr.rel $0x88, $3  }
0x1: {  	(tag) =	ssettag $0x0;
	lr =	simm.s32 $0x1  }
0x2: {  	[smem:$0x3F98] =	sst lr;
	_ =	strace $0xD0000000  }
0x3: {  	_ = 	snop  }
0x4: {  	_ = 	snop  }
0x5: {  	_ = 	snop  }
0x6: {  	_ = 	snop  }
0x7: {  	_ = 	snop  }
__scs_overlays_trampoline_lowered:
0x8: {  	[smem:$0x3FA7] =	sst s0  }
0x9: {  	[smem:$0x3FA8] =	sst s1  }
0xa: {  	[smem:$0x3FA9] =	sst s2  }
0xb: {  	[smem:$0x3FAA] =	sst s3  }
0xc: {  	[smem:$0x3FAB] =	sst s4  }
0xd: {  	[smem:$0x3FAC] =	sst s5  }
0xe: {  	[smem:$0x3FAD] =	sst s6  }
0xf: {  	[smem:$0x3FAE] =	sst s7  }
0x10: {  	[smem:$0x3FAF] =	sst s8  }
0x11: {  	[smem:$0x3FB0] =	sst s9;
	s0 =	simm.s32 @!p0 $0x0  }
0x12: {  	s1 =	sld [smem:$0x3F96];
	s0 =	simm.s32 @p0 $0x1  }
0x13: {  	[smem:$0x3FB1] =	sst s0;
	s0 =	simm.s32 @!p1 $0x0  }
0x14: {  	s2 =	sld [smem:$0x3F95];
	s0 =	simm.s32 @p1 $0x1  }
0x15: {  	[smem:$0x3FB2] =	sst s0;
	s0 =	simm.s32 @!p2 $0x0  }
0x16: {  	s3 =	sld [smem:$0x3FDB];
	s0 =	simm.s32 @p2 $0x1  }
0x17: {  	s4 =	simm.s32 $0x1BF5;
	[smem:$0x3FB4] =	sst s0  }
0x18: {  	s0 =	sld [smem:$0x3F97];
	_ =	swait.ge [sflag:s4], $0x0  }
0x19: {  	s7 =	sld [smem:$0x3F98]  }
0x1a: {  	s8 =	sadd.s32 $0xFFFFE003, lr  }
0x1b: {  	s9 =	sadd.s32 $0xFFFFFEF7, lr;
	s5 =	simm.s32 $0xFFFFFFFF;
	p2 =	slt.u32 s8, $0xFFFFF086  }
0x1c: {  	p1 =	slt.u32 s9, $0xF7A;
	s5 =	simm.s32 @!p2 $0x0  }
0x1d: {  	s5 =	simm.s32 @p1 $0x1;
	p0 =	seq.s32 s7, s2  }
0x1e: {  	s7 =	smul.u32 @!p0 $0xF7A, s2;
	p2 =	seq.s32 @!p0 s5, $0x0  }
0x1f: {  	s9 =	smul.u32 $0xF7A, s1;
	s8 =	simm.s32 @!p0 $0x1BF5;
	p2 =	por !p2, p0  }
0x20: {  	[sflag:s8] =	ssyncset.s32 @!p0 $0xFFFFF086;
	s6 =	sadd.s32 @!p0 s3, s7;
	s7 =	simm.s32 @!p0 $0x108  }
0x21: {  	s3 =	sadd.s32 s3, s9;
	s6 =	sadd.s32 @!p0 $0x88, s6;
	s7 =	simm.s32 @p2 $0x1082  }
0x22: {  	[simem:s7], [sflag:s8] =	dma.local @!p0 [hbm:s6], $0xF7A  }
0x23: {  	s9 =	sor.u32 $0xD0000000, s2;
	s6 =	simm.s32 $0x108;
	_ =	swait.ge @!p0 [sflag:s8], $0x0  }
0x24: {  	s3 =	sadd.s32 $0x88, s3;
	s6 =	simm.s32 @!p1 $0x1082;
	[sflag:s4] =	ssyncset.s32 $0xFFFFF086  }
0x25: {  	[simem:s6], [sflag:s4] =	dma.local [hbm:s3], $0xF7A  }
0x26: {  	[smem:$0x3F98] =	sst s1;
	(tag) =	ssettag s2;
	_ =	strace s9  }
0x27: {  	s1 =	sld [smem:$0x3FA8]  }
0x28: {  	s2 =	sld [smem:$0x3FA9]  }
0x29: {  	s4 =	sld [smem:$0x3FAB]  }
0x2a: {  	p0 =	seq.s32 s5, $0x0;
	s5 =	sld [smem:$0x3FAC]  }
0x2b: {  	s6 =	sld [smem:$0x3FAD]  }
0x2c: {  	s7 =	sld [smem:$0x3FAE]  }
0x2d: {  	s3 =	simm.s32 $0x108;
	s8 =	sld [smem:$0x3FAF]  }
0x2e: {  	s3 =	simm.s32 @!p0 $0x1082;
	s9 =	sld [smem:$0x3FB0]  }
0x2f: {  	lr =	sadd.s32 s0, s3;
	s0 =	sld [smem:$0x3FA7]  }
0x30: {  	s3 =	sld [smem:$0x3FAA]  }
0x31: {  	[smem:$0x3FB3] =	sst s10  }
0x32: {  	s10 =	sld [smem:$0x3FB1];
	_ =	sdelay $0x3  }
0x33: {  	p0 =	seq.s32 s10, $0x1;
	s10 =	sld [smem:$0x3FB3];
	_ =	sdelay $0x3  }
0x34: {  	[smem:$0x3FB3] =	sst s10  }
0x35: {  	s10 =	sld [smem:$0x3FB2];
	_ =	sdelay $0x3  }
0x36: {  	p1 =	seq.s32 s10, $0x1;
	s10 =	sld [smem:$0x3FB3];
	_ =	sdelay $0x3  }
0x37: {  	[smem:$0x3FB3] =	sst s10  }
0x38: {  	s10 =	sld [smem:$0x3FB4]  }
0x39: {  	_ = 	snop;
	(pc) =	sbr.ind lr, $3  }
0x3a: {  	_ = 	snop  }
0x3b: {  	_ = 	snop  }
0x3c: {  	p2 =	seq.s32 s10, $0x1;
	s10 =	sld [smem:$0x3FB3]  }
0x3d: {  	_ =	shalt  }
0x3e: {  	_ =	shalt  }
0x3f: {  	_ =	shalt  }
0x40: {  	_ =	shalt  }
0x41: {  	_ =	shalt  }
0x42: {  	_ =	shalt  }
0x43: {  	_ =	shalt  }
0x44: {  	_ =	shalt  }
0x45: {  	_ =	shalt  }
0x46: {  	_ =	shalt  }
0x47: {  	_ =	shalt  }
0x48: {  	_ =	shalt  }
0x49: {  	_ =	shalt  }
0x4a: {  	_ =	shalt  }
0x4b: {  	_ =	shalt  }
0x4c: {  	_ =	shalt  }
0x4d: {  	_ =	shalt  }
0x4e: {  	_ =	shalt  }
0x4f: {  	_ =	shalt  }
0x50: {  	_ =	shalt  }
0x51: {  	_ =	shalt  }
0x52: {  	_ =	shalt  }
0x53: {  	_ =	shalt  }
0x54: {  	_ =	shalt  }
0x55: {  	_ =	shalt  }
0x56: {  	_ =	shalt  }
0x57: {  	_ =	shalt  }
0x58: {  	_ =	shalt  }
0x59: {  	_ =	shalt  }
0x5a: {  	_ =	shalt  }
0x5b: {  	_ =	shalt  }
0x5c: {  	_ =	shalt  }
0x5d: {  	_ =	shalt  }
0x5e: {  	_ =	shalt  }
0x5f: {  	_ =	shalt  }
0x60: {  	_ =	shalt  }
0x61: {  	_ =	shalt  }
0x62: {  	_ =	shalt  }
0x63: {  	_ =	shalt  }
0x64: {  	_ =	shalt  }
0x65: {  	_ =	shalt  }
0x66: {  	_ =	shalt  }
0x67: {  	_ =	shalt  }
0x68: {  	_ =	shalt  }
0x69: {  	_ =	shalt  }
0x6a: {  	_ =	shalt  }
0x6b: {  	_ =	shalt  }
0x6c: {  	_ =	shalt  }
0x6d: {  	_ =	shalt  }
0x6e: {  	_ =	shalt  }
0x6f: {  	_ =	shalt  }
0x70: {  	_ =	shalt  }
0x71: {  	_ =	shalt  }
0x72: {  	_ =	shalt  }
0x73: {  	_ =	shalt  }
0x74: {  	_ =	shalt  }
0x75: {  	_ =	shalt  }
0x76: {  	_ =	shalt  }
0x77: {  	_ =	shalt  }
0x78: {  	_ =	shalt  }
0x79: {  	_ =	shalt  }
0x7a: {  	_ =	shalt  }
0x7b: {  	_ =	shalt  }
0x7c: {  	_ =	shalt  }
0x7d: {  	_ =	shalt  }
0x7e: {  	_ =	shalt  }
0x7f: {  	_ =	shalt  }
0x80: {  	_ =	shalt  }
0x81: {  	_ =	shalt  }
0x82: {  	_ =	shalt  }
0x83: {  	_ =	shalt  }
0x84: {  	_ =	shalt  }
0x85: {  	_ =	shalt  }
0x86: {  	_ =	shalt  }
0x87: {  	_ =	shalt  }
.Lfunc_end0:
.L_simem_size_0:
called_computation.2_lowered:
.L_overlay_start_0:
0x88: {  	s2 =	sld [smem:$0x3FD9]  }
0x89: {  	s3 =	sld [smem:$0x3FFE];
	_ =	sdelay $0x1  }
0x8a: {  	s1 =	srdreg.scid  }
0x8b: {  	s0 =	sand.u32 $0x1, s1  }
0x8c: {  	s14 =	sshll.u32 s0, $0xA;
	s2 =	sadd.s32 s3, s2  }
0x8d: {  	s2 =	sadd.s32 s2, s14  }
0x8e: {  	[smem:$0x3FBF] =	sst s2  }
0x8f: {  	_ = 	snop  }
0x90: {  	s2 =	sld [smem:$0x3FD0];
	_ =	sdelay $0x2  }
0x91: {  	s15 =	simm.s32 $0xA;
	s4 =	simm.s32 $0x10  }
0x92: {  	[smem:s4], [sflag:s15] =	dma.local [hbm:s2], $0x1  }
0x93: {  	_ =	swait.eq [sflag:s15], $0x1  }
0x94: {  	[sflag:s15] =	ssyncset.done $0x0  }
0x95: {  	s16 =	sld [smem:$0x10];
	[sflag:s15] =	ssyncadd.s32 $0xFFFFFFFF  }
0x96: {  	s17 =	sld [smem:$0x11];
	(tm) =	ssettm $0x1  }
0x97: {  	s18 =	sld [smem:$0x3FFB];
	_ =	sdelay $0x3  }
0x98: {  	_ =	strace s18  }
0x99: {  	s4 =	sld [smem:$0x3FFC];
	_ =	sdelay $0x3  }
0x9a: {  	_ =	strace s4  }
0x9b: {  	s4 =	sld [smem:$0x3FFD];
	_ =	sdelay $0x3  }
0x9c: {  	_ =	strace s4  }
0x9d: {  	_ =	strace $0x8FFFFFFF  }
0x9e: {  	s19 =	sld [smem:$0x3FDB];
	_ =	sdelay $0x1  }
0x9f: {  	s5 =	simm.s32 $_scs_section_size  }
0xa0: {  	s6 =	simm.s32 $_size__tile_overlayer_lowered;
	s7 =	simm.s32 $_tile_overlayer_lowered  }
0xa1: {  	s22 =	simm.s32 $0x1BFF;
	s21 =	sshll.u32 s7, $0x1;
	s4 =	sadd.s32 s5, s19  }
0xa2: {  	s8 =	simm.s32 $0x0;
	s20 =	sshll.u32 s6, $0x1;
	s6 =	sadd.s32 s21, s4  }
0xa3: {  	[timem:s8], [sflag:s22] =	dma.local [hbm:s6], s20  }
0xa4: {  	_ =	swait.ge [sflag:s22], s20  }
0xa5: {  	s5 =	ssub.s32 $0x0, s20;
	[sflag:s22] =	ssyncset.done $0x0  }
0xa6: {  	[sflag:s22] =	ssyncadd.s32 s5;
	_ =	sdelay $0x1  }
0xa7: {  	s23 =	simm.s32 $0x1B8B  }
0xa8: {  	_ =	swait.ge [sflag:s23], $0x1  }
0xa9: {  	[sflag:s23] =	ssyncset.done $0x0  }
0xaa: {  	s25 =	simm.s32 $0x1B8E;
	s24 =	sld [smem:$0x3FFE];
	[sflag:s23] =	ssyncadd.s32 $0xFFFFFFFF  }
0xab: {  	s26 =	simm.s32 $execute0_lowered;
	[smem:$0x3FD2] =	sst s25  }
0xac: {  	s6 =	sshll.u32 s26, $0x1;
	_ =	strace $0x8000004C;
	[dreg:$0x1] =	wrdreg $0xFFFFFFFF  }
0xad: {  	s28 =	simm.s32 $_size_execute0_lowered;
	s4 =	sadd.s32 s4, s6;
	[dreg:$0x0] =	wrdreg $0x0  }
0xae: {  	s6 =	sshll.u32 s28, $0x1;
	[dreg:$0x2] =	wrdreg s4  }
0xaf: {  	[dreg:$0x3] =	wrdreg s6  }
0xb0: {  	[dreg:$0x4] =	wrdreg $0xC0  }
0xb1: {  	_ =	task [dreg:s8], $0x5FFFF  }
0xb2: {  	[dreg:$0x1] =	wrdreg $0xFFFFFFFF  }
0xb3: {  	[dreg:$0x0] =	wrdreg $0x60  }
0xb4: {  	[dreg:$0x2] =	wrdreg s24  }
0xb5: {  	[dreg:$0x3] =	wrdreg s16  }
0xb6: {  	[dreg:$0x4] =	wrdreg s17  }
0xb7: {  	[dreg:$0x5] =	wrdreg $0xBC000  }
0xb8: {  	[dreg:$0x6] =	wrdreg $0x9  }
0xb9: {  	_ =	task.clear_ibuf [dreg:s8], $0x7FFFF;
	_ =	strace $0x9000004C  }
0xba: {  	s29 =	simm.s32 $0x9;
	_ =	strace $0x8000004E  }
0xbb: {  	_ =	swait.ge [sflag:s29], $0x1  }
0xbc: {  	[sflag:s29] =	ssyncadd.s32 $0xFFFFFFFF  }
0xbd: {  	_ =	strace $0x9000004E  }
0xbe: {  	_ =	sfence  }
0xbf: {  	s30 =	sld [smem:$0x0];
	_ =	sdelay $0x2  }
0xc0: {  	s31 =	sshll.u32 s1, $0xD;
	s1 =	sshrl.u32 s1, $0x2  }
0xc1: {  	s3 =	sand.u32 $0x4000, s31;
	s1 =	sadd.s32 s1, s30  }
0xc2: {  	s0 =	sor.u32 s3, s0;
	s1 =	sshll.u32 s1, $0x11  }
0xc3: {  	s0 =	sor.u32 s1, s0  }
0xc4: {  	s0 =	sadd.s32 $0x8F2B, s0  }
0xc5: {  	[sflag:s0] =	ssyncadd.remote.s32 $0x1  }
0xc6: {  	_ =	sfence.sel $0xFFFF  }
0xc7: {  	[dreg:$0x0] =	wrdreg $0xFFFFFFFF;
	(pc) =	sbr.abs _section_cstart, $3  }
0xc8: {  	[dreg:$0x1] =	wrdreg $0xFFFFFFFF  }
0xc9: {  	_ =	task.clear_ibuf [dreg:s8], $0x2FFFF;
	_ =	strace $0x9FFFFFFF  }
0xca: {  	(tm) =	ssettm $0x7FFFFFFF  }
0xcb: {  	_ =	shalt  }
tec
execute0_lowered:
.L_overlay_start_1:
0x0: {  	(tag) =	ssettag $0x1  }
0x1: {  	s5 =	rddreg [dreg:$0x0]  }
0x2: {  	s6 =	rddreg [dreg:$0x1]  }
0x3: {  	s7 =	rddreg [dreg:$0x2]  }
0x4: {  	s1 =	rddreg [dreg:$0x3]  }
0x5: {  	s2 =	srdreg.scid;
	s0 =	rddreg [dreg:$0x4];
	s3 =	simm.s32 $0x0  }
0x6: {  	s18 =	simm.s32 $0x1;
	s19 =	simm.s32 $0x2;
	s20 =	simm.s32 $0x2700  }
0x7: {  	s21 =	simm.s32 $0x2780;
	s22 =	simm.s32 $0x3A00;
	s23 =	simm.s32 $0x1300  }
0x8: {  	s24 =	simm.s32 $0x3A80;
	s25 =	simm.s32 $0x3B00;
	s26 =	simm.s32 $0x0  }
0x9: {  	s8 =	sand.u32 $0x1, s2;
	s2 =	stileid.u32;
	[smem:$0x7FF] =	sst s3  }
0xa: {  	s4 =	sadd.s32 $0x2400, s5;
	s12 =	sadd.s32 $0x29600, s5;
	s9 =	smul.u32 $0x138800, s8  }
0xb: {  	s10 =	smul.u32 $0x13800, s2;
	s11 =	sshll.u32 s8, $0x4;
	_ =	strace $0x8000004D  }
0xc: {  	s13 =	ssub.s32 $0x2, s8;
	s15 =	smul.u32 $0x4E000, s2;
	p0 =	seq.s32 s8, $0x0  }
0xd: {  	s31 =	smul.u32 $0x2700, s2;
	s16 =	sshll.u32 s2, $0x6;
	s11 =	sor.u32 s2, s11  }
0xe: {  	s14 =	sshrl.u32 s13, $0x1;
	s12 =	smov.u32 @p0 s4;
	s29 =	smul.u32 $0x2780, s11  }
0xf: {  	s16 =	sor.u32 $0x1C03, s16;
	s9 =	sadd.s32 s10, s9;
	s11 =	smul.u32 $0x500, s11  }
0x10: {  	s13 =	ssub.s32 s13, s14;
	s30 =	sshrl.u32 s15, $0x2;
	s14 =	simm.s32 $0x7C00  }
0x11: {  	s15 =	simm.s32 $0x1400;
	s9 =	sshrl.u32 s9, $0x3;
	s17 =	sadd.s32 s30, s1  }
0x12: {  	s10 =	sshrl.u32 s29, $0x3;
	s9 =	sadd.s32 s9, s5;
	s17 =	sshrl.u32 s17, $0x3  }
0x13: {  	s5 =	sadd.s32 s6, s10;
	s6 =	sadd.s32 s7, s11;
	s8 =	sadd.s32 $0x50800, s9  }
0x14: {  	s9 =	smax.u32 s13, $0x1;
	s10 =	sadd.s32 s12, s31;
	s11 =	simm.s32 $0x3  }
0x15: {  	s12 =	simm.s32 $0x80;
	s13 =	simm.s32 $0x3C00;
	s7 =	sadd.s32 $0x280, s5  }
.LBB2_1:
0x16: {  	[tilespmem:s3], [sflag:$0x3] =	stream.linear.gather [hbm4b:s5+s3], $0x1400, $0x38;
	[tilespmem:$0x1F880] =	vst v63  }
0x17: {  	_ =	swait.ge [sflag:s11], $0x1400  }
0x18: {  	[sflag:s11] =	ssyncset.done $0x0  }
0x19: {  	[sflag:s11] =	ssyncadd.s32 $0xFFFFEC00  }
0x1a: {  	[tilespmem:s13], [sflag:$0x1] =	stream.indirect.gather [hbm4b:s4+s12], $0x80, s3, s12, $0xb8;
	[tilespmem:$0x1F880] =	vst v63  }
0x1b: {  	_ = 	snop  }
0x1c: {  	[tilespmem:s14], [sflag:$0x2] =	stream.indirect.gather [hbm4b:s4+s12], $0x80, s12, s12, $0xb8;
	[tilespmem:$0x1F880] =	vst v63  }
0x1d: {  	_ = 	snop  }
0x1e: {  	[tilespmem:s15], [sflag:$0x3] =	stream.linear.gather [hbm4b:s6+s3], $0x2780, $0x38;
	[tilespmem:$0x1F880] =	vst v63  }
0x1f: {  	_ =	swait.ge [sflag:s11], $0x2780  }
0x20: {  	[sflag:s11] =	ssyncset.done $0x0  }
0x21: {  	[sflag:s11] =	ssyncadd.s32 $0xFFFFD880  }
0x22: {  	[spmem:s17], [sflag:s16] =	dma.local [hbm:s10], $0x2800  }
0x23: {  	_ =	swait.ge [sflag:s11], $0x2800  }
0x24: {  	[sflag:s11] =	ssyncset.done $0x0  }
0x25: {  	[sflag:s11] =	ssyncadd.s32 $0xFFFFD800  }
0x26: {  	[bflag:$0x0] =	sbarrier.arrive $0xFFFF  }
0x27: {  	_ =	swait.ge [sflag:s18], $0x4000  }
0x28: {  	[sflag:s18] =	ssyncset.done $0x0  }
0x29: {  	s28 =	simm.s32 $0x1400;
	[sflag:s18] =	ssyncadd.s32 $0xFFFFC000  }
0x2a: {  	[spmem:s1] =	stream.indirect.scatter.add.f32 [tilespmem:s13], [sflag:$0x3], $0x80, s28, s12, $0xb8;
	[tilespmem:$0x1F880] =	vst v63  }
0x2b: {  	_ =	swait.ge [sflag:s11], $0x4000  }
0x2c: {  	[sflag:s11] =	ssyncset.done $0x0  }
0x2d: {  	s28 =	simm.s32 $0x100;
	[sflag:s11] =	ssyncadd.s32 $0xFFFFC000  }
0x2e: {  	[tilespmem:s13], [sflag:$0x1] =	stream.indirect.gather [hbm4b:s4+s12], $0x80, s28, s12, $0xb8;
	[tilespmem:$0x1F880] =	vst v63  }
0x2f: {  	_ =	swait.ge [sflag:s19], $0x4000  }
0x30: {  	[sflag:s19] =	ssyncset.done $0x0  }
0x31: {  	s28 =	simm.s32 $0x1480;
	[sflag:s19] =	ssyncadd.s32 $0xFFFFC000  }
0x32: {  	[spmem:s1] =	stream.indirect.scatter.add.f32 [tilespmem:s14], [sflag:$0x3], $0x80, s28, s12, $0xb8;
	[tilespmem:$0x1F880] =	vst v63  }
0x33: {  	_ =	swait.ge [sflag:s11], $0x4000  }
0x34: {  	[sflag:s11] =	ssyncset.done $0x0  }
0x35: {  	s29 =	simm.s32 $0x180;
	s28 =	simm.s32 $0x400;
	[sflag:s11] =	ssyncadd.s32 $0xFFFFC000  }
.LBB2_2:
0x36: {  	[tilespmem:s14], [sflag:$0x2] =	stream.indirect.gather [hbm4b:s4+s12], $0x80, s29, s12, $0xb8;
	[tilespmem:$0x1F880] =	vst v63  }
0x37: {  	s29 =	smov.u32 s28  }
0x38: {  	p0 =	sne.s32 s28, $0x4800;
	s28 =	sadd.s32 $0x400, s28;
	_ =	swait.ge [sflag:s18], $0x4000  }
0x39: {  	s29 =	sshra.s32 s29, $0x2;
	[sflag:s18] =	ssyncset.done $0x0  }
0x3a: {  	s30 =	sadd.s32 $0x1400, s29;
	[sflag:s18] =	ssyncadd.s32 $0xFFFFC000  }
0x3b: {  	[spmem:s1] =	stream.indirect.scatter.add.f32 [tilespmem:s13], [sflag:$0x3], $0x80, s30, s12, $0xb8;
	[tilespmem:$0x1F880] =	vst v63  }
0x3c: {  	_ =	swait.ge [sflag:s11], $0x4000  }
0x3d: {  	[sflag:s11] =	ssyncset.done $0x0  }
0x3e: {  	s30 =	sadd.s32 $0x100, s29;
	[sflag:s11] =	ssyncadd.s32 $0xFFFFC000  }
0x3f: {  	[tilespmem:s13], [sflag:$0x1] =	stream.indirect.gather [hbm4b:s4+s12], $0x80, s30, s12, $0xb8;
	[tilespmem:$0x1F880] =	vst v63  }
0x40: {  	_ =	swait.ge [sflag:s19], $0x4000  }
0x41: {  	[sflag:s19] =	ssyncset.done $0x0  }
.Ltmp0:
0x42: {  	s30 =	sadd.s32 $0x1480, s29;
	[sflag:s19] =	ssyncadd.s32 $0xFFFFC000;
	(pc) =	sbr.rel @p0 .LBB2_2-.Ltmp0, $4  }
0x43: {  	[spmem:s1] =	stream.indirect.scatter.add.f32 [tilespmem:s14], [sflag:$0x3], $0x80, s30, s12, $0xb8;
	[tilespmem:$0x1F880] =	vst v63  }
0x44: {  	_ =	swait.ge [sflag:s11], $0x4000  }
0x45: {  	[sflag:s11] =	ssyncset.done $0x0  }
0x46: {  	s29 =	sadd.s32 $0x180, s29;
	[sflag:s11] =	ssyncadd.s32 $0xFFFFC000  }
0x47: {  	[tilespmem:s14], [sflag:$0x2] =	stream.indirect.gather [hbm4b:s4+s12], $0x80, s29, s12, $0xb8;
	[tilespmem:$0x1F880] =	vst v63  }
0x48: {  	_ =	swait.ge [sflag:s18], $0x4000  }
0x49: {  	[sflag:s18] =	ssyncset.done $0x0  }
0x4a: {  	[sflag:s18] =	ssyncadd.s32 $0xFFFFC000  }
0x4b: {  	[spmem:s1] =	stream.indirect.scatter.add.f32 [tilespmem:s13], [sflag:$0x3], $0x80, s20, s12, $0xb8;
	[tilespmem:$0x1F880] =	vst v63  }
0x4c: {  	_ =	swait.ge [sflag:s11], $0x4000  }
0x4d: {  	[sflag:s11] =	ssyncset.done $0x0  }
0x4e: {  	[sflag:s11] =	ssyncadd.s32 $0xFFFFC000  }
0x4f: {  	_ =	swait.ge [sflag:s19], $0x4000  }
0x50: {  	[sflag:s19] =	ssyncset.done $0x0  }
0x51: {  	[sflag:s19] =	ssyncadd.s32 $0xFFFFC000  }
0x52: {  	[spmem:s1] =	stream.indirect.scatter.add.f32 [tilespmem:s14], [sflag:$0x3], $0x80, s21, s12, $0xb8;
	[tilespmem:$0x1F880] =	vst v63  }
0x53: {  	_ =	swait.ge [sflag:s11], $0x4000  }
0x54: {  	[sflag:s11] =	ssyncset.done $0x0  }
0x55: {  	[sflag:s11] =	ssyncadd.s32 $0xFFFFC000  }
0x56: {  	[tilespmem:s3], [sflag:$0x3] =	stream.linear.gather [hbm4b:s7+s3], $0x1380, $0x38;
	[tilespmem:$0x1F880] =	vst v63  }
0x57: {  	_ =	swait.ge [sflag:s11], $0x1380  }
0x58: {  	[sflag:s11] =	ssyncset.done $0x0  }
0x59: {  	[sflag:s11] =	ssyncadd.s32 $0xFFFFEC80  }
0x5a: {  	[tilespmem:s13], [sflag:$0x1] =	stream.indirect.gather [hbm4b:s4+s12], $0x80, s3, s12, $0xb8;
	[tilespmem:$0x1F880] =	vst v63  }
0x5b: {  	_ = 	snop  }
0x5c: {  	[tilespmem:s14], [sflag:$0x2] =	stream.indirect.gather [hbm4b:s4+s12], $0x80, s12, s12, $0xb8;
	[tilespmem:$0x1F880] =	vst v63  }
0x5d: {  	_ =	swait.ge [sflag:s18], $0x4000  }
0x5e: {  	[sflag:s18] =	ssyncset.done $0x0  }
0x5f: {  	s28 =	simm.s32 $0x2800;
	[sflag:s18] =	ssyncadd.s32 $0xFFFFC000  }
0x60: {  	[spmem:s1] =	stream.indirect.scatter.add.f32 [tilespmem:s13], [sflag:$0x3], $0x80, s28, s12, $0xb8;
	[tilespmem:$0x1F880] =	vst v63  }
0x61: {  	_ =	swait.ge [sflag:s11], $0x4000  }
0x62: {  	[sflag:s11] =	ssyncset.done $0x0  }
0x63: {  	s28 =	simm.s32 $0x100;
	[sflag:s11] =	ssyncadd.s32 $0xFFFFC000  }
0x64: {  	[tilespmem:s13], [sflag:$0x1] =	stream.indirect.gather [hbm4b:s4+s12], $0x80, s28, s12, $0xb8;
	[tilespmem:$0x1F880] =	vst v63  }
0x65: {  	_ =	swait.ge [sflag:s19], $0x4000  }
0x66: {  	[sflag:s19] =	ssyncset.done $0x0  }
0x67: {  	s28 =	simm.s32 $0x2880;
	[sflag:s19] =	ssyncadd.s32 $0xFFFFC000  }
0x68: {  	[spmem:s1] =	stream.indirect.scatter.add.f32 [tilespmem:s14], [sflag:$0x3], $0x80, s28, s12, $0xb8;
	[tilespmem:$0x1F880] =	vst v63  }
0x69: {  	_ =	swait.ge [sflag:s11], $0x4000  }
0x6a: {  	[sflag:s11] =	ssyncset.done $0x0  }
0x6b: {  	s29 =	simm.s32 $0x180;
	s28 =	simm.s32 $0xFFFFBC00;
	[sflag:s11] =	ssyncadd.s32 $0xFFFFC000  }
.LBB2_4:
0x6c: {  	[tilespmem:s14], [sflag:$0x2] =	stream.indirect.gather [hbm4b:s4+s12], $0x80, s29, s12, $0xb8;
	[tilespmem:$0x1F880] =	vst v63  }
0x6d: {  	s29 =	smov.u32 s28  }
0x6e: {  	p0 =	sne.s32 s28, $0xFFFFFC00;
	s28 =	sadd.s32 $0x400, s28;
	_ =	swait.ge [sflag:s18], $0x4000  }
0x6f: {  	s29 =	sshra.s32 s29, $0x2;
	[sflag:s18] =	ssyncset.done $0x0  }
0x70: {  	s30 =	sadd.s32 $0x3A00, s29;
	[sflag:s18] =	ssyncadd.s32 $0xFFFFC000  }
0x71: {  	[spmem:s1] =	stream.indirect.scatter.add.f32 [tilespmem:s13], [sflag:$0x3], $0x80, s30, s12, $0xb8;
	[tilespmem:$0x1F880] =	vst v63  }
0x72: {  	_ =	swait.ge [sflag:s11], $0x4000  }
0x73: {  	[sflag:s11] =	ssyncset.done $0x0  }
0x74: {  	s30 =	sadd.s32 $0x1300, s29;
	[sflag:s11] =	ssyncadd.s32 $0xFFFFC000  }
0x75: {  	[tilespmem:s13], [sflag:$0x1] =	stream.indirect.gather [hbm4b:s4+s12], $0x80, s30, s12, $0xb8;
	[tilespmem:$0x1F880] =	vst v63  }
0x76: {  	_ =	swait.ge [sflag:s19], $0x4000  }
0x77: {  	[sflag:s19] =	ssyncset.done $0x0  }
.Ltmp1:
0x78: {  	s30 =	sadd.s32 $0x3A80, s29;
	[sflag:s19] =	ssyncadd.s32 $0xFFFFC000;
	(pc) =	sbr.rel @p0 .LBB2_4-.Ltmp1, $4  }
0x79: {  	[spmem:s1] =	stream.indirect.scatter.add.f32 [tilespmem:s14], [sflag:$0x3], $0x80, s30, s12, $0xb8;
	[tilespmem:$0x1F880] =	vst v63  }
0x7a: {  	_ =	swait.ge [sflag:s11], $0x4000  }
0x7b: {  	[sflag:s11] =	ssyncset.done $0x0  }
0x7c: {  	s29 =	sadd.s32 $0x1380, s29;
	[sflag:s11] =	ssyncadd.s32 $0xFFFFC000  }
0x7d: {  	[tilespmem:s14], [sflag:$0x2] =	stream.indirect.gather [hbm4b:s4+s12], $0x80, s29, s12, $0xb8;
	[tilespmem:$0x1F880] =	vst v63  }
0x7e: {  	_ =	swait.ge [sflag:s18], $0x4000  }
0x7f: {  	[sflag:s18] =	ssyncset.done $0x0  }
0x80: {  	[sflag:s18] =	ssyncadd.s32 $0xFFFFC000  }
0x81: {  	[spmem:s1] =	stream.indirect.scatter.add.f32 [tilespmem:s13], [sflag:$0x3], $0x80, s22, s12, $0xb8;
	[tilespmem:$0x1F880] =	vst v63  }
0x82: {  	_ =	swait.ge [sflag:s11], $0x4000  }
0x83: {  	[sflag:s11] =	ssyncset.done $0x0  }
0x84: {  	[sflag:s11] =	ssyncadd.s32 $0xFFFFC000  }
0x85: {  	[tilespmem:s13], [sflag:$0x1] =	stream.indirect.gather [hbm4b:s4+s12], $0x80, s23, s12, $0xb8;
	[tilespmem:$0x1F880] =	vst v63  }
0x86: {  	_ =	swait.ge [sflag:s19], $0x4000  }
0x87: {  	[sflag:s19] =	ssyncset.done $0x0  }
0x88: {  	[sflag:s19] =	ssyncadd.s32 $0xFFFFC000  }
0x89: {  	[spmem:s1] =	stream.indirect.scatter.add.f32 [tilespmem:s14], [sflag:$0x3], $0x80, s24, s12, $0xb8;
	[tilespmem:$0x1F880] =	vst v63  }
0x8a: {  	_ =	swait.ge [sflag:s11], $0x4000  }
0x8b: {  	[sflag:s11] =	ssyncset.done $0x0  }
0x8c: {  	[sflag:s11] =	ssyncadd.s32 $0xFFFFC000  }
0x8d: {  	_ =	swait.ge [sflag:s18], $0x4000  }
0x8e: {  	[sflag:s18] =	ssyncset.done $0x0  }
0x8f: {  	[sflag:s18] =	ssyncadd.s32 $0xFFFFC000  }
0x90: {  	[spmem:s1] =	stream.indirect.scatter.add.f32 [tilespmem:s13], [sflag:$0x3], $0x80, s25, s12, $0xb8;
	[tilespmem:$0x1F880] =	vst v63  }
0x91: {  	_ =	swait.ge [sflag:s11], $0x4000  }
0x92: {  	s26 =	sadd.s32 $0x1, s26;
	[sflag:s11] =	ssyncset.done $0x0  }
0x93: {  	p0 =	sne.s32 s26, s9;
	[sflag:s11] =	ssyncadd.s32 $0xFFFFC000  }
.Ltmp2:
0x94: {  	[bflag:$0x0] =	sbarrier.arrive $0xFFFF;
	(pc) =	sbr.rel @p0 .LBB2_1-.Ltmp2, $4  }
0x95: {  	[hbm:s8], [sflag:s16] =	dma.local [spmem:s17], $0x2800  }
0x96: {  	_ =	swait.ge [sflag:s11], $0x2800  }
0x97: {  	[sflag:s11] =	ssyncset.done $0x0  }
0x98: {  	[sflag:s11] =	ssyncadd.s32 $0xFFFFD800  }
0x99: {  	_ =	sfence.sel $0x180000  }
0x9a: {  	[bflag:$0x0] =	sbarrier.arrive $0xFFFF  }
0x9b: {  	p0 =	sne.s32 s2, $0x0;
	_ =	strace $0x9000004D  }
0x9c: {  	s0 =	sadd.s32 @!p0 $0x100000, s0;
	[bflag:$0x2] =	sbarrier.arrive $0xFFFF  }
0x9d: {  	[sflag:s0] =	ssyncadd.tile.s32 @!p0 $0x1;
	_ =	shalt  }
.Lfunc_end2:
_tile_overlayer_lowered:
.L_overlay_start_2:
0x9e: {  	(tag) =	ssettag $0x2  }
0x9f: {  	s0 =	rddreg [dreg:$0x0];
	s2 =	stileid.u32  }
0xa0: {  	s1 =	rddreg [dreg:$0x1];
	p0 =	sne.s32 s2, $0x0  }
0xa1: {  	s3 =	rddreg [dreg:$0x2];
	[bflag:$0x3] =	sbarrier.arrive $0xFFFF;
	s2 =	simm.s32 @!p0 $0x1C03  }
0xa2: {  	[timem:s3], [sflag:s2] =	dma.local @!p0 [hbm:s0], s1  }
0xa3: {  	s0 =	simm.s32 @!p0 $0x3  }
0xa4: {  	_ =	swait.ge @!p0 [sflag:s0], s1  }
0xa5: {  	s1 =	ssub.s32 @!p0 $0x0, s1;
	[sflag:s0] =	ssyncset.done @!p0 $0x0  }
0xa6: {  	[sflag:s0] =	ssyncadd.s32 @!p0 s1  }
0xa7: {  	[bflag:$0x3] =	sbarrier.arrive $0xFFFF  }
0xa8: {  	_ =	shalt  }

// kernel: kernel.8.cloned.1.call-start
scs
__scs_entry_jumppad:
0x0: {  	(pc) =	sbr.rel $0x88, $3  }
0x1: {  	(tag) =	ssettag $0x0;
	lr =	simm.s32 $0x1  }
0x2: {  	[smem:$0x3F98] =	sst lr;
	_ =	strace $0xD0000000  }
0x3: {  	_ = 	snop  }
0x4: {  	_ = 	snop  }
0x5: {  	_ = 	snop  }
0x6: {  	_ = 	snop  }
0x7: {  	_ = 	snop  }
__scs_overlays_trampoline_lowered:
0x8: {  	[smem:$0x3FA7] =	sst s0  }
0x9: {  	[smem:$0x3FA8] =	sst s1  }
0xa: {  	[smem:$0x3FA9] =	sst s2  }
0xb: {  	[smem:$0x3FAA] =	sst s3  }
0xc: {  	[smem:$0x3FAB] =	sst s4  }
0xd: {  	[smem:$0x3FAC] =	sst s5  }
0xe: {  	[smem:$0x3FAD] =	sst s6  }
0xf: {  	[smem:$0x3FAE] =	sst s7  }
0x10: {  	[smem:$0x3FAF] =	sst s8  }
0x11: {  	[smem:$0x3FB0] =	sst s9;
	s0 =	simm.s32 @!p0 $0x0  }
0x12: {  	s1 =	sld [smem:$0x3F96];
	s0 =	simm.s32 @p0 $0x1  }
0x13: {  	[smem:$0x3FB1] =	sst s0;
	s0 =	simm.s32 @!p1 $0x0  }
0x14: {  	s2 =	sld [smem:$0x3F95];
	s0 =	simm.s32 @p1 $0x1  }
0x15: {  	[smem:$0x3FB2] =	sst s0;
	s0 =	simm.s32 @!p2 $0x0  }
0x16: {  	s3 =	sld [smem:$0x3FDB];
	s0 =	simm.s32 @p2 $0x1  }
0x17: {  	s4 =	simm.s32 $0x1BF5;
	[smem:$0x3FB4] =	sst s0  }
0x18: {  	s0 =	sld [smem:$0x3F97];
	_ =	swait.ge [sflag:s4], $0x0  }
0x19: {  	s7 =	sld [smem:$0x3F98]  }
0x1a: {  	s8 =	sadd.s32 $0xFFFFE003, lr  }
0x1b: {  	s9 =	sadd.s32 $0xFFFFFEF7, lr;
	s5 =	simm.s32 $0xFFFFFFFF;
	p2 =	slt.u32 s8, $0xFFFFF086  }
0x1c: {  	p1 =	slt.u32 s9, $0xF7A;
	s5 =	simm.s32 @!p2 $0x0  }
0x1d: {  	s5 =	simm.s32 @p1 $0x1;
	p0 =	seq.s32 s7, s2  }
0x1e: {  	s7 =	smul.u32 @!p0 $0xF7A, s2;
	p2 =	seq.s32 @!p0 s5, $0x0  }
0x1f: {  	s9 =	smul.u32 $0xF7A, s1;
	s8 =	simm.s32 @!p0 $0x1BF5;
	p2 =	por !p2, p0  }
0x20: {  	[sflag:s8] =	ssyncset.s32 @!p0 $0xFFFFF086;
	s6 =	sadd.s32 @!p0 s3, s7;
	s7 =	simm.s32 @!p0 $0x108  }
0x21: {  	s3 =	sadd.s32 s3, s9;
	s6 =	sadd.s32 @!p0 $0x88, s6;
	s7 =	simm.s32 @p2 $0x1082  }
0x22: {  	[simem:s7], [sflag:s8] =	dma.local @!p0 [hbm:s6], $0xF7A  }
0x23: {  	s9 =	sor.u32 $0xD0000000, s2;
	s6 =	simm.s32 $0x108;
	_ =	swait.ge @!p0 [sflag:s8], $0x0  }
0x24: {  	s3 =	sadd.s32 $0x88, s3;
	s6 =	simm.s32 @!p1 $0x1082;
	[sflag:s4] =	ssyncset.s32 $0xFFFFF086  }
0x25: {  	[simem:s6], [sflag:s4] =	dma.local [hbm:s3], $0xF7A  }
0x26: {  	[smem:$0x3F98] =	sst s1;
	(tag) =	ssettag s2;
	_ =	strace s9  }
0x27: {  	s1 =	sld [smem:$0x3FA8]  }
0x28: {  	s2 =	sld [smem:$0x3FA9]  }
0x29: {  	s4 =	sld [smem:$0x3FAB]  }
0x2a: {  	p0 =	seq.s32 s5, $0x0;
	s5 =	sld [smem:$0x3FAC]  }
0x2b: {  	s6 =	sld [smem:$0x3FAD]  }
0x2c: {  	s7 =	sld [smem:$0x3FAE]  }
0x2d: {  	s3 =	simm.s32 $0x108;
	s8 =	sld [smem:$0x3FAF]  }
0x2e: {  	s3 =	simm.s32 @!p0 $0x1082;
	s9 =	sld [smem:$0x3FB0]  }
0x2f: {  	lr =	sadd.s32 s0, s3;
	s0 =	sld [smem:$0x3FA7]  }
0x30: {  	s3 =	sld [smem:$0x3FAA]  }
0x31: {  	[smem:$0x3FB3] =	sst s10  }
0x32: {  	s10 =	sld [smem:$0x3FB1];
	_ =	sdelay $0x3  }
0x33: {  	p0 =	seq.s32 s10, $0x1;
	s10 =	sld [smem:$0x3FB3];
	_ =	sdelay $0x3  }
0x34: {  	[smem:$0x3FB3] =	sst s10  }
0x35: {  	s10 =	sld [smem:$0x3FB2];
	_ =	sdelay $0x3  }
0x36: {  	p1 =	seq.s32 s10, $0x1;
	s10 =	sld [smem:$0x3FB3];
	_ =	sdelay $0x3  }
0x37: {  	[smem:$0x3FB3] =	sst s10  }
0x38: {  	s10 =	sld [smem:$0x3FB4]  }
0x39: {  	_ = 	snop;
	(pc) =	sbr.ind lr, $3  }
0x3a: {  	_ = 	snop  }
0x3b: {  	_ = 	snop  }
0x3c: {  	p2 =	seq.s32 s10, $0x1;
	s10 =	sld [smem:$0x3FB3]  }
0x3d: {  	_ =	shalt  }
0x3e: {  	_ =	shalt  }
0x3f: {  	_ =	shalt  }
0x40: {  	_ =	shalt  }
0x41: {  	_ =	shalt  }
0x42: {  	_ =	shalt  }
0x43: {  	_ =	shalt  }
0x44: {  	_ =	shalt  }
0x45: {  	_ =	shalt  }
0x46: {  	_ =	shalt  }
0x47: {  	_ =	shalt  }
0x48: {  	_ =	shalt  }
0x49: {  	_ =	shalt  }
0x4a: {  	_ =	shalt  }
0x4b: {  	_ =	shalt  }
0x4c: {  	_ =	shalt  }
0x4d: {  	_ =	shalt  }
0x4e: {  	_ =	shalt  }
0x4f: {  	_ =	shalt  }
0x50: {  	_ =	shalt  }
0x51: {  	_ =	shalt  }
0x52: {  	_ =	shalt  }
0x53: {  	_ =	shalt  }
0x54: {  	_ =	shalt  }
0x55: {  	_ =	shalt  }
0x56: {  	_ =	shalt  }
0x57: {  	_ =	shalt  }
0x58: {  	_ =	shalt  }
0x59: {  	_ =	shalt  }
0x5a: {  	_ =	shalt  }
0x5b: {  	_ =	shalt  }
0x5c: {  	_ =	shalt  }
0x5d: {  	_ =	shalt  }
0x5e: {  	_ =	shalt  }
0x5f: {  	_ =	shalt  }
0x60: {  	_ =	shalt  }
0x61: {  	_ =	shalt  }
0x62: {  	_ =	shalt  }
0x63: {  	_ =	shalt  }
0x64: {  	_ =	shalt  }
0x65: {  	_ =	shalt  }
0x66: {  	_ =	shalt  }
0x67: {  	_ =	shalt  }
0x68: {  	_ =	shalt  }
0x69: {  	_ =	shalt  }
0x6a: {  	_ =	shalt  }
0x6b: {  	_ =	shalt  }
0x6c: {  	_ =	shalt  }
0x6d: {  	_ =	shalt  }
0x6e: {  	_ =	shalt  }
0x6f: {  	_ =	shalt  }
0x70: {  	_ =	shalt  }
0x71: {  	_ =	shalt  }
0x72: {  	_ =	shalt  }
0x73: {  	_ =	shalt  }
0x74: {  	_ =	shalt  }
0x75: {  	_ =	shalt  }
0x76: {  	_ =	shalt  }
0x77: {  	_ =	shalt  }
0x78: {  	_ =	shalt  }
0x79: {  	_ =	shalt  }
0x7a: {  	_ =	shalt  }
0x7b: {  	_ =	shalt  }
0x7c: {  	_ =	shalt  }
0x7d: {  	_ =	shalt  }
0x7e: {  	_ =	shalt  }
0x7f: {  	_ =	shalt  }
0x80: {  	_ =	shalt  }
0x81: {  	_ =	shalt  }
0x82: {  	_ =	shalt  }
0x83: {  	_ =	shalt  }
0x84: {  	_ =	shalt  }
0x85: {  	_ =	shalt  }
0x86: {  	_ =	shalt  }
0x87: {  	_ =	shalt  }
.Lfunc_end0:
.L_simem_size_0:
called_computation_lowered:
.L_overlay_start_0:
0x88: {  	s2 =	sld [smem:$0x3FD9]  }
0x89: {  	s3 =	sld [smem:$0x3FFE];
	_ =	sdelay $0x1  }
0x8a: {  	s1 =	srdreg.scid  }
0x8b: {  	s0 =	sand.u32 $0x1, s1  }
0x8c: {  	s14 =	sshll.u32 s0, $0xA;
	s2 =	sadd.s32 s3, s2  }
0x8d: {  	s2 =	sadd.s32 s2, s14  }
0x8e: {  	[smem:$0x3FBF] =	sst s2  }
0x8f: {  	_ = 	snop  }
0x90: {  	s2 =	sld [smem:$0x3FD0];
	_ =	sdelay $0x1  }
0x91: {  	s15 =	sld [smem:$0x3FC9]  }
0x92: {  	s5 =	simm.s32 $0xA;
	s6 =	simm.s32 $0x10;
	s4 =	sld [smem:$0x3FC7]  }
0x93: {  	[smem:s6], [sflag:s5] =	dma.local [hbm:s2], $0x1  }
0x94: {  	_ =	swait.eq [sflag:s5], $0x1  }
0x95: {  	[sflag:s5] =	ssyncset.done $0x0  }
0x96: {  	[sflag:s5] =	ssyncadd.s32 $0xFFFFFFFF  }
0x97: {  	s16 =	sld [smem:$0x11];
	(tm) =	ssettm $0x1  }
0x98: {  	s17 =	sld [smem:$0x3FFB];
	_ =	sdelay $0x3  }
0x99: {  	_ =	strace s17  }
0x9a: {  	s5 =	sld [smem:$0x3FFC];
	_ =	sdelay $0x3  }
0x9b: {  	_ =	strace s5  }
0x9c: {  	s5 =	sld [smem:$0x3FFD];
	_ =	sdelay $0x3  }
0x9d: {  	_ =	strace s5  }
0x9e: {  	_ =	strace $0x8FFFFFFF  }
0x9f: {  	s18 =	sld [smem:$0x3FDB];
	_ =	sdelay $0x1  }
0xa0: {  	s19 =	simm.s32 $_scs_section_size  }
0xa1: {  	s7 =	simm.s32 $_size__tile_overlayer_lowered;
	s8 =	simm.s32 $_tile_overlayer_lowered  }
0xa2: {  	s22 =	simm.s32 $0x1BFF;
	s21 =	sshll.u32 s8, $0x1;
	s5 =	sadd.s32 s19, s18  }
0xa3: {  	s9 =	simm.s32 $0x0;
	s20 =	sshll.u32 s7, $0x1;
	s7 =	sadd.s32 s21, s5  }
0xa4: {  	[timem:s9], [sflag:s22] =	dma.local [hbm:s7], s20  }
0xa5: {  	_ =	swait.ge [sflag:s22], s20  }
0xa6: {  	s6 =	ssub.s32 $0x0, s20;
	[sflag:s22] =	ssyncset.done $0x0  }
0xa7: {  	[sflag:s22] =	ssyncadd.s32 s6;
	_ =	sdelay $0x1  }
0xa8: {  	s23 =	simm.s32 $0x1B8B  }
0xa9: {  	_ =	swait.ge [sflag:s23], $0x1  }
0xaa: {  	[sflag:s23] =	ssyncset.done $0x0  }
0xab: {  	s25 =	simm.s32 $0x1B8E;
	s24 =	sld [smem:$0x3FFE];
	[sflag:s23] =	ssyncadd.s32 $0xFFFFFFFF  }
0xac: {  	s26 =	simm.s32 $execute0_lowered;
	[smem:$0x3FD2] =	sst s25  }
0xad: {  	s7 =	sshll.u32 s26, $0x1;
	_ =	strace $0x80000046;
	[dreg:$0x1] =	wrdreg $0xFFFFFFFF  }
0xae: {  	s28 =	simm.s32 $_size_execute0_lowered;
	s5 =	sadd.s32 s5, s7;
	[dreg:$0x0] =	wrdreg $0x0  }
0xaf: {  	s7 =	sshll.u32 s28, $0x1;
	[dreg:$0x2] =	wrdreg s5  }
0xb0: {  	[dreg:$0x3] =	wrdreg s7  }
0xb1: {  	[dreg:$0x4] =	wrdreg $0xC0  }
0xb2: {  	_ =	task [dreg:s9], $0x5FFFF  }
0xb3: {  	[dreg:$0x1] =	wrdreg $0xFFFFFFFF  }
0xb4: {  	[dreg:$0x0] =	wrdreg $0x60  }
0xb5: {  	[dreg:$0x2] =	wrdreg s16  }
0xb6: {  	[dreg:$0x3] =	wrdreg s15  }
0xb7: {  	[dreg:$0x4] =	wrdreg s4  }
0xb8: {  	[dreg:$0x5] =	wrdreg s24  }
0xb9: {  	[dreg:$0x6] =	wrdreg $0xAD800  }
0xba: {  	[dreg:$0x7] =	wrdreg $0x9  }
0xbb: {  	_ =	task.clear_ibuf [dreg:s9], $0x8FFFF;
	_ =	strace $0x90000046  }
0xbc: {  	s29 =	simm.s32 $0x9;
	_ =	strace $0x80000048  }
0xbd: {  	_ =	swait.ge [sflag:s29], $0x1  }
0xbe: {  	[sflag:s29] =	ssyncadd.s32 $0xFFFFFFFF  }
0xbf: {  	_ =	strace $0x90000048  }
0xc0: {  	_ =	sfence  }
0xc1: {  	s30 =	sld [smem:$0x0];
	_ =	sdelay $0x2  }
0xc2: {  	s31 =	sshll.u32 s1, $0xD;
	s1 =	sshrl.u32 s1, $0x2  }
0xc3: {  	s3 =	sand.u32 $0x4000, s31;
	s1 =	sadd.s32 s1, s30  }
0xc4: {  	s0 =	sor.u32 s3, s0;
	s1 =	sshll.u32 s1, $0x11  }
0xc5: {  	s0 =	sor.u32 s1, s0  }
0xc6: {  	s0 =	sadd.s32 $0x8F2B, s0  }
0xc7: {  	[sflag:s0] =	ssyncadd.remote.s32 $0x1  }
0xc8: {  	_ =	sfence.sel $0xFFFF  }
0xc9: {  	[dreg:$0x0] =	wrdreg $0xFFFFFFFF;
	(pc) =	sbr.abs _section_cstart, $3  }
0xca: {  	[dreg:$0x1] =	wrdreg $0xFFFFFFFF  }
0xcb: {  	_ =	task.clear_ibuf [dreg:s9], $0x2FFFF;
	_ =	strace $0x9FFFFFFF  }
0xcc: {  	(tm) =	ssettm $0x7FFFFFFF  }
0xcd: {  	_ =	shalt  }
tec
execute0_lowered:
.L_overlay_start_1:
0x0: {  	(tag) =	ssettag $0x1  }
0x1: {  	s6 =	rddreg [dreg:$0x0]  }
0x2: {  	s7 =	rddreg [dreg:$0x1]  }
0x3: {  	s1 =	rddreg [dreg:$0x2]  }
0x4: {  	s8 =	rddreg [dreg:$0x3]  }
0x5: {  	s3 =	rddreg [dreg:$0x4];
	s2 =	stileid.u32  }
0x6: {  	s0 =	rddreg [dreg:$0x5];
	s9 =	smul.u32 $0x270, s2  }
0x7: {  	s5 =	srdreg.scid;
	s13 =	smul.u32 $0x4E, s2  }
0x8: {  	s4 =	simm.s32 $0x0;
	s19 =	simm.s32 $0x80;
	s15 =	smul.u32 $0x13800, s2  }
0x9: {  	s20 =	simm.s32 $0x0;
	s16 =	sand.u32 $0x1, s5;
	s29 =	smul.u32 $0x2700, s2  }
0xa: {  	[smem:$0x7FF] =	sst s4;
	s17 =	sadd.s32 $0x3000, s8;
	s10 =	smul.u32 $0x2710, s16  }
0xb: {  	s5 =	sshll.u32 s16, $0x4;
	_ =	strace $0x80000047;
	s12 =	ssub.s32 $0x2, s16  }
0xc: {  	p0 =	sne.s32 s16, $0x0;
	s16 =	simm.s32 $0x2;
	s11 =	sor.u32 s2, s5  }
0xd: {  	s5 =	sadd.s32 $0x2400, s8;
	s28 =	sshrl.u32 s12, $0x1;
	s7 =	sadd.s32 s7, s13  }
0xe: {  	s30 =	sshrl.u32 s15, $0x3;
	s10 =	sadd.s32 s9, s10;
	s11 =	smul.u32 $0x500, s11  }
0xf: {  	s18 =	ssub.s32 s12, s28;
	s31 =	sadd.s32 s17, s30;
	s10 =	sshrl.u32 s10, $0x3  }
0x10: {  	s12 =	sadd.s32 $0x1800, s31;
	s13 =	sadd.s32 $0x2000, s31;
	s15 =	smax.u32 s18, $0x1  }
0x11: {  	s18 =	simm.s32 $0xAB00;
	s14 =	sadd.s32 s10, s8;
	s6 =	sadd.s32 s6, s11  }
0x12: {  	s8 =	sadd.s32 s9, s3;
	s9 =	sadd.s32 s17, s29;
	s10 =	sadd.s32 $0x800, s31  }
0x13: {  	v0 =	vimm.f32 $0.0e+00;
	s11 =	sadd.s32 $0x1000, s31;
	s17 =	simm.s32 $0x2800;
	s14 =	sadd.s32 $0x2600, s14  }
.LBB2_1:
0x14: {  	[tilespmem:s4], [sflag:$0x2] =	stream.linear.gather [hbm4b:s6+s4], $0x2780, $0x38;
	[tilespmem:$0xB000] =	vst v63  }
0x15: {  	_ =	swait.ge [sflag:s16], $0x2780  }
0x16: {  	[sflag:s16] =	ssyncset.done $0x0  }
0x17: {  	[sflag:s16] =	ssyncadd.s32 $0xFFFFD880  }
0x18: {  	[tilespmem:s17], [sflag:$0x2] =	stream.linear.gather [hbm4b:s5+s4], $0x80, $0x38;
	[tilespmem:$0xB000] =	vst v63  }
0x19: {  	_ =	swait.ge [sflag:s16], $0x80  }
0x1a: {  	[sflag:s16] =	ssyncset.done $0x0  }
0x1b: {  	s21 =	simm.s32 @!p0 $0x0;
	s22 =	simm.s32 @!p0 $0x2880;
	[sflag:s16] =	ssyncadd.s32 $0xFFFFFF80  }
0x1c: {  	[tilespmem:s22], [sflag:$0x2] =	stream.linear.gather @!p0 [hbm4b:s7+s21], $0x280, $0x38;
	[tilespmem:$0xB000] =	vst v63  }
0x1d: {  	s21 =	simm.s32 @!p0 $0x2  }
0x1e: {  	_ =	swait.ge @!p0 [sflag:s21], $0x280  }
0x1f: {  	[sflag:s21] =	ssyncset.done @!p0 $0x0  }
0x20: {  	s23 =	simm.s32 @!p0 $0x2B00;
	[sflag:s21] =	ssyncadd.s32 @!p0 $0xFFFFFD80;
	s21 =	simm.s32 @!p0 $0x80  }
0x21: {  	[tilespmem:s23], [sflag:$0x1] =	stream.indirect.gather @!p0 [hbm4b:s1+s21], $0x80, s22, s21, $0xb8;
	[tilespmem:$0xB000] =	vst v63  }
0x22: {  	[tilespmem:$0xAB00] =	vst v0  }
0x23: {  	[tilespmem:$0xAB10] =	vst v0  }
0x24: {  	[tilespmem:$0xAB20] =	vst v0  }
0x25: {  	[tilespmem:$0xAB30] =	vst v0  }
0x26: {  	[tilespmem:$0xAB40] =	vst v0  }
0x27: {  	[tilespmem:$0xAB50] =	vst v0  }
0x28: {  	[tilespmem:$0xAB60] =	vst v0  }
0x29: {  	[tilespmem:$0xAB70] =	vst v0  }
0x2a: {  	[tilespmem:$0xAB80] =	vst v0  }
0x2b: {  	[tilespmem:$0xAB90] =	vst v0  }
0x2c: {  	[tilespmem:$0xABA0] =	vst v0  }
0x2d: {  	[tilespmem:$0xABB0] =	vst v0  }
0x2e: {  	[tilespmem:$0xABC0] =	vst v0  }
0x2f: {  	[tilespmem:$0xABD0] =	vst v0  }
0x30: {  	[tilespmem:$0xABE0] =	vst v0  }
0x31: {  	[tilespmem:$0xABF0] =	vst v0  }
0x32: {  	[tilespmem:$0xAC00] =	vst v0  }
0x33: {  	[tilespmem:$0xAC10] =	vst v0  }
0x34: {  	[tilespmem:$0xAC20] =	vst v0  }
0x35: {  	[tilespmem:$0xAC30] =	vst v0  }
0x36: {  	[tilespmem:$0xAC40] =	vst v0  }
0x37: {  	[tilespmem:$0xAC50] =	vst v0  }
0x38: {  	[tilespmem:$0xAC60] =	vst v0  }
0x39: {  	[tilespmem:$0xAC70] =	vst v0  }
0x3a: {  	[tilespmem:$0xAC80] =	vst v0  }
0x3b: {  	[tilespmem:$0xAC90] =	vst v0  }
0x3c: {  	[tilespmem:$0xACA0] =	vst v0  }
0x3d: {  	[tilespmem:$0xACB0] =	vst v0  }
0x3e: {  	[tilespmem:$0xACC0] =	vst v0  }
0x3f: {  	[tilespmem:$0xACD0] =	vst v0  }
0x40: {  	[tilespmem:$0xACE0] =	vst v0  }
0x41: {  	[tilespmem:$0xACF0] =	vst v0  }
0x42: {  	[tilespmem:$0xAD00] =	vst v0  }
0x43: {  	[tilespmem:$0xAD10] =	vst v0  }
0x44: {  	[tilespmem:$0xAD20] =	vst v0  }
0x45: {  	[tilespmem:$0xAD30] =	vst v0  }
0x46: {  	[tilespmem:$0xAD40] =	vst v0  }
0x47: {  	[tilespmem:$0xAD50] =	vst v0  }
0x48: {  	[tilespmem:$0xAD60] =	vst v0  }
0x49: {  	[tilespmem:$0xAD70] =	vst v0  }
0x4a: {  	[spmem:s8] =	stream.linear.scatter [tilespmem:s18], [sflag:$0x2], $0x280, $0x38;
	[tilespmem:$0xB000] =	vst v63  }
0x4b: {  	_ =	swait.ge [sflag:s16], $0x280  }
0x4c: {  	[sflag:s16] =	ssyncset.done $0x0  }
0x4d: {  	[sflag:s16] =	ssyncadd.s32 $0xFFFFFD80  }
0x4e: {  	s31 =	simm.s32 $0x0;
	[bflag:$0x0] =	sbarrier.arrive $0xFFFF  }
0x4f: {  	[spmem:s3] =	stream.indirect.scatter.add.f32 [tilespmem:s17], [sflag:$0x2], $0x1, s31, s19, $0xb8;
	[tilespmem:$0xB000] =	vst v63  }
0x50: {  	_ =	swait.ge [sflag:s16], $0x80  }
0x51: {  	s21 =	simm.s32 $0x200;
	[sflag:s16] =	ssyncset.done $0x0  }
.LBB2_2:
0x52: {  	s22 =	sshra.s32 s21, $0x2;
	[sflag:s16] =	ssyncadd.s32 $0xFFFFFF80;
	p1 =	sne.s32 s21, $0x9C00  }
0x53: {  	[spmem:s3] =	stream.indirect.scatter.add.f32 [tilespmem:s17], [sflag:$0x2], $0x1, s22, s19, $0xb8;
	[tilespmem:$0xB000] =	vst v63  }
.Ltmp0:
0x54: {  	_ = 	snop;
	(pc) =	sbr.rel @p1 .LBB2_2-.Ltmp0, $4  }
0x55: {  	_ = 	snop  }
0x56: {  	s21 =	sadd.s32 $0x200, s21  }
0x57: {  	_ =	swait.ge [sflag:s16], $0x80  }
0x58: {  	[sflag:s16] =	ssyncset.done $0x0  }
0x59: {  	[sflag:s16] =	ssyncadd.s32 $0xFFFFFF80;
	s21 =	simm.s32 @!p0 $0x1  }
0x5a: {  	_ =	swait.ge @!p0 [sflag:s21], $0x4000  }
0x5b: {  	s22 =	simm.s32 @!p0 $0x80;
	[sflag:s21] =	ssyncset.done @!p0 $0x0  }
0x5c: {  	s23 =	simm.s32 @!p0 $0x2900;
	s24 =	simm.s32 @!p0 $0x6B00;
	[sflag:s21] =	ssyncadd.s32 @!p0 $0xFFFFC000  }
0x5d: {  	[tilespmem:s24], [sflag:$0x1] =	stream.indirect.gather @!p0 [hbm4b:s1+s22], $0x80, s23, s22, $0xb8;
	[tilespmem:$0xB000] =	vst v63  }
0x5e: {  	s25 =	simm.s32 @!p0 $0x2B00;
	s26 =	simm.s32 @!p0 $0x2;
	s23 =	simm.s32 @!p0 $0x0  }
0x5f: {  	[hbm4b:s9+s23] =	stream.linear.scatter @!p0 [tilespmem:s25], [sflag:$0x2], $0x4000, $0x38;
	[tilespmem:$0xB000] =	vst v63  }
0x60: {  	_ =	swait.ge @!p0 [sflag:s26], $0x4000  }
0x61: {  	[sflag:s26] =	ssyncset.done @!p0 $0x0  }
0x62: {  	[sflag:s26] =	ssyncadd.s32 @!p0 $0xFFFFC000  }
0x63: {  	_ =	swait.ge @!p0 [sflag:s21], $0x4000  }
0x64: {  	[sflag:s21] =	ssyncset.done @!p0 $0x0  }
0x65: {  	s28 =	simm.s32 @!p0 $0x2980;
	[sflag:s21] =	ssyncadd.s32 @!p0 $0xFFFFC000  }
0x66: {  	[tilespmem:s25], [sflag:$0x1] =	stream.indirect.gather @!p0 [hbm4b:s1+s22], $0x80, s28, s22, $0xb8;
	[tilespmem:$0xB000] =	vst v63  }
0x67: {  	_ = 	snop  }
0x68: {  	[hbm4b:s10+s23] =	stream.linear.scatter @!p0 [tilespmem:s24], [sflag:$0x2], $0x4000, $0x38;
	[tilespmem:$0xB000] =	vst v63  }
0x69: {  	_ =	swait.ge @!p0 [sflag:s26], $0x4000  }
0x6a: {  	[sflag:s26] =	ssyncset.done @!p0 $0x0  }
0x6b: {  	[sflag:s26] =	ssyncadd.s32 @!p0 $0xFFFFC000  }
0x6c: {  	_ =	swait.ge @!p0 [sflag:s21], $0x4000  }
0x6d: {  	[sflag:s21] =	ssyncset.done @!p0 $0x0  }
0x6e: {  	s28 =	simm.s32 @!p0 $0x2A00;
	[sflag:s21] =	ssyncadd.s32 @!p0 $0xFFFFC000  }
0x6f: {  	[tilespmem:s24], [sflag:$0x1] =	stream.indirect.gather @!p0 [hbm4b:s1+s22], $0x80, s28, s22, $0xb8;
	[tilespmem:$0xB000] =	vst v63  }
0x70: {  	_ = 	snop  }
0x71: {  	[hbm4b:s11+s23] =	stream.linear.scatter @!p0 [tilespmem:s25], [sflag:$0x2], $0x4000, $0x38;
	[tilespmem:$0xB000] =	vst v63  }
0x72: {  	_ =	swait.ge @!p0 [sflag:s26], $0x4000  }
0x73: {  	[sflag:s26] =	ssyncset.done @!p0 $0x0  }
0x74: {  	[sflag:s26] =	ssyncadd.s32 @!p0 $0xFFFFC000  }
0x75: {  	_ =	swait.ge @!p0 [sflag:s21], $0x4000  }
0x76: {  	[sflag:s21] =	ssyncset.done @!p0 $0x0  }
0x77: {  	s28 =	simm.s32 @!p0 $0x2A80;
	[sflag:s21] =	ssyncadd.s32 @!p0 $0xFFFFC000  }
0x78: {  	[tilespmem:s25], [sflag:$0x1] =	stream.indirect.gather @!p0 [hbm4b:s1+s22], $0x80, s28, s22, $0xb8;
	[tilespmem:$0xB000] =	vst v63  }
0x79: {  	_ = 	snop  }
0x7a: {  	[hbm4b:s12+s23] =	stream.linear.scatter @!p0 [tilespmem:s24], [sflag:$0x2], $0x4000, $0x38;
	[tilespmem:$0xB000] =	vst v63  }
0x7b: {  	_ =	swait.ge @!p0 [sflag:s26], $0x4000  }
0x7c: {  	[sflag:s26] =	ssyncset.done @!p0 $0x0  }
0x7d: {  	[sflag:s26] =	ssyncadd.s32 @!p0 $0xFFFFC000  }
0x7e: {  	_ =	swait.ge @!p0 [sflag:s21], $0x4000  }
0x7f: {  	[sflag:s21] =	ssyncset.done @!p0 $0x0  }
0x80: {  	[sflag:s21] =	ssyncadd.s32 @!p0 $0xFFFFC000  }
0x81: {  	[hbm4b:s13+s23] =	stream.linear.scatter @!p0 [tilespmem:s25], [sflag:$0x2], $0x4000, $0x38;
	[tilespmem:$0xB000] =	vst v63  }
0x82: {  	_ =	swait.ge @!p0 [sflag:s26], $0x4000  }
0x83: {  	[sflag:s26] =	ssyncset.done @!p0 $0x0  }
0x84: {  	[sflag:s26] =	ssyncadd.s32 @!p0 $0xFFFFC000  }
0x85: {  	[bflag:$0x0] =	sbarrier.arrive $0xFFFF  }
0x86: {  	[tilespmem:s18], [sflag:$0x2] =	stream.linear.gather [spmem:s8], $0x280, $0x38;
	[tilespmem:$0xB000] =	vst v63  }
0x87: {  	s20 =	sadd.s32 $0x1, s20;
	_ =	swait.ge [sflag:s16], $0x280  }
0x88: {  	p1 =	sne.s32 s20, s15;
	[sflag:s16] =	ssyncset.done $0x0  }
.Ltmp1:
0x89: {  	[sflag:s16] =	ssyncadd.s32 $0xFFFFFD80;
	(pc) =	sbr.rel @p1 .LBB2_1-.Ltmp1, $4  }
0x8a: {  	[hbm4b:s14+s4] =	stream.linear.scatter [tilespmem:s18], [sflag:$0x2], $0x280, $0x38;
	[tilespmem:$0xB000] =	vst v63  }
0x8b: {  	_ =	swait.ge [sflag:s16], $0x280  }
0x8c: {  	[sflag:s16] =	ssyncset.done $0x0  }
0x8d: {  	[sflag:s16] =	ssyncadd.s32 $0xFFFFFD80  }
0x8e: {  	_ =	sfence.sel $0x180000  }
0x8f: {  	[bflag:$0x0] =	sbarrier.arrive $0xFFFF  }
0x90: {  	p0 =	sne.s32 s2, $0x0;
	_ =	strace $0x90000047  }
0x91: {  	s0 =	sadd.s32 @!p0 $0x100000, s0;
	[bflag:$0x2] =	sbarrier.arrive $0xFFFF  }
0x92: {  	[sflag:s0] =	ssyncadd.tile.s32 @!p0 $0x1;
	_ =	shalt  }
.Lfunc_end2:
_tile_overlayer_lowered:
.L_overlay_start_2:
0x93: {  	(tag) =	ssettag $0x2  }
0x94: {  	s0 =	rddreg [dreg:$0x0];
	s2 =	stileid.u32  }
0x95: {  	s1 =	rddreg [dreg:$0x1];
	p0 =	sne.s32 s2, $0x0  }
0x96: {  	s3 =	rddreg [dreg:$0x2];
	[bflag:$0x3] =	sbarrier.arrive $0xFFFF;
	s2 =	simm.s32 @!p0 $0x1C02  }
0x97: {  	[timem:s3], [sflag:s2] =	dma.local @!p0 [hbm:s0], s1  }
0x98: {  	s0 =	simm.s32 @!p0 $0x2  }
0x99: {  	_ =	swait.ge @!p0 [sflag:s0], s1  }
0x9a: {  	s1 =	ssub.s32 @!p0 $0x0, s1;
	[sflag:s0] =	ssyncset.done @!p0 $0x0  }
0x9b: {  	[sflag:s0] =	ssyncadd.s32 @!p0 s1  }
0x9c: {  	[bflag:$0x3] =	sbarrier.arrive $0xFFFF  }
0x9d: {  	_ =	shalt  }

</sc_bundles>
